<compile_context>
chip_gen: v7x
topology: tpu7x:2x2x1
jax: 0.10.2.dev20260603
libtpu: 0.0.44.dev20260713+nightly
codegen_flags: <defaults>
</compile_context>

<pallas_src>
import functools

import jax
import jax.numpy as jnp
from jax import lax
from jax.experimental import pallas as pl
from jax.experimental.pallas import tpu as pltpu
from jax.experimental.pallas import tpu_sc as plsc

N_TASKS = 1000000
B = 16384
D = 64
NC = 2
NS = 16
NW = NC * NS
BPW = B // NW
NG = BPW // 16

_mesh = plsc.VectorSubcoreMesh(core_axis_name="c", subcore_axis_name="s")


@functools.partial(
    pl.kernel,
    out_type=jax.ShapeDtypeStruct((D, B), jnp.float32),
    mesh=_mesh,
    scratch_types=[
        pltpu.VMEM((BPW,), jnp.int32),
        pltpu.VMEM((8, D, 128), jnp.float32),
        pltpu.VMEM((D, BPW), jnp.float32),
        pltpu.SemaphoreType.DMA,
    ],
    compiler_params=pltpu.CompilerParams(needs_layout_passes=False),
)
def _gather_kernel(idx_hbm, table_t_hbm, out_t_hbm, idx_v, slabs_v, oslab_v, sem):
    wid = lax.axis_index("s") * NC + lax.axis_index("c")
    base = wid * BPW
    pltpu.sync_copy(idx_hbm.at[pl.ds(base, BPW)], idx_v)

    iota16 = lax.iota(jnp.int32, 16)
    rows16 = [iota16 + 16 * q for q in range(4)]

    def bank(p):
        return (p % 2) * 4

    def fire(idx16, p):
        copies, lanes = [], []
        for q4 in range(4):
            i = idx16[p * 4 + q4]
            off = pl.multiple_of((i >> 7) * 128, 128)
            lanes.append(i & 127)
            copies.append(
                pltpu.async_copy(
                    table_t_hbm.at[:, pl.ds(off, 128)],
                    slabs_v.at[bank(p) + q4],
                    sem,
                )
            )
        return copies, lanes

    def extract(lanes, p, col0):
        for q4 in range(4):
            lane16 = jnp.broadcast_to(lanes[q4], (16,))
            col = jnp.broadcast_to(col0 + p * 4 + q4, (16,))
            for q in range(4):
                vals = plsc.load_gather(
                    slabs_v.at[bank(p) + q4], [rows16[q], lane16]
                )
                plsc.store_scatter(oslab_v, [rows16[q], col], vals)

    def drain_extract_q3(g_prev):
        idx16p = idx_v[pl.ds(g_prev * 16, 16)]
        lanes = [idx16p[12 + q4] & 127 for q4 in range(4)]
        for q4 in range(4):
            pltpu.make_async_copy(
                table_t_hbm.at[:, pl.ds(0, 128)], slabs_v.at[4 + q4], sem
            ).wait()
        extract(lanes, 3, g_prev * 16)

    def group(g, carry):
        idx16 = idx_v[pl.ds(g * 16, 16)]
        col0 = g * 16
        c0, l0 = fire(idx16, 0)

        @pl.when(g > 0)
        def _():
            drain_extract_q3(g - 1)

        c1, l1 = fire(idx16, 1)
        for c in c0:
            c.wait()
        extract(l0, 0, col0)
        c2, l2 = fire(idx16, 2)
        for c in c1:
            c.wait()
        extract(l1, 1, col0)
        _c3, _l3 = fire(idx16, 3)
        for c in c2:
            c.wait()
        extract(l2, 2, col0)
        return carry

    lax.fori_loop(0, NG, group, 0)
    drain_extract_q3(NG - 1)
    pltpu.sync_copy(oslab_v, out_t_hbm.at[:, pl.ds(base, BPW)])


def kernel(task_id, embedding_weight):
    idx = task_id.astype(jnp.int32)
    out_t = _gather_kernel(idx, embedding_weight.T)
    return out_t.T

# --- scband reference (transcript-rebuilt; emitter-appended) ---
"""Pipeline reference for scband-scene-idbackbone-67654324847523 (READ-ONLY COPY).

The authoritative reference and input builder live on the scoring server;
editing this copy changes nothing except your own understanding.
"""

import jax, jax.numpy as jnp
import numpy as np

N_TASKS = 1000000
HIDDEN_DIM = 64
BATCH = 16384


def setup_inputs(seed: int = 0) -> dict:
    key = jax.random.key(seed)
    k_idx, k_w = jax.random.split(key)
    task_id = jax.random.randint(k_idx, (BATCH,), 0, N_TASKS, dtype=jnp.int64 if jax.config.read('jax_enable_x64') else jnp.int32)
    # xavier_uniform_ init for embedding weight [n_tasks, hidden_dim]
    limit = float(np.sqrt(6.0 / (N_TASKS + HIDDEN_DIM)))
    embedding_weight = jax.random.uniform(k_w, (N_TASKS, HIDDEN_DIM), minval=-limit, maxval=limit, dtype=jnp.float32)
    return {"task_id": task_id, "embedding_weight": embedding_weight}


def reference(task_id, embedding_weight):
    # SceneIDBackbone.forward: h = embedding(task_id) -> [B, hidden_dim]
    # language_instruction is ignored by the module (interface compatibility only).
    return jnp.take(embedding_weight, task_id, axis=0)

if __name__ == "__main__":
    import jax
    _d = setup_inputs()
    print(jax.jit(kernel)(*tuple(_d.values())))

</pallas_src>

<mosaic_0001>
#map = affine_map<(d0, d1) -> (0)>
#map1 = affine_map<(d0, d1) -> (0, 0)>
module attributes {stable_mosaic.version = 14 : i64} {
  func.func @_gather_kernel(%arg0: i32, %arg1: i32, %arg2: memref<16384xi32, #tpu.memory_space<hbm>>, %arg3: memref<64x1000000xf32, #tpu.memory_space<hbm>>, %arg4: memref<64x16384xf32, #tpu.memory_space<hbm>>, %arg5: memref<512xi32, #tpu.memory_space<vmem>>, %arg6: memref<8x64x128xf32, #tpu.memory_space<vmem>>, %arg7: memref<64x512xf32, #tpu.memory_space<vmem>>, %arg8: memref<!tpu.dma_semaphore, #tpu.memory_space<semaphore_mem>>) attributes {dimension_semantics = [#tpu.dimension_semantics<core_parallel>, #tpu.dimension_semantics<subcore_parallel>], iteration_bounds = array<i64: 2, 16>, scalar_prefetch = 0 : i64, scratch_operands = 4 : i64, tpu.core_type = #tpu.core_type<sc_vector_subcore>, window_params = [{transform_indices = #map}, {transform_indices = #map1}, {transform_indices = #map1}]} {
    %mul3A = arith.constant 2 : i32
    %mul3A_0 = arith.muli %arg1, %mul3A : i32
    %add3A = arith.addi %mul3A_0, %arg0 : i32
    %mul3A_1 = arith.constant 512 : i32
    %mul3A_2 = arith.muli %add3A, %mul3A_1 : i32
    "tpu.region"() ({
      %run_scoped3A = tpu.sem_alloc : memref<!tpu.dma_semaphore, #tpu.memory_space<semaphore_mem>>
      %dma_start3A = tpu.memref_slice %arg2[%mul3A_2] : memref<16384xi32, #tpu.memory_space<hbm>> -> memref<512xi32, #tpu.memory_space<hbm>>
      %dma_start3A_199 = tpu.memref_slice %arg2[%mul3A_2] : memref<16384xi32, #tpu.memory_space<hbm>> -> memref<512xi32, #tpu.memory_space<hbm>>
      tpu.enqueue_dma source(%dma_start3A_199 : memref<512xi32, #tpu.memory_space<hbm>>) target(%arg5 : memref<512xi32, #tpu.memory_space<vmem>>) target_semaphore(%run_scoped3A : memref<!tpu.dma_semaphore, #tpu.memory_space<semaphore_mem>>)
      %dma_wait3A_200 = tpu.memref_slice %arg2[%mul3A_2] : memref<16384xi32, #tpu.memory_space<hbm>> -> memref<512xi32, #tpu.memory_space<hbm>>
      %dma_wait3A_201 = tpu.memref_slice %arg2[%mul3A_2] : memref<16384xi32, #tpu.memory_space<hbm>> -> memref<512xi32, #tpu.memory_space<hbm>>
      tpu.wait_dma2 semaphore(%run_scoped3A : memref<!tpu.dma_semaphore, #tpu.memory_space<semaphore_mem>>) src(%dma_wait3A_201 : memref<512xi32, #tpu.memory_space<hbm>>) dst(%arg5 : memref<512xi32, #tpu.memory_space<vmem>>)
      tpu.yield
    }) : () -> ()
    %iota3A = tpu.iota {dimensions = array<i32: 0>} : vector<16xi32>
    %add3A_3 = arith.constant 0 : i32
    %add3A_4 = vector.broadcast %add3A_3 : i32 to vector<16xi32>
    %add3A_5 = arith.addi %iota3A, %add3A_4 : vector<16xi32>
    %add3A_6 = arith.constant 16 : i32
    %add3A_7 = vector.broadcast %add3A_6 : i32 to vector<16xi32>
    %add3A_8 = arith.addi %iota3A, %add3A_7 : vector<16xi32>
    %add3A_9 = arith.constant 32 : i32
    %add3A_10 = vector.broadcast %add3A_9 : i32 to vector<16xi32>
    %add3A_11 = arith.addi %iota3A, %add3A_10 : vector<16xi32>
    %add3A_12 = arith.constant 48 : i32
    %add3A_13 = vector.broadcast %add3A_12 : i32 to vector<16xi32>
    %add3A_14 = arith.addi %iota3A, %add3A_13 : vector<16xi32>
    %scan3A = arith.constant 0 : i32
    %scan3A_15 = arith.constant 0 : i32
    %scan3A_16 = arith.constant 32 : i32
    %scan3A_17 = arith.addi %scan3A_15, %scan3A_16 : i32
    %scan3A_18 = arith.constant 1 : i32
    scf.for %scan3A_199 = %scan3A_15 to %scan3A_17 step %scan3A_18  : i32 {
      %mul3A_200 = arith.constant 16 : i32
      %mul3A_201 = arith.muli %scan3A_199, %mul3A_200 : i32
      %get3A_202 = arith.index_cast %mul3A_201 : i32 to index
      %get3A_203 = tpu.vector_load %arg5[%get3A_202] {strides = array<i32>} : memref<512xi32, #tpu.memory_space<vmem>>, vector<16xi32>,
      %mul3A_204 = arith.constant 16 : i32
      %mul3A_205 = arith.muli %scan3A_199, %mul3A_204 : i32
      %slice3A_206 = vector.extract_strided_slice %get3A_203 {offsets = [0], sizes = [1], strides = [1]} : vector<16xi32> to vector<1xi32>
      %squeeze3A_207 = vector.extract %slice3A_206[0] : i32 from vector<1xi32>
      %shift_right_arithmetic3A = arith.constant 7 : i32
      %shift_right_arithmetic3A_208 = arith.shrsi %squeeze3A_207, %shift_right_arithmetic3A : i32
      %mul3A_209 = arith.constant 128 : i32
      %mul3A_210 = arith.muli %shift_right_arithmetic3A_208, %mul3A_209 : i32
      %multiple_of3A = tpu.assume_multiple %mul3A_210, 128 : i32
      %and3A_211 = arith.constant 127 : i32
      %and3A_212 = arith.andi %squeeze3A_207, %and3A_211 : i32
      %dma_start3A = arith.constant 0 : i32
      %dma_start3A_213 = arith.constant 0 : i32
      %dma_start3A_214 = arith.constant 0 : i32
      %dma_start3A_215 = tpu.memref_slice %arg6[%dma_start3A, %dma_start3A_213, %dma_start3A_214] : memref<8x64x128xf32, #tpu.memory_space<vmem>> -> memref<1x64x128xf32, #tpu.memory_space<vmem>>
      %dma_start3A_216 = tpu.memref_squeeze %dma_start3A_215 : memref<1x64x128xf32, #tpu.memory_space<vmem>> -> memref<64x128xf32, #tpu.memory_space<vmem>>
      %dma_start3A_217 = arith.constant 0 : i32
      %dma_start3A_218 = tpu.memref_slice %arg3[%dma_start3A_217, %multiple_of3A] : memref<64x1000000xf32, #tpu.memory_space<hbm>> -> memref<64x128xf32, #tpu.memory_space<hbm>>
      %dma_start3A_219 = arith.constant 0 : i32
      %dma_start3A_220 = arith.constant 0 : i32
      %dma_start3A_221 = tpu.memref_slice %arg6[%dma_start3A, %dma_start3A_219, %dma_start3A_220] : memref<8x64x128xf32, #tpu.memory_space<vmem>> -> memref<1x64x128xf32, #tpu.memory_space<vmem>>
      %dma_start3A_222 = tpu.memref_squeeze %dma_start3A_221 : memref<1x64x128xf32, #tpu.memory_space<vmem>> -> memref<64x128xf32, #tpu.memory_space<vmem>>
      %dma_start3A_223 = arith.constant 0 : i32
      %dma_start3A_224 = tpu.memref_slice %arg3[%dma_start3A_223, %multiple_of3A] : memref<64x1000000xf32, #tpu.memory_space<hbm>> -> memref<64x128xf32, #tpu.memory_space<hbm>>
      tpu.enqueue_dma source(%dma_start3A_224 : memref<64x128xf32, #tpu.memory_space<hbm>>) target(%dma_start3A_222 : memref<64x128xf32, #tpu.memory_space<vmem>>) target_semaphore(%arg8 : memref<!tpu.dma_semaphore, #tpu.memory_space<semaphore_mem>>)
      %slice3A_225 = vector.extract_strided_slice %get3A_203 {offsets = [1], sizes = [1], strides = [1]} : vector<16xi32> to vector<1xi32>
      %squeeze3A_226 = vector.extract %slice3A_225[0] : i32 from vector<1xi32>
      %shift_right_arithmetic3A_227 = arith.constant 7 : i32
      %shift_right_arithmetic3A_228 = arith.shrsi %squeeze3A_226, %shift_right_arithmetic3A_227 : i32
      %mul3A_229 = arith.constant 128 : i32
      %mul3A_230 = arith.muli %shift_right_arithmetic3A_228, %mul3A_229 : i32
      %multiple_of3A_231 = tpu.assume_multiple %mul3A_230, 128 : i32
      %and3A_232 = arith.constant 127 : i32
      %and3A_233 = arith.andi %squeeze3A_226, %and3A_232 : i32
      %dma_start3A_234 = arith.constant 1 : i32
      %dma_start3A_235 = arith.constant 0 : i32
      %dma_start3A_236 = arith.constant 0 : i32
      %dma_start3A_237 = tpu.memref_slice %arg6[%dma_start3A_234, %dma_start3A_235, %dma_start3A_236] : memref<8x64x128xf32, #tpu.memory_space<vmem>> -> memref<1x64x128xf32, #tpu.memory_space<vmem>>
      %dma_start3A_238 = tpu.memref_squeeze %dma_start3A_237 : memref<1x64x128xf32, #tpu.memory_space<vmem>> -> memref<64x128xf32, #tpu.memory_space<vmem>>
      %dma_start3A_239 = arith.constant 0 : i32
      %dma_start3A_240 = tpu.memref_slice %arg3[%dma_start3A_239, %multiple_of3A_231] : memref<64x1000000xf32, #tpu.memory_space<hbm>> -> memref<64x128xf32, #tpu.memory_space<hbm>>
      %dma_start3A_241 = arith.constant 0 : i32
      %dma_start3A_242 = arith.constant 0 : i32
      %dma_start3A_243 = tpu.memref_slice %arg6[%dma_start3A_234, %dma_start3A_241, %dma_start3A_242] : memref<8x64x128xf32, #tpu.memory_space<vmem>> -> memref<1x64x128xf32, #tpu.memory_space<vmem>>
      %dma_start3A_244 = tpu.memref_squeeze %dma_start3A_243 : memref<1x64x128xf32, #tpu.memory_space<vmem>> -> memref<64x128xf32, #tpu.memory_space<vmem>>
      %dma_start3A_245 = arith.constant 0 : i32
      %dma_start3A_246 = tpu.memref_slice %arg3[%dma_start3A_245, %multiple_of3A_231] : memref<64x1000000xf32, #tpu.memory_space<hbm>> -> memref<64x128xf32, #tpu.memory_space<hbm>>
      tpu.enqueue_dma source(%dma_start3A_246 : memref<64x128xf32, #tpu.memory_space<hbm>>) target(%dma_start3A_244 : memref<64x128xf32, #tpu.memory_space<vmem>>) target_semaphore(%arg8 : memref<!tpu.dma_semaphore, #tpu.memory_space<semaphore_mem>>)
      %slice3A_247 = vector.extract_strided_slice %get3A_203 {offsets = [2], sizes = [1], strides = [1]} : vector<16xi32> to vector<1xi32>
      %squeeze3A_248 = vector.extract %slice3A_247[0] : i32 from vector<1xi32>
      %shift_right_arithmetic3A_249 = arith.constant 7 : i32
      %shift_right_arithmetic3A_250 = arith.shrsi %squeeze3A_248, %shift_right_arithmetic3A_249 : i32
      %mul3A_251 = arith.constant 128 : i32
      %mul3A_252 = arith.muli %shift_right_arithmetic3A_250, %mul3A_251 : i32
      %multiple_of3A_253 = tpu.assume_multiple %mul3A_252, 128 : i32
      %and3A_254 = arith.constant 127 : i32
      %and3A_255 = arith.andi %squeeze3A_248, %and3A_254 : i32
      %dma_start3A_256 = arith.constant 2 : i32
      %dma_start3A_257 = arith.constant 0 : i32
      %dma_start3A_258 = arith.constant 0 : i32
      %dma_start3A_259 = tpu.memref_slice %arg6[%dma_start3A_256, %dma_start3A_257, %dma_start3A_258] : memref<8x64x128xf32, #tpu.memory_space<vmem>> -> memref<1x64x128xf32, #tpu.memory_space<vmem>>
      %dma_start3A_260 = tpu.memref_squeeze %dma_start3A_259 : memref<1x64x128xf32, #tpu.memory_space<vmem>> -> memref<64x128xf32, #tpu.memory_space<vmem>>
      %dma_start3A_261 = arith.constant 0 : i32
      %dma_start3A_262 = tpu.memref_slice %arg3[%dma_start3A_261, %multiple_of3A_253] : memref<64x1000000xf32, #tpu.memory_space<hbm>> -> memref<64x128xf32, #tpu.memory_space<hbm>>
      %dma_start3A_263 = arith.constant 0 : i32
      %dma_start3A_264 = arith.constant 0 : i32
      %dma_start3A_265 = tpu.memref_slice %arg6[%dma_start3A_256, %dma_start3A_263, %dma_start3A_264] : memref<8x64x128xf32, #tpu.memory_space<vmem>> -> memref<1x64x128xf32, #tpu.memory_space<vmem>>
      %dma_start3A_266 = tpu.memref_squeeze %dma_start3A_265 : memref<1x64x128xf32, #tpu.memory_space<vmem>> -> memref<64x128xf32, #tpu.memory_space<vmem>>
      %dma_start3A_267 = arith.constant 0 : i32
      %dma_start3A_268 = tpu.memref_slice %arg3[%dma_start3A_267, %multiple_of3A_253] : memref<64x1000000xf32, #tpu.memory_space<hbm>> -> memref<64x128xf32, #tpu.memory_space<hbm>>
      tpu.enqueue_dma source(%dma_start3A_268 : memref<64x128xf32, #tpu.memory_space<hbm>>) target(%dma_start3A_266 : memref<64x128xf32, #tpu.memory_space<vmem>>) target_semaphore(%arg8 : memref<!tpu.dma_semaphore, #tpu.memory_space<semaphore_mem>>)
      %slice3A_269 = vector.extract_strided_slice %get3A_203 {offsets = [3], sizes = [1], strides = [1]} : vector<16xi32> to vector<1xi32>
      %squeeze3A_270 = vector.extract %slice3A_269[0] : i32 from vector<1xi32>
      %shift_right_arithmetic3A_271 = arith.constant 7 : i32
      %shift_right_arithmetic3A_272 = arith.shrsi %squeeze3A_270, %shift_right_arithmetic3A_271 : i32
      %mul3A_273 = arith.constant 128 : i32
      %mul3A_274 = arith.muli %shift_right_arithmetic3A_272, %mul3A_273 : i32
      %multiple_of3A_275 = tpu.assume_multiple %mul3A_274, 128 : i32
      %and3A_276 = arith.constant 127 : i32
      %and3A_277 = arith.andi %squeeze3A_270, %and3A_276 : i32
      %dma_start3A_278 = arith.constant 3 : i32
      %dma_start3A_279 = arith.constant 0 : i32
      %dma_start3A_280 = arith.constant 0 : i32
      %dma_start3A_281 = tpu.memref_slice %arg6[%dma_start3A_278, %dma_start3A_279, %dma_start3A_280] : memref<8x64x128xf32, #tpu.memory_space<vmem>> -> memref<1x64x128xf32, #tpu.memory_space<vmem>>
      %dma_start3A_282 = tpu.memref_squeeze %dma_start3A_281 : memref<1x64x128xf32, #tpu.memory_space<vmem>> -> memref<64x128xf32, #tpu.memory_space<vmem>>
      %dma_start3A_283 = arith.constant 0 : i32
      %dma_start3A_284 = tpu.memref_slice %arg3[%dma_start3A_283, %multiple_of3A_275] : memref<64x1000000xf32, #tpu.memory_space<hbm>> -> memref<64x128xf32, #tpu.memory_space<hbm>>
      %dma_start3A_285 = arith.constant 0 : i32
      %dma_start3A_286 = arith.constant 0 : i32
      %dma_start3A_287 = tpu.memref_slice %arg6[%dma_start3A_278, %dma_start3A_285, %dma_start3A_286] : memref<8x64x128xf32, #tpu.memory_space<vmem>> -> memref<1x64x128xf32, #tpu.memory_space<vmem>>
      %dma_start3A_288 = tpu.memref_squeeze %dma_start3A_287 : memref<1x64x128xf32, #tpu.memory_space<vmem>> -> memref<64x128xf32, #tpu.memory_space<vmem>>
      %dma_start3A_289 = arith.constant 0 : i32
      %dma_start3A_290 = tpu.memref_slice %arg3[%dma_start3A_289, %multiple_of3A_275] : memref<64x1000000xf32, #tpu.memory_space<hbm>> -> memref<64x128xf32, #tpu.memory_space<hbm>>
      tpu.enqueue_dma source(%dma_start3A_290 : memref<64x128xf32, #tpu.memory_space<hbm>>) target(%dma_start3A_288 : memref<64x128xf32, #tpu.memory_space<vmem>>) target_semaphore(%arg8 : memref<!tpu.dma_semaphore, #tpu.memory_space<semaphore_mem>>)
      %gt3A = arith.constant 0 : i32
      %gt3A_291 = arith.cmpi sgt, %scan3A_199, %gt3A : i32
      %convert_element_type3A = arith.extui %gt3A_291 : i1 to i32
      %cond3A = arith.constant 0 : i32
      %cond3A_292 = arith.cmpi ne, %convert_element_type3A, %cond3A : i32
      scf.if %cond3A_292 {
        %sub3A = arith.constant 1 : i32
        %sub3A_1073 = arith.subi %scan3A_199, %sub3A : i32
        %mul3A_1074 = arith.constant 16 : i32
        %mul3A_1075 = arith.muli %sub3A_1073, %mul3A_1074 : i32
        %get3A_1076 = arith.index_cast %mul3A_1075 : i32 to index
        %get3A_1077 = tpu.vector_load %arg5[%get3A_1076] {strides = array<i32>} : memref<512xi32, #tpu.memory_space<vmem>>, vector<16xi32>,
        %slice3A_1078 = vector.extract_strided_slice %get3A_1077 {offsets = [12], sizes = [1], strides = [1]} : vector<16xi32> to vector<1xi32>
        %squeeze3A_1079 = vector.extract %slice3A_1078[0] : i32 from vector<1xi32>
        %and3A_1080 = arith.constant 127 : i32
        %and3A_1081 = arith.andi %squeeze3A_1079, %and3A_1080 : i32
        %slice3A_1082 = vector.extract_strided_slice %get3A_1077 {offsets = [13], sizes = [1], strides = [1]} : vector<16xi32> to vector<1xi32>
        %squeeze3A_1083 = vector.extract %slice3A_1082[0] : i32 from vector<1xi32>
        %and3A_1084 = arith.constant 127 : i32
        %and3A_1085 = arith.andi %squeeze3A_1083, %and3A_1084 : i32
        %slice3A_1086 = vector.extract_strided_slice %get3A_1077 {offsets = [14], sizes = [1], strides = [1]} : vector<16xi32> to vector<1xi32>
        %squeeze3A_1087 = vector.extract %slice3A_1086[0] : i32 from vector<1xi32>
        %and3A_1088 = arith.constant 127 : i32
        %and3A_1089 = arith.andi %squeeze3A_1087, %and3A_1088 : i32
        %slice3A_1090 = vector.extract_strided_slice %get3A_1077 {offsets = [15], sizes = [1], strides = [1]} : vector<16xi32> to vector<1xi32>
        %squeeze3A_1091 = vector.extract %slice3A_1090[0] : i32 from vector<1xi32>
        %and3A_1092 = arith.constant 127 : i32
        %and3A_1093 = arith.andi %squeeze3A_1091, %and3A_1092 : i32
        %dma_wait3A_1094 = arith.constant 4 : i32
        %dma_wait3A_1095 = arith.constant 0 : i32
        %dma_wait3A_1096 = arith.constant 0 : i32
        %dma_wait3A_1097 = tpu.memref_slice %arg6[%dma_wait3A_1094, %dma_wait3A_1095, %dma_wait3A_1096] : memref<8x64x128xf32, #tpu.memory_space<vmem>> -> memref<1x64x128xf32, #tpu.memory_space<vmem>>
        %dma_wait3A_1098 = tpu.memref_squeeze %dma_wait3A_1097 : memref<1x64x128xf32, #tpu.memory_space<vmem>> -> memref<64x128xf32, #tpu.memory_space<vmem>>
        %dma_wait3A_1099 = arith.constant 0 : i32
        %dma_wait3A_1100 = arith.constant 0 : i32
        %dma_wait3A_1101 = tpu.memref_slice %arg3[%dma_wait3A_1099, %dma_wait3A_1100] : memref<64x1000000xf32, #tpu.memory_space<hbm>> -> memref<64x128xf32, #tpu.memory_space<hbm>>
        %dma_wait3A_1102 = arith.constant 0 : i32
        %dma_wait3A_1103 = arith.constant 0 : i32
        %dma_wait3A_1104 = tpu.memref_slice %arg6[%dma_wait3A_1094, %dma_wait3A_1102, %dma_wait3A_1103] : memref<8x64x128xf32, #tpu.memory_space<vmem>> -> memref<1x64x128xf32, #tpu.memory_space<vmem>>
        %dma_wait3A_1105 = tpu.memref_squeeze %dma_wait3A_1104 : memref<1x64x128xf32, #tpu.memory_space<vmem>> -> memref<64x128xf32, #tpu.memory_space<vmem>>
        %dma_wait3A_1106 = arith.constant 0 : i32
        %dma_wait3A_1107 = arith.constant 0 : i32
        %dma_wait3A_1108 = tpu.memref_slice %arg3[%dma_wait3A_1106, %dma_wait3A_1107] : memref<64x1000000xf32, #tpu.memory_space<hbm>> -> memref<64x128xf32, #tpu.memory_space<hbm>>
        tpu.wait_dma2 semaphore(%arg8 : memref<!tpu.dma_semaphore, #tpu.memory_space<semaphore_mem>>) src(%dma_wait3A_1108 : memref<64x128xf32, #tpu.memory_space<hbm>>) dst(%dma_wait3A_1105 : memref<64x128xf32, #tpu.memory_space<vmem>>)
        %dma_wait3A_1109 = arith.constant 5 : i32
        %dma_wait3A_1110 = arith.constant 0 : i32
        %dma_wait3A_1111 = arith.constant 0 : i32
        %dma_wait3A_1112 = tpu.memref_slice %arg6[%dma_wait3A_1109, %dma_wait3A_1110, %dma_wait3A_1111] : memref<8x64x128xf32, #tpu.memory_space<vmem>> -> memref<1x64x128xf32, #tpu.memory_space<vmem>>
        %dma_wait3A_1113 = tpu.memref_squeeze %dma_wait3A_1112 : memref<1x64x128xf32, #tpu.memory_space<vmem>> -> memref<64x128xf32, #tpu.memory_space<vmem>>
        %dma_wait3A_1114 = arith.constant 0 : i32
        %dma_wait3A_1115 = arith.constant 0 : i32
        %dma_wait3A_1116 = tpu.memref_slice %arg3[%dma_wait3A_1114, %dma_wait3A_1115] : memref<64x1000000xf32, #tpu.memory_space<hbm>> -> memref<64x128xf32, #tpu.memory_space<hbm>>
        %dma_wait3A_1117 = arith.constant 0 : i32
        %dma_wait3A_1118 = arith.constant 0 : i32
        %dma_wait3A_1119 = tpu.memref_slice %arg6[%dma_wait3A_1109, %dma_wait3A_1117, %dma_wait3A_1118] : memref<8x64x128xf32, #tpu.memory_space<vmem>> -> memref<1x64x128xf32, #tpu.memory_space<vmem>>
        %dma_wait3A_1120 = tpu.memref_squeeze %dma_wait3A_1119 : memref<1x64x128xf32, #tpu.memory_space<vmem>> -> memref<64x128xf32, #tpu.memory_space<vmem>>
        %dma_wait3A_1121 = arith.constant 0 : i32
        %dma_wait3A_1122 = arith.constant 0 : i32
        %dma_wait3A_1123 = tpu.memref_slice %arg3[%dma_wait3A_1121, %dma_wait3A_1122] : memref<64x1000000xf32, #tpu.memory_space<hbm>> -> memref<64x128xf32, #tpu.memory_space<hbm>>
        tpu.wait_dma2 semaphore(%arg8 : memref<!tpu.dma_semaphore, #tpu.memory_space<semaphore_mem>>) src(%dma_wait3A_1123 : memref<64x128xf32, #tpu.memory_space<hbm>>) dst(%dma_wait3A_1120 : memref<64x128xf32, #tpu.memory_space<vmem>>)
        %dma_wait3A_1124 = arith.constant 6 : i32
        %dma_wait3A_1125 = arith.constant 0 : i32
        %dma_wait3A_1126 = arith.constant 0 : i32
        %dma_wait3A_1127 = tpu.memref_slice %arg6[%dma_wait3A_1124, %dma_wait3A_1125, %dma_wait3A_1126] : memref<8x64x128xf32, #tpu.memory_space<vmem>> -> memref<1x64x128xf32, #tpu.memory_space<vmem>>
        %dma_wait3A_1128 = tpu.memref_squeeze %dma_wait3A_1127 : memref<1x64x128xf32, #tpu.memory_space<vmem>> -> memref<64x128xf32, #tpu.memory_space<vmem>>
        %dma_wait3A_1129 = arith.constant 0 : i32
        %dma_wait3A_1130 = arith.constant 0 : i32
        %dma_wait3A_1131 = tpu.memref_slice %arg3[%dma_wait3A_1129, %dma_wait3A_1130] : memref<64x1000000xf32, #tpu.memory_space<hbm>> -> memref<64x128xf32, #tpu.memory_space<hbm>>
        %dma_wait3A_1132 = arith.constant 0 : i32
        %dma_wait3A_1133 = arith.constant 0 : i32
        %dma_wait3A_1134 = tpu.memref_slice %arg6[%dma_wait3A_1124, %dma_wait3A_1132, %dma_wait3A_1133] : memref<8x64x128xf32, #tpu.memory_space<vmem>> -> memref<1x64x128xf32, #tpu.memory_space<vmem>>
        %dma_wait3A_1135 = tpu.memref_squeeze %dma_wait3A_1134 : memref<1x64x128xf32, #tpu.memory_space<vmem>> -> memref<64x128xf32, #tpu.memory_space<vmem>>
        %dma_wait3A_1136 = arith.constant 0 : i32
        %dma_wait3A_1137 = arith.constant 0 : i32
        %dma_wait3A_1138 = tpu.memref_slice %arg3[%dma_wait3A_1136, %dma_wait3A_1137] : memref<64x1000000xf32, #tpu.memory_space<hbm>> -> memref<64x128xf32, #tpu.memory_space<hbm>>
        tpu.wait_dma2 semaphore(%arg8 : memref<!tpu.dma_semaphore, #tpu.memory_space<semaphore_mem>>) src(%dma_wait3A_1138 : memref<64x128xf32, #tpu.memory_space<hbm>>) dst(%dma_wait3A_1135 : memref<64x128xf32, #tpu.memory_space<vmem>>)
        %dma_wait3A_1139 = arith.constant 7 : i32
        %dma_wait3A_1140 = arith.constant 0 : i32
        %dma_wait3A_1141 = arith.constant 0 : i32
        %dma_wait3A_1142 = tpu.memref_slice %arg6[%dma_wait3A_1139, %dma_wait3A_1140, %dma_wait3A_1141] : memref<8x64x128xf32, #tpu.memory_space<vmem>> -> memref<1x64x128xf32, #tpu.memory_space<vmem>>
        %dma_wait3A_1143 = tpu.memref_squeeze %dma_wait3A_1142 : memref<1x64x128xf32, #tpu.memory_space<vmem>> -> memref<64x128xf32, #tpu.memory_space<vmem>>
        %dma_wait3A_1144 = arith.constant 0 : i32
        %dma_wait3A_1145 = arith.constant 0 : i32
        %dma_wait3A_1146 = tpu.memref_slice %arg3[%dma_wait3A_1144, %dma_wait3A_1145] : memref<64x1000000xf32, #tpu.memory_space<hbm>> -> memref<64x128xf32, #tpu.memory_space<hbm>>
        %dma_wait3A_1147 = arith.constant 0 : i32
        %dma_wait3A_1148 = arith.constant 0 : i32
        %dma_wait3A_1149 = tpu.memref_slice %arg6[%dma_wait3A_1139, %dma_wait3A_1147, %dma_wait3A_1148] : memref<8x64x128xf32, #tpu.memory_space<vmem>> -> memref<1x64x128xf32, #tpu.memory_space<vmem>>
        %dma_wait3A_1150 = tpu.memref_squeeze %dma_wait3A_1149 : memref<1x64x128xf32, #tpu.memory_space<vmem>> -> memref<64x128xf32, #tpu.memory_space<vmem>>
        %dma_wait3A_1151 = arith.constant 0 : i32
        %dma_wait3A_1152 = arith.constant 0 : i32
        %dma_wait3A_1153 = tpu.memref_slice %arg3[%dma_wait3A_1151, %dma_wait3A_1152] : memref<64x1000000xf32, #tpu.memory_space<hbm>> -> memref<64x128xf32, #tpu.memory_space<hbm>>
        tpu.wait_dma2 semaphore(%arg8 : memref<!tpu.dma_semaphore, #tpu.memory_space<semaphore_mem>>) src(%dma_wait3A_1153 : memref<64x128xf32, #tpu.memory_space<hbm>>) dst(%dma_wait3A_1150 : memref<64x128xf32, #tpu.memory_space<vmem>>)
        %mul3A_1154 = arith.constant 16 : i32
        %mul3A_1155 = arith.muli %sub3A_1073, %mul3A_1154 : i32
        %broadcast_in_dim3A_1156 = vector.broadcast %and3A_1081 : i32 to vector<16xi32>
        %add3A_1157 = arith.constant 12 : i32
        %add3A_1158 = arith.addi %mul3A_1155, %add3A_1157 : i32
        %add3A_1159 = arith.constant 0 : i32
        %add3A_1160 = arith.addi %add3A_1158, %add3A_1159 : i32
        %broadcast_in_dim3A_1161 = vector.broadcast %add3A_1160 : i32 to vector<16xi32>
        %gather3A_1162 = arith.constant 4 : i32
        %gather3A_1163 = arith.constant 0 : i32
        %gather3A_1164 = arith.constant 0 : i32
        %gather3A_1165 = tpu.memref_slice %arg6[%gather3A_1162, %gather3A_1163, %gather3A_1164] : memref<8x64x128xf32, #tpu.memory_space<vmem>> -> memref<1x64x128xf32, #tpu.memory_space<vmem>>
        %gather3A_1166 = tpu.memref_squeeze %gather3A_1165 : memref<1x64x128xf32, #tpu.memory_space<vmem>> -> memref<64x128xf32, #tpu.memory_space<vmem>>
        %gather3A_1167 = tpu.vector_load_idx %gather3A_1166[%add3A_5, %broadcast_in_dim3A_1156] : memref<64x128xf32, #tpu.memory_space<vmem>>[vector<16xi32>, vector<16xi32>], vector<16xf32>,
        tpu.vector_store_idx %arg7[%add3A_5, %broadcast_in_dim3A_1161], %gather3A_1167 : memref<64x512xf32, #tpu.memory_space<vmem>>[vector<16xi32>, vector<16xi32>], vector<16xf32>,
        %gather3A_1168 = arith.constant 4 : i32
        %gather3A_1169 = arith.constant 0 : i32
        %gather3A_1170 = arith.constant 0 : i32
        %gather3A_1171 = tpu.memref_slice %arg6[%gather3A_1168, %gather3A_1169, %gather3A_1170] : memref<8x64x128xf32, #tpu.memory_space<vmem>> -> memref<1x64x128xf32, #tpu.memory_space<vmem>>
        %gather3A_1172 = tpu.memref_squeeze %gather3A_1171 : memref<1x64x128xf32, #tpu.memory_space<vmem>> -> memref<64x128xf32, #tpu.memory_space<vmem>>
        %gather3A_1173 = tpu.vector_load_idx %gather3A_1172[%add3A_8, %broadcast_in_dim3A_1156] : memref<64x128xf32, #tpu.memory_space<vmem>>[vector<16xi32>, vector<16xi32>], vector<16xf32>,
        tpu.vector_store_idx %arg7[%add3A_8, %broadcast_in_dim3A_1161], %gather3A_1173 : memref<64x512xf32, #tpu.memory_space<vmem>>[vector<16xi32>, vector<16xi32>], vector<16xf32>,
        %gather3A_1174 = arith.constant 4 : i32
        %gather3A_1175 = arith.constant 0 : i32
        %gather3A_1176 = arith.constant 0 : i32
        %gather3A_1177 = tpu.memref_slice %arg6[%gather3A_1174, %gather3A_1175, %gather3A_1176] : memref<8x64x128xf32, #tpu.memory_space<vmem>> -> memref<1x64x128xf32, #tpu.memory_space<vmem>>
        %gather3A_1178 = tpu.memref_squeeze %gather3A_1177 : memref<1x64x128xf32, #tpu.memory_space<vmem>> -> memref<64x128xf32, #tpu.memory_space<vmem>>
        %gather3A_1179 = tpu.vector_load_idx %gather3A_1178[%add3A_11, %broadcast_in_dim3A_1156] : memref<64x128xf32, #tpu.memory_space<vmem>>[vector<16xi32>, vector<16xi32>], vector<16xf32>,
        tpu.vector_store_idx %arg7[%add3A_11, %broadcast_in_dim3A_1161], %gather3A_1179 : memref<64x512xf32, #tpu.memory_space<vmem>>[vector<16xi32>, vector<16xi32>], vector<16xf32>,
        %gather3A_1180 = arith.constant 4 : i32
        %gather3A_1181 = arith.constant 0 : i32
        %gather3A_1182 = arith.constant 0 : i32
        %gather3A_1183 = tpu.memref_slice %arg6[%gather3A_1180, %gather3A_1181, %gather3A_1182] : memref<8x64x128xf32, #tpu.memory_space<vmem>> -> memref<1x64x128xf32, #tpu.memory_space<vmem>>
        %gather3A_1184 = tpu.memref_squeeze %gather3A_1183 : memref<1x64x128xf32, #tpu.memory_space<vmem>> -> memref<64x128xf32, #tpu.memory_space<vmem>>
        %gather3A_1185 = tpu.vector_load_idx %gather3A_1184[%add3A_14, %broadcast_in_dim3A_1156] : memref<64x128xf32, #tpu.memory_space<vmem>>[vector<16xi32>, vector<16xi32>], vector<16xf32>,
        tpu.vector_store_idx %arg7[%add3A_14, %broadcast_in_dim3A_1161], %gather3A_1185 : memref<64x512xf32, #tpu.memory_space<vmem>>[vector<16xi32>, vector<16xi32>], vector<16xf32>,
        %broadcast_in_dim3A_1186 = vector.broadcast %and3A_1085 : i32 to vector<16xi32>
        %add3A_1187 = arith.constant 12 : i32
        %add3A_1188 = arith.addi %mul3A_1155, %add3A_1187 : i32
        %add3A_1189 = arith.constant 1 : i32
        %add3A_1190 = arith.addi %add3A_1188, %add3A_1189 : i32
        %broadcast_in_dim3A_1191 = vector.broadcast %add3A_1190 : i32 to vector<16xi32>
        %gather3A_1192 = arith.constant 5 : i32
        %gather3A_1193 = arith.constant 0 : i32
        %gather3A_1194 = arith.constant 0 : i32
        %gather3A_1195 = tpu.memref_slice %arg6[%gather3A_1192, %gather3A_1193, %gather3A_1194] : memref<8x64x128xf32, #tpu.memory_space<vmem>> -> memref<1x64x128xf32, #tpu.memory_space<vmem>>
        %gather3A_1196 = tpu.memref_squeeze %gather3A_1195 : memref<1x64x128xf32, #tpu.memory_space<vmem>> -> memref<64x128xf32, #tpu.memory_space<vmem>>
        %gather3A_1197 = tpu.vector_load_idx %gather3A_1196[%add3A_5, %broadcast_in_dim3A_1186] : memref<64x128xf32, #tpu.memory_space<vmem>>[vector<16xi32>, vector<16xi32>], vector<16xf32>,
        tpu.vector_store_idx %arg7[%add3A_5, %broadcast_in_dim3A_1191], %gather3A_1197 : memref<64x512xf32, #tpu.memory_space<vmem>>[vector<16xi32>, vector<16xi32>], vector<16xf32>,
        %gather3A_1198 = arith.constant 5 : i32
        %gather3A_1199 = arith.constant 0 : i32
        %gather3A_1200 = arith.constant 0 : i32
        %gather3A_1201 = tpu.memref_slice %arg6[%gather3A_1198, %gather3A_1199, %gather3A_1200] : memref<8x64x128xf32, #tpu.memory_space<vmem>> -> memref<1x64x128xf32, #tpu.memory_space<vmem>>
        %gather3A_1202 = tpu.memref_squeeze %gather3A_1201 : memref<1x64x128xf32, #tpu.memory_space<vmem>> -> memref<64x128xf32, #tpu.memory_space<vmem>>
        %gather3A_1203 = tpu.vector_load_idx %gather3A_1202[%add3A_8, %broadcast_in_dim3A_1186] : memref<64x128xf32, #tpu.memory_space<vmem>>[vector<16xi32>, vector<16xi32>], vector<16xf32>,
        tpu.vector_store_idx %arg7[%add3A_8, %broadcast_in_dim3A_1191], %gather3A_1203 : memref<64x512xf32, #tpu.memory_space<vmem>>[vector<16xi32>, vector<16xi32>], vector<16xf32>,
        %gather3A_1204 = arith.constant 5 : i32
        %gather3A_1205 = arith.constant 0 : i32
        %gather3A_1206 = arith.constant 0 : i32
        %gather3A_1207 = tpu.memref_slice %arg6[%gather3A_1204, %gather3A_1205, %gather3A_1206] : memref<8x64x128xf32, #tpu.memory_space<vmem>> -> memref<1x64x128xf32, #tpu.memory_space<vmem>>
        %gather3A_1208 = tpu.memref_squeeze %gather3A_1207 : memref<1x64x128xf32, #tpu.memory_space<vmem>> -> memref<64x128xf32, #tpu.memory_space<vmem>>
        %gather3A_1209 = tpu.vector_load_idx %gather3A_1208[%add3A_11, %broadcast_in_dim3A_1186] : memref<64x128xf32, #tpu.memory_space<vmem>>[vector<16xi32>, vector<16xi32>], vector<16xf32>,
        tpu.vector_store_idx %arg7[%add3A_11, %broadcast_in_dim3A_1191], %gather3A_1209 : memref<64x512xf32, #tpu.memory_space<vmem>>[vector<16xi32>, vector<16xi32>], vector<16xf32>,
        %gather3A_1210 = arith.constant 5 : i32
        %gather3A_1211 = arith.constant 0 : i32
        %gather3A_1212 = arith.constant 0 : i32
        %gather3A_1213 = tpu.memref_slice %arg6[%gather3A_1210, %gather3A_1211, %gather3A_1212] : memref<8x64x128xf32, #tpu.memory_space<vmem>> -> memref<1x64x128xf32, #tpu.memory_space<vmem>>
        %gather3A_1214 = tpu.memref_squeeze %gather3A_1213 : memref<1x64x128xf32, #tpu.memory_space<vmem>> -> memref<64x128xf32, #tpu.memory_space<vmem>>
        %gather3A_1215 = tpu.vector_load_idx %gather3A_1214[%add3A_14, %broadcast_in_dim3A_1186] : memref<64x128xf32, #tpu.memory_space<vmem>>[vector<16xi32>, vector<16xi32>], vector<16xf32>,
        tpu.vector_store_idx %arg7[%add3A_14, %broadcast_in_dim3A_1191], %gather3A_1215 : memref<64x512xf32, #tpu.memory_space<vmem>>[vector<16xi32>, vector<16xi32>], vector<16xf32>,
        %broadcast_in_dim3A_1216 = vector.broadcast %and3A_1089 : i32 to vector<16xi32>
        %add3A_1217 = arith.constant 12 : i32
        %add3A_1218 = arith.addi %mul3A_1155, %add3A_1217 : i32
        %add3A_1219 = arith.constant 2 : i32
        %add3A_1220 = arith.addi %add3A_1218, %add3A_1219 : i32
        %broadcast_in_dim3A_1221 = vector.broadcast %add3A_1220 : i32 to vector<16xi32>
        %gather3A_1222 = arith.constant 6 : i32
        %gather3A_1223 = arith.constant 0 : i32
        %gather3A_1224 = arith.constant 0 : i32
        %gather3A_1225 = tpu.memref_slice %arg6[%gather3A_1222, %gather3A_1223, %gather3A_1224] : memref<8x64x128xf32, #tpu.memory_space<vmem>> -> memref<1x64x128xf32, #tpu.memory_space<vmem>>
        %gather3A_1226 = tpu.memref_squeeze %gather3A_1225 : memref<1x64x128xf32, #tpu.memory_space<vmem>> -> memref<64x128xf32, #tpu.memory_space<vmem>>
        %gather3A_1227 = tpu.vector_load_idx %gather3A_1226[%add3A_5, %broadcast_in_dim3A_1216] : memref<64x128xf32, #tpu.memory_space<vmem>>[vector<16xi32>, vector<16xi32>], vector<16xf32>,
        tpu.vector_store_idx %arg7[%add3A_5, %broadcast_in_dim3A_1221], %gather3A_1227 : memref<64x512xf32, #tpu.memory_space<vmem>>[vector<16xi32>, vector<16xi32>], vector<16xf32>,
        %gather3A_1228 = arith.constant 6 : i32
        %gather3A_1229 = arith.constant 0 : i32
        %gather3A_1230 = arith.constant 0 : i32
        %gather3A_1231 = tpu.memref_slice %arg6[%gather3A_1228, %gather3A_1229, %gather3A_1230] : memref<8x64x128xf32, #tpu.memory_space<vmem>> -> memref<1x64x128xf32, #tpu.memory_space<vmem>>
        %gather3A_1232 = tpu.memref_squeeze %gather3A_1231 : memref<1x64x128xf32, #tpu.memory_space<vmem>> -> memref<64x128xf32, #tpu.memory_space<vmem>>
        %gather3A_1233 = tpu.vector_load_idx %gather3A_1232[%add3A_8, %broadcast_in_dim3A_1216] : memref<64x128xf32, #tpu.memory_space<vmem>>[vector<16xi32>, vector<16xi32>], vector<16xf32>,
        tpu.vector_store_idx %arg7[%add3A_8, %broadcast_in_dim3A_1221], %gather3A_1233 : memref<64x512xf32, #tpu.memory_space<vmem>>[vector<16xi32>, vector<16xi32>], vector<16xf32>,
        %gather3A_1234 = arith.constant 6 : i32
        %gather3A_1235 = arith.constant 0 : i32
        %gather3A_1236 = arith.constant 0 : i32
        %gather3A_1237 = tpu.memref_slice %arg6[%gather3A_1234, %gather3A_1235, %gather3A_1236] : memref<8x64x128xf32, #tpu.memory_space<vmem>> -> memref<1x64x128xf32, #tpu.memory_space<vmem>>
        %gather3A_1238 = tpu.memref_squeeze %gather3A_1237 : memref<1x64x128xf32, #tpu.memory_space<vmem>> -> memref<64x128xf32, #tpu.memory_space<vmem>>
        %gather3A_1239 = tpu.vector_load_idx %gather3A_1238[%add3A_11, %broadcast_in_dim3A_1216] : memref<64x128xf32, #tpu.memory_space<vmem>>[vector<16xi32>, vector<16xi32>], vector<16xf32>,
        tpu.vector_store_idx %arg7[%add3A_11, %broadcast_in_dim3A_1221], %gather3A_1239 : memref<64x512xf32, #tpu.memory_space<vmem>>[vector<16xi32>, vector<16xi32>], vector<16xf32>,
        %gather3A_1240 = arith.constant 6 : i32
        %gather3A_1241 = arith.constant 0 : i32
        %gather3A_1242 = arith.constant 0 : i32
        %gather3A_1243 = tpu.memref_slice %arg6[%gather3A_1240, %gather3A_1241, %gather3A_1242] : memref<8x64x128xf32, #tpu.memory_space<vmem>> -> memref<1x64x128xf32, #tpu.memory_space<vmem>>
        %gather3A_1244 = tpu.memref_squeeze %gather3A_1243 : memref<1x64x128xf32, #tpu.memory_space<vmem>> -> memref<64x128xf32, #tpu.memory_space<vmem>>
        %gather3A_1245 = tpu.vector_load_idx %gather3A_1244[%add3A_14, %broadcast_in_dim3A_1216] : memref<64x128xf32, #tpu.memory_space<vmem>>[vector<16xi32>, vector<16xi32>], vector<16xf32>,
        tpu.vector_store_idx %arg7[%add3A_14, %broadcast_in_dim3A_1221], %gather3A_1245 : memref<64x512xf32, #tpu.memory_space<vmem>>[vector<16xi32>, vector<16xi32>], vector<16xf32>,
        %broadcast_in_dim3A_1246 = vector.broadcast %and3A_1093 : i32 to vector<16xi32>
        %add3A_1247 = arith.constant 12 : i32
        %add3A_1248 = arith.addi %mul3A_1155, %add3A_1247 : i32
        %add3A_1249 = arith.constant 3 : i32
        %add3A_1250 = arith.addi %add3A_1248, %add3A_1249 : i32
        %broadcast_in_dim3A_1251 = vector.broadcast %add3A_1250 : i32 to vector<16xi32>
        %gather3A_1252 = arith.constant 7 : i32
        %gather3A_1253 = arith.constant 0 : i32
        %gather3A_1254 = arith.constant 0 : i32
        %gather3A_1255 = tpu.memref_slice %arg6[%gather3A_1252, %gather3A_1253, %gather3A_1254] : memref<8x64x128xf32, #tpu.memory_space<vmem>> -> memref<1x64x128xf32, #tpu.memory_space<vmem>>
        %gather3A_1256 = tpu.memref_squeeze %gather3A_1255 : memref<1x64x128xf32, #tpu.memory_space<vmem>> -> memref<64x128xf32, #tpu.memory_space<vmem>>
        %gather3A_1257 = tpu.vector_load_idx %gather3A_1256[%add3A_5, %broadcast_in_dim3A_1246] : memref<64x128xf32, #tpu.memory_space<vmem>>[vector<16xi32>, vector<16xi32>], vector<16xf32>,
        tpu.vector_store_idx %arg7[%add3A_5, %broadcast_in_dim3A_1251], %gather3A_1257 : memref<64x512xf32, #tpu.memory_space<vmem>>[vector<16xi32>, vector<16xi32>], vector<16xf32>,
        %gather3A_1258 = arith.constant 7 : i32
        %gather3A_1259 = arith.constant 0 : i32
        %gather3A_1260 = arith.constant 0 : i32
        %gather3A_1261 = tpu.memref_slice %arg6[%gather3A_1258, %gather3A_1259, %gather3A_1260] : memref<8x64x128xf32, #tpu.memory_space<vmem>> -> memref<1x64x128xf32, #tpu.memory_space<vmem>>
        %gather3A_1262 = tpu.memref_squeeze %gather3A_1261 : memref<1x64x128xf32, #tpu.memory_space<vmem>> -> memref<64x128xf32, #tpu.memory_space<vmem>>
        %gather3A_1263 = tpu.vector_load_idx %gather3A_1262[%add3A_8, %broadcast_in_dim3A_1246] : memref<64x128xf32, #tpu.memory_space<vmem>>[vector<16xi32>, vector<16xi32>], vector<16xf32>,
        tpu.vector_store_idx %arg7[%add3A_8, %broadcast_in_dim3A_1251], %gather3A_1263 : memref<64x512xf32, #tpu.memory_space<vmem>>[vector<16xi32>, vector<16xi32>], vector<16xf32>,
        %gather3A_1264 = arith.constant 7 : i32
        %gather3A_1265 = arith.constant 0 : i32
        %gather3A_1266 = arith.constant 0 : i32
        %gather3A_1267 = tpu.memref_slice %arg6[%gather3A_1264, %gather3A_1265, %gather3A_1266] : memref<8x64x128xf32, #tpu.memory_space<vmem>> -> memref<1x64x128xf32, #tpu.memory_space<vmem>>
        %gather3A_1268 = tpu.memref_squeeze %gather3A_1267 : memref<1x64x128xf32, #tpu.memory_space<vmem>> -> memref<64x128xf32, #tpu.memory_space<vmem>>
        %gather3A_1269 = tpu.vector_load_idx %gather3A_1268[%add3A_11, %broadcast_in_dim3A_1246] : memref<64x128xf32, #tpu.memory_space<vmem>>[vector<16xi32>, vector<16xi32>], vector<16xf32>,
        tpu.vector_store_idx %arg7[%add3A_11, %broadcast_in_dim3A_1251], %gather3A_1269 : memref<64x512xf32, #tpu.memory_space<vmem>>[vector<16xi32>, vector<16xi32>], vector<16xf32>,
        %gather3A_1270 = arith.constant 7 : i32
        %gather3A_1271 = arith.constant 0 : i32
        %gather3A_1272 = arith.constant 0 : i32
        %gather3A_1273 = tpu.memref_slice %arg6[%gather3A_1270, %gather3A_1271, %gather3A_1272] : memref<8x64x128xf32, #tpu.memory_space<vmem>> -> memref<1x64x128xf32, #tpu.memory_space<vmem>>
        %gather3A_1274 = tpu.memref_squeeze %gather3A_1273 : memref<1x64x128xf32, #tpu.memory_space<vmem>> -> memref<64x128xf32, #tpu.memory_space<vmem>>
        %gather3A_1275 = tpu.vector_load_idx %gather3A_1274[%add3A_14, %broadcast_in_dim3A_1246] : memref<64x128xf32, #tpu.memory_space<vmem>>[vector<16xi32>, vector<16xi32>], vector<16xf32>,
        tpu.vector_store_idx %arg7[%add3A_14, %broadcast_in_dim3A_1251], %gather3A_1275 : memref<64x512xf32, #tpu.memory_space<vmem>>[vector<16xi32>, vector<16xi32>], vector<16xf32>,
      } else {
      }
      %slice3A_293 = vector.extract_strided_slice %get3A_203 {offsets = [4], sizes = [1], strides = [1]} : vector<16xi32> to vector<1xi32>
      %squeeze3A_294 = vector.extract %slice3A_293[0] : i32 from vector<1xi32>
      %shift_right_arithmetic3A_295 = arith.constant 7 : i32
      %shift_right_arithmetic3A_296 = arith.shrsi %squeeze3A_294, %shift_right_arithmetic3A_295 : i32
      %mul3A_297 = arith.constant 128 : i32
      %mul3A_298 = arith.muli %shift_right_arithmetic3A_296, %mul3A_297 : i32
      %multiple_of3A_299 = tpu.assume_multiple %mul3A_298, 128 : i32
      %and3A_300 = arith.constant 127 : i32
      %and3A_301 = arith.andi %squeeze3A_294, %and3A_300 : i32
      %dma_start3A_302 = arith.constant 4 : i32
      %dma_start3A_303 = arith.constant 0 : i32
      %dma_start3A_304 = arith.constant 0 : i32
      %dma_start3A_305 = tpu.memref_slice %arg6[%dma_start3A_302, %dma_start3A_303, %dma_start3A_304] : memref<8x64x128xf32, #tpu.memory_space<vmem>> -> memref<1x64x128xf32, #tpu.memory_space<vmem>>
      %dma_start3A_306 = tpu.memref_squeeze %dma_start3A_305 : memref<1x64x128xf32, #tpu.memory_space<vmem>> -> memref<64x128xf32, #tpu.memory_space<vmem>>
      %dma_start3A_307 = arith.constant 0 : i32
      %dma_start3A_308 = tpu.memref_slice %arg3[%dma_start3A_307, %multiple_of3A_299] : memref<64x1000000xf32, #tpu.memory_space<hbm>> -> memref<64x128xf32, #tpu.memory_space<hbm>>
      %dma_start3A_309 = arith.constant 0 : i32
      %dma_start3A_310 = arith.constant 0 : i32
      %dma_start3A_311 = tpu.memref_slice %arg6[%dma_start3A_302, %dma_start3A_309, %dma_start3A_310] : memref<8x64x128xf32, #tpu.memory_space<vmem>> -> memref<1x64x128xf32, #tpu.memory_space<vmem>>
      %dma_start3A_312 = tpu.memref_squeeze %dma_start3A_311 : memref<1x64x128xf32, #tpu.memory_space<vmem>> -> memref<64x128xf32, #tpu.memory_space<vmem>>
      %dma_start3A_313 = arith.constant 0 : i32
      %dma_start3A_314 = tpu.memref_slice %arg3[%dma_start3A_313, %multiple_of3A_299] : memref<64x1000000xf32, #tpu.memory_space<hbm>> -> memref<64x128xf32, #tpu.memory_space<hbm>>
      tpu.enqueue_dma source(%dma_start3A_314 : memref<64x128xf32, #tpu.memory_space<hbm>>) target(%dma_start3A_312 : memref<64x128xf32, #tpu.memory_space<vmem>>) target_semaphore(%arg8 : memref<!tpu.dma_semaphore, #tpu.memory_space<semaphore_mem>>)
      %slice3A_315 = vector.extract_strided_slice %get3A_203 {offsets = [5], sizes = [1], strides = [1]} : vector<16xi32> to vector<1xi32>
      %squeeze3A_316 = vector.extract %slice3A_315[0] : i32 from vector<1xi32>
      %shift_right_arithmetic3A_317 = arith.constant 7 : i32
      %shift_right_arithmetic3A_318 = arith.shrsi %squeeze3A_316, %shift_right_arithmetic3A_317 : i32
      %mul3A_319 = arith.constant 128 : i32
      %mul3A_320 = arith.muli %shift_right_arithmetic3A_318, %mul3A_319 : i32
      %multiple_of3A_321 = tpu.assume_multiple %mul3A_320, 128 : i32
      %and3A_322 = arith.constant 127 : i32
      %and3A_323 = arith.andi %squeeze3A_316, %and3A_322 : i32
      %dma_start3A_324 = arith.constant 5 : i32
      %dma_start3A_325 = arith.constant 0 : i32
      %dma_start3A_326 = arith.constant 0 : i32
      %dma_start3A_327 = tpu.memref_slice %arg6[%dma_start3A_324, %dma_start3A_325, %dma_start3A_326] : memref<8x64x128xf32, #tpu.memory_space<vmem>> -> memref<1x64x128xf32, #tpu.memory_space<vmem>>
      %dma_start3A_328 = tpu.memref_squeeze %dma_start3A_327 : memref<1x64x128xf32, #tpu.memory_space<vmem>> -> memref<64x128xf32, #tpu.memory_space<vmem>>
      %dma_start3A_329 = arith.constant 0 : i32
      %dma_start3A_330 = tpu.memref_slice %arg3[%dma_start3A_329, %multiple_of3A_321] : memref<64x1000000xf32, #tpu.memory_space<hbm>> -> memref<64x128xf32, #tpu.memory_space<hbm>>
      %dma_start3A_331 = arith.constant 0 : i32
      %dma_start3A_332 = arith.constant 0 : i32
      %dma_start3A_333 = tpu.memref_slice %arg6[%dma_start3A_324, %dma_start3A_331, %dma_start3A_332] : memref<8x64x128xf32, #tpu.memory_space<vmem>> -> memref<1x64x128xf32, #tpu.memory_space<vmem>>
      %dma_start3A_334 = tpu.memref_squeeze %dma_start3A_333 : memref<1x64x128xf32, #tpu.memory_space<vmem>> -> memref<64x128xf32, #tpu.memory_space<vmem>>
      %dma_start3A_335 = arith.constant 0 : i32
      %dma_start3A_336 = tpu.memref_slice %arg3[%dma_start3A_335, %multiple_of3A_321] : memref<64x1000000xf32, #tpu.memory_space<hbm>> -> memref<64x128xf32, #tpu.memory_space<hbm>>
      tpu.enqueue_dma source(%dma_start3A_336 : memref<64x128xf32, #tpu.memory_space<hbm>>) target(%dma_start3A_334 : memref<64x128xf32, #tpu.memory_space<vmem>>) target_semaphore(%arg8 : memref<!tpu.dma_semaphore, #tpu.memory_space<semaphore_mem>>)
      %slice3A_337 = vector.extract_strided_slice %get3A_203 {offsets = [6], sizes = [1], strides = [1]} : vector<16xi32> to vector<1xi32>
      %squeeze3A_338 = vector.extract %slice3A_337[0] : i32 from vector<1xi32>
      %shift_right_arithmetic3A_339 = arith.constant 7 : i32
      %shift_right_arithmetic3A_340 = arith.shrsi %squeeze3A_338, %shift_right_arithmetic3A_339 : i32
      %mul3A_341 = arith.constant 128 : i32
      %mul3A_342 = arith.muli %shift_right_arithmetic3A_340, %mul3A_341 : i32
      %multiple_of3A_343 = tpu.assume_multiple %mul3A_342, 128 : i32
      %and3A_344 = arith.constant 127 : i32
      %and3A_345 = arith.andi %squeeze3A_338, %and3A_344 : i32
      %dma_start3A_346 = arith.constant 6 : i32
      %dma_start3A_347 = arith.constant 0 : i32
      %dma_start3A_348 = arith.constant 0 : i32
      %dma_start3A_349 = tpu.memref_slice %arg6[%dma_start3A_346, %dma_start3A_347, %dma_start3A_348] : memref<8x64x128xf32, #tpu.memory_space<vmem>> -> memref<1x64x128xf32, #tpu.memory_space<vmem>>
      %dma_start3A_350 = tpu.memref_squeeze %dma_start3A_349 : memref<1x64x128xf32, #tpu.memory_space<vmem>> -> memref<64x128xf32, #tpu.memory_space<vmem>>
      %dma_start3A_351 = arith.constant 0 : i32
      %dma_start3A_352 = tpu.memref_slice %arg3[%dma_start3A_351, %multiple_of3A_343] : memref<64x1000000xf32, #tpu.memory_space<hbm>> -> memref<64x128xf32, #tpu.memory_space<hbm>>
      %dma_start3A_353 = arith.constant 0 : i32
      %dma_start3A_354 = arith.constant 0 : i32
      %dma_start3A_355 = tpu.memref_slice %arg6[%dma_start3A_346, %dma_start3A_353, %dma_start3A_354] : memref<8x64x128xf32, #tpu.memory_space<vmem>> -> memref<1x64x128xf32, #tpu.memory_space<vmem>>
      %dma_start3A_356 = tpu.memref_squeeze %dma_start3A_355 : memref<1x64x128xf32, #tpu.memory_space<vmem>> -> memref<64x128xf32, #tpu.memory_space<vmem>>
      %dma_start3A_357 = arith.constant 0 : i32
      %dma_start3A_358 = tpu.memref_slice %arg3[%dma_start3A_357, %multiple_of3A_343] : memref<64x1000000xf32, #tpu.memory_space<hbm>> -> memref<64x128xf32, #tpu.memory_space<hbm>>
      tpu.enqueue_dma source(%dma_start3A_358 : memref<64x128xf32, #tpu.memory_space<hbm>>) target(%dma_start3A_356 : memref<64x128xf32, #tpu.memory_space<vmem>>) target_semaphore(%arg8 : memref<!tpu.dma_semaphore, #tpu.memory_space<semaphore_mem>>)
      %slice3A_359 = vector.extract_strided_slice %get3A_203 {offsets = [7], sizes = [1], strides = [1]} : vector<16xi32> to vector<1xi32>
      %squeeze3A_360 = vector.extract %slice3A_359[0] : i32 from vector<1xi32>
      %shift_right_arithmetic3A_361 = arith.constant 7 : i32
      %shift_right_arithmetic3A_362 = arith.shrsi %squeeze3A_360, %shift_right_arithmetic3A_361 : i32
      %mul3A_363 = arith.constant 128 : i32
      %mul3A_364 = arith.muli %shift_right_arithmetic3A_362, %mul3A_363 : i32
      %multiple_of3A_365 = tpu.assume_multiple %mul3A_364, 128 : i32
      %and3A_366 = arith.constant 127 : i32
      %and3A_367 = arith.andi %squeeze3A_360, %and3A_366 : i32
      %dma_start3A_368 = arith.constant 7 : i32
      %dma_start3A_369 = arith.constant 0 : i32
      %dma_start3A_370 = arith.constant 0 : i32
      %dma_start3A_371 = tpu.memref_slice %arg6[%dma_start3A_368, %dma_start3A_369, %dma_start3A_370] : memref<8x64x128xf32, #tpu.memory_space<vmem>> -> memref<1x64x128xf32, #tpu.memory_space<vmem>>
      %dma_start3A_372 = tpu.memref_squeeze %dma_start3A_371 : memref<1x64x128xf32, #tpu.memory_space<vmem>> -> memref<64x128xf32, #tpu.memory_space<vmem>>
      %dma_start3A_373 = arith.constant 0 : i32
      %dma_start3A_374 = tpu.memref_slice %arg3[%dma_start3A_373, %multiple_of3A_365] : memref<64x1000000xf32, #tpu.memory_space<hbm>> -> memref<64x128xf32, #tpu.memory_space<hbm>>
      %dma_start3A_375 = arith.constant 0 : i32
      %dma_start3A_376 = arith.constant 0 : i32
      %dma_start3A_377 = tpu.memref_slice %arg6[%dma_start3A_368, %dma_start3A_375, %dma_start3A_376] : memref<8x64x128xf32, #tpu.memory_space<vmem>> -> memref<1x64x128xf32, #tpu.memory_space<vmem>>
      %dma_start3A_378 = tpu.memref_squeeze %dma_start3A_377 : memref<1x64x128xf32, #tpu.memory_space<vmem>> -> memref<64x128xf32, #tpu.memory_space<vmem>>
      %dma_start3A_379 = arith.constant 0 : i32
      %dma_start3A_380 = tpu.memref_slice %arg3[%dma_start3A_379, %multiple_of3A_365] : memref<64x1000000xf32, #tpu.memory_space<hbm>> -> memref<64x128xf32, #tpu.memory_space<hbm>>
      tpu.enqueue_dma source(%dma_start3A_380 : memref<64x128xf32, #tpu.memory_space<hbm>>) target(%dma_start3A_378 : memref<64x128xf32, #tpu.memory_space<vmem>>) target_semaphore(%arg8 : memref<!tpu.dma_semaphore, #tpu.memory_space<semaphore_mem>>)
      %dma_wait3A_381 = arith.constant 0 : i32
      %dma_wait3A_382 = arith.constant 0 : i32
      %dma_wait3A_383 = arith.constant 0 : i32
      %dma_wait3A_384 = tpu.memref_slice %arg6[%dma_wait3A_381, %dma_wait3A_382, %dma_wait3A_383] : memref<8x64x128xf32, #tpu.memory_space<vmem>> -> memref<1x64x128xf32, #tpu.memory_space<vmem>>
      %dma_wait3A_385 = tpu.memref_squeeze %dma_wait3A_384 : memref<1x64x128xf32, #tpu.memory_space<vmem>> -> memref<64x128xf32, #tpu.memory_space<vmem>>
      %dma_wait3A_386 = arith.constant 0 : i32
      %dma_wait3A_387 = tpu.memref_slice %arg3[%dma_wait3A_386, %multiple_of3A] : memref<64x1000000xf32, #tpu.memory_space<hbm>> -> memref<64x128xf32, #tpu.memory_space<hbm>>
      %dma_wait3A_388 = arith.constant 0 : i32
      %dma_wait3A_389 = arith.constant 0 : i32
      %dma_wait3A_390 = tpu.memref_slice %arg6[%dma_wait3A_381, %dma_wait3A_388, %dma_wait3A_389] : memref<8x64x128xf32, #tpu.memory_space<vmem>> -> memref<1x64x128xf32, #tpu.memory_space<vmem>>
      %dma_wait3A_391 = tpu.memref_squeeze %dma_wait3A_390 : memref<1x64x128xf32, #tpu.memory_space<vmem>> -> memref<64x128xf32, #tpu.memory_space<vmem>>
      %dma_wait3A_392 = arith.constant 0 : i32
      %dma_wait3A_393 = tpu.memref_slice %arg3[%dma_wait3A_392, %multiple_of3A] : memref<64x1000000xf32, #tpu.memory_space<hbm>> -> memref<64x128xf32, #tpu.memory_space<hbm>>
      tpu.wait_dma2 semaphore(%arg8 : memref<!tpu.dma_semaphore, #tpu.memory_space<semaphore_mem>>) src(%dma_wait3A_393 : memref<64x128xf32, #tpu.memory_space<hbm>>) dst(%dma_wait3A_391 : memref<64x128xf32, #tpu.memory_space<vmem>>)
      %dma_wait3A_394 = arith.constant 1 : i32
      %dma_wait3A_395 = arith.constant 0 : i32
      %dma_wait3A_396 = arith.constant 0 : i32
      %dma_wait3A_397 = tpu.memref_slice %arg6[%dma_wait3A_394, %dma_wait3A_395, %dma_wait3A_396] : memref<8x64x128xf32, #tpu.memory_space<vmem>> -> memref<1x64x128xf32, #tpu.memory_space<vmem>>
      %dma_wait3A_398 = tpu.memref_squeeze %dma_wait3A_397 : memref<1x64x128xf32, #tpu.memory_space<vmem>> -> memref<64x128xf32, #tpu.memory_space<vmem>>
      %dma_wait3A_399 = arith.constant 0 : i32
      %dma_wait3A_400 = tpu.memref_slice %arg3[%dma_wait3A_399, %multiple_of3A_231] : memref<64x1000000xf32, #tpu.memory_space<hbm>> -> memref<64x128xf32, #tpu.memory_space<hbm>>
      %dma_wait3A_401 = arith.constant 0 : i32
      %dma_wait3A_402 = arith.constant 0 : i32
      %dma_wait3A_403 = tpu.memref_slice %arg6[%dma_wait3A_394, %dma_wait3A_401, %dma_wait3A_402] : memref<8x64x128xf32, #tpu.memory_space<vmem>> -> memref<1x64x128xf32, #tpu.memory_space<vmem>>
      %dma_wait3A_404 = tpu.memref_squeeze %dma_wait3A_403 : memref<1x64x128xf32, #tpu.memory_space<vmem>> -> memref<64x128xf32, #tpu.memory_space<vmem>>
      %dma_wait3A_405 = arith.constant 0 : i32
      %dma_wait3A_406 = tpu.memref_slice %arg3[%dma_wait3A_405, %multiple_of3A_231] : memref<64x1000000xf32, #tpu.memory_space<hbm>> -> memref<64x128xf32, #tpu.memory_space<hbm>>
      tpu.wait_dma2 semaphore(%arg8 : memref<!tpu.dma_semaphore, #tpu.memory_space<semaphore_mem>>) src(%dma_wait3A_406 : memref<64x128xf32, #tpu.memory_space<hbm>>) dst(%dma_wait3A_404 : memref<64x128xf32, #tpu.memory_space<vmem>>)
      %dma_wait3A_407 = arith.constant 2 : i32
      %dma_wait3A_408 = arith.constant 0 : i32
      %dma_wait3A_409 = arith.constant 0 : i32
      %dma_wait3A_410 = tpu.memref_slice %arg6[%dma_wait3A_407, %dma_wait3A_408, %dma_wait3A_409] : memref<8x64x128xf32, #tpu.memory_space<vmem>> -> memref<1x64x128xf32, #tpu.memory_space<vmem>>
      %dma_wait3A_411 = tpu.memref_squeeze %dma_wait3A_410 : memref<1x64x128xf32, #tpu.memory_space<vmem>> -> memref<64x128xf32, #tpu.memory_space<vmem>>
      %dma_wait3A_412 = arith.constant 0 : i32
      %dma_wait3A_413 = tpu.memref_slice %arg3[%dma_wait3A_412, %multiple_of3A_253] : memref<64x1000000xf32, #tpu.memory_space<hbm>> -> memref<64x128xf32, #tpu.memory_space<hbm>>
      %dma_wait3A_414 = arith.constant 0 : i32
      %dma_wait3A_415 = arith.constant 0 : i32
      %dma_wait3A_416 = tpu.memref_slice %arg6[%dma_wait3A_407, %dma_wait3A_414, %dma_wait3A_415] : memref<8x64x128xf32, #tpu.memory_space<vmem>> -> memref<1x64x128xf32, #tpu.memory_space<vmem>>
      %dma_wait3A_417 = tpu.memref_squeeze %dma_wait3A_416 : memref<1x64x128xf32, #tpu.memory_space<vmem>> -> memref<64x128xf32, #tpu.memory_space<vmem>>
      %dma_wait3A_418 = arith.constant 0 : i32
      %dma_wait3A_419 = tpu.memref_slice %arg3[%dma_wait3A_418, %multiple_of3A_253] : memref<64x1000000xf32, #tpu.memory_space<hbm>> -> memref<64x128xf32, #tpu.memory_space<hbm>>
      tpu.wait_dma2 semaphore(%arg8 : memref<!tpu.dma_semaphore, #tpu.memory_space<semaphore_mem>>) src(%dma_wait3A_419 : memref<64x128xf32, #tpu.memory_space<hbm>>) dst(%dma_wait3A_417 : memref<64x128xf32, #tpu.memory_space<vmem>>)
      %dma_wait3A_420 = arith.constant 3 : i32
      %dma_wait3A_421 = arith.constant 0 : i32
      %dma_wait3A_422 = arith.constant 0 : i32
      %dma_wait3A_423 = tpu.memref_slice %arg6[%dma_wait3A_420, %dma_wait3A_421, %dma_wait3A_422] : memref<8x64x128xf32, #tpu.memory_space<vmem>> -> memref<1x64x128xf32, #tpu.memory_space<vmem>>
      %dma_wait3A_424 = tpu.memref_squeeze %dma_wait3A_423 : memref<1x64x128xf32, #tpu.memory_space<vmem>> -> memref<64x128xf32, #tpu.memory_space<vmem>>
      %dma_wait3A_425 = arith.constant 0 : i32
      %dma_wait3A_426 = tpu.memref_slice %arg3[%dma_wait3A_425, %multiple_of3A_275] : memref<64x1000000xf32, #tpu.memory_space<hbm>> -> memref<64x128xf32, #tpu.memory_space<hbm>>
      %dma_wait3A_427 = arith.constant 0 : i32
      %dma_wait3A_428 = arith.constant 0 : i32
      %dma_wait3A_429 = tpu.memref_slice %arg6[%dma_wait3A_420, %dma_wait3A_427, %dma_wait3A_428] : memref<8x64x128xf32, #tpu.memory_space<vmem>> -> memref<1x64x128xf32, #tpu.memory_space<vmem>>
      %dma_wait3A_430 = tpu.memref_squeeze %dma_wait3A_429 : memref<1x64x128xf32, #tpu.memory_space<vmem>> -> memref<64x128xf32, #tpu.memory_space<vmem>>
      %dma_wait3A_431 = arith.constant 0 : i32
      %dma_wait3A_432 = tpu.memref_slice %arg3[%dma_wait3A_431, %multiple_of3A_275] : memref<64x1000000xf32, #tpu.memory_space<hbm>> -> memref<64x128xf32, #tpu.memory_space<hbm>>
      tpu.wait_dma2 semaphore(%arg8 : memref<!tpu.dma_semaphore, #tpu.memory_space<semaphore_mem>>) src(%dma_wait3A_432 : memref<64x128xf32, #tpu.memory_space<hbm>>) dst(%dma_wait3A_430 : memref<64x128xf32, #tpu.memory_space<vmem>>)
      %broadcast_in_dim3A_433 = vector.broadcast %and3A_212 : i32 to vector<16xi32>
      %add3A_434 = arith.constant 0 : i32
      %add3A_435 = arith.addi %mul3A_205, %add3A_434 : i32
      %add3A_436 = arith.constant 0 : i32
      %add3A_437 = arith.addi %add3A_435, %add3A_436 : i32
      %broadcast_in_dim3A_438 = vector.broadcast %add3A_437 : i32 to vector<16xi32>
      %gather3A_439 = arith.constant 0 : i32
      %gather3A_440 = arith.constant 0 : i32
      %gather3A_441 = arith.constant 0 : i32
      %gather3A_442 = tpu.memref_slice %arg6[%gather3A_439, %gather3A_440, %gather3A_441] : memref<8x64x128xf32, #tpu.memory_space<vmem>> -> memref<1x64x128xf32, #tpu.memory_space<vmem>>
      %gather3A_443 = tpu.memref_squeeze %gather3A_442 : memref<1x64x128xf32, #tpu.memory_space<vmem>> -> memref<64x128xf32, #tpu.memory_space<vmem>>
      %gather3A_444 = tpu.vector_load_idx %gather3A_443[%add3A_5, %broadcast_in_dim3A_433] : memref<64x128xf32, #tpu.memory_space<vmem>>[vector<16xi32>, vector<16xi32>], vector<16xf32>,
      tpu.vector_store_idx %arg7[%add3A_5, %broadcast_in_dim3A_438], %gather3A_444 : memref<64x512xf32, #tpu.memory_space<vmem>>[vector<16xi32>, vector<16xi32>], vector<16xf32>,
      %gather3A_445 = arith.constant 0 : i32
      %gather3A_446 = arith.constant 0 : i32
      %gather3A_447 = arith.constant 0 : i32
      %gather3A_448 = tpu.memref_slice %arg6[%gather3A_445, %gather3A_446, %gather3A_447] : memref<8x64x128xf32, #tpu.memory_space<vmem>> -> memref<1x64x128xf32, #tpu.memory_space<vmem>>
      %gather3A_449 = tpu.memref_squeeze %gather3A_448 : memref<1x64x128xf32, #tpu.memory_space<vmem>> -> memref<64x128xf32, #tpu.memory_space<vmem>>
      %gather3A_450 = tpu.vector_load_idx %gather3A_449[%add3A_8, %broadcast_in_dim3A_433] : memref<64x128xf32, #tpu.memory_space<vmem>>[vector<16xi32>, vector<16xi32>], vector<16xf32>,
      tpu.vector_store_idx %arg7[%add3A_8, %broadcast_in_dim3A_438], %gather3A_450 : memref<64x512xf32, #tpu.memory_space<vmem>>[vector<16xi32>, vector<16xi32>], vector<16xf32>,
      %gather3A_451 = arith.constant 0 : i32
      %gather3A_452 = arith.constant 0 : i32
      %gather3A_453 = arith.constant 0 : i32
      %gather3A_454 = tpu.memref_slice %arg6[%gather3A_451, %gather3A_452, %gather3A_453] : memref<8x64x128xf32, #tpu.memory_space<vmem>> -> memref<1x64x128xf32, #tpu.memory_space<vmem>>
      %gather3A_455 = tpu.memref_squeeze %gather3A_454 : memref<1x64x128xf32, #tpu.memory_space<vmem>> -> memref<64x128xf32, #tpu.memory_space<vmem>>
      %gather3A_456 = tpu.vector_load_idx %gather3A_455[%add3A_11, %broadcast_in_dim3A_433] : memref<64x128xf32, #tpu.memory_space<vmem>>[vector<16xi32>, vector<16xi32>], vector<16xf32>,
      tpu.vector_store_idx %arg7[%add3A_11, %broadcast_in_dim3A_438], %gather3A_456 : memref<64x512xf32, #tpu.memory_space<vmem>>[vector<16xi32>, vector<16xi32>], vector<16xf32>,
      %gather3A_457 = arith.constant 0 : i32
      %gather3A_458 = arith.constant 0 : i32
      %gather3A_459 = arith.constant 0 : i32
      %gather3A_460 = tpu.memref_slice %arg6[%gather3A_457, %gather3A_458, %gather3A_459] : memref<8x64x128xf32, #tpu.memory_space<vmem>> -> memref<1x64x128xf32, #tpu.memory_space<vmem>>
      %gather3A_461 = tpu.memref_squeeze %gather3A_460 : memref<1x64x128xf32, #tpu.memory_space<vmem>> -> memref<64x128xf32, #tpu.memory_space<vmem>>
      %gather3A_462 = tpu.vector_load_idx %gather3A_461[%add3A_14, %broadcast_in_dim3A_433] : memref<64x128xf32, #tpu.memory_space<vmem>>[vector<16xi32>, vector<16xi32>], vector<16xf32>,
      tpu.vector_store_idx %arg7[%add3A_14, %broadcast_in_dim3A_438], %gather3A_462 : memref<64x512xf32, #tpu.memory_space<vmem>>[vector<16xi32>, vector<16xi32>], vector<16xf32>,
      %broadcast_in_dim3A_463 = vector.broadcast %and3A_233 : i32 to vector<16xi32>
      %add3A_464 = arith.constant 0 : i32
      %add3A_465 = arith.addi %mul3A_205, %add3A_464 : i32
      %add3A_466 = arith.constant 1 : i32
      %add3A_467 = arith.addi %add3A_465, %add3A_466 : i32
      %broadcast_in_dim3A_468 = vector.broadcast %add3A_467 : i32 to vector<16xi32>
      %gather3A_469 = arith.constant 1 : i32
      %gather3A_470 = arith.constant 0 : i32
      %gather3A_471 = arith.constant 0 : i32
      %gather3A_472 = tpu.memref_slice %arg6[%gather3A_469, %gather3A_470, %gather3A_471] : memref<8x64x128xf32, #tpu.memory_space<vmem>> -> memref<1x64x128xf32, #tpu.memory_space<vmem>>
      %gather3A_473 = tpu.memref_squeeze %gather3A_472 : memref<1x64x128xf32, #tpu.memory_space<vmem>> -> memref<64x128xf32, #tpu.memory_space<vmem>>
      %gather3A_474 = tpu.vector_load_idx %gather3A_473[%add3A_5, %broadcast_in_dim3A_463] : memref<64x128xf32, #tpu.memory_space<vmem>>[vector<16xi32>, vector<16xi32>], vector<16xf32>,
      tpu.vector_store_idx %arg7[%add3A_5, %broadcast_in_dim3A_468], %gather3A_474 : memref<64x512xf32, #tpu.memory_space<vmem>>[vector<16xi32>, vector<16xi32>], vector<16xf32>,
      %gather3A_475 = arith.constant 1 : i32
      %gather3A_476 = arith.constant 0 : i32
      %gather3A_477 = arith.constant 0 : i32
      %gather3A_478 = tpu.memref_slice %arg6[%gather3A_475, %gather3A_476, %gather3A_477] : memref<8x64x128xf32, #tpu.memory_space<vmem>> -> memref<1x64x128xf32, #tpu.memory_space<vmem>>
      %gather3A_479 = tpu.memref_squeeze %gather3A_478 : memref<1x64x128xf32, #tpu.memory_space<vmem>> -> memref<64x128xf32, #tpu.memory_space<vmem>>
      %gather3A_480 = tpu.vector_load_idx %gather3A_479[%add3A_8, %broadcast_in_dim3A_463] : memref<64x128xf32, #tpu.memory_space<vmem>>[vector<16xi32>, vector<16xi32>], vector<16xf32>,
      tpu.vector_store_idx %arg7[%add3A_8, %broadcast_in_dim3A_468], %gather3A_480 : memref<64x512xf32, #tpu.memory_space<vmem>>[vector<16xi32>, vector<16xi32>], vector<16xf32>,
      %gather3A_481 = arith.constant 1 : i32
      %gather3A_482 = arith.constant 0 : i32
      %gather3A_483 = arith.constant 0 : i32
      %gather3A_484 = tpu.memref_slice %arg6[%gather3A_481, %gather3A_482, %gather3A_483] : memref<8x64x128xf32, #tpu.memory_space<vmem>> -> memref<1x64x128xf32, #tpu.memory_space<vmem>>
      %gather3A_485 = tpu.memref_squeeze %gather3A_484 : memref<1x64x128xf32, #tpu.memory_space<vmem>> -> memref<64x128xf32, #tpu.memory_space<vmem>>
      %gather3A_486 = tpu.vector_load_idx %gather3A_485[%add3A_11, %broadcast_in_dim3A_463] : memref<64x128xf32, #tpu.memory_space<vmem>>[vector<16xi32>, vector<16xi32>], vector<16xf32>,
      tpu.vector_store_idx %arg7[%add3A_11, %broadcast_in_dim3A_468], %gather3A_486 : memref<64x512xf32, #tpu.memory_space<vmem>>[vector<16xi32>, vector<16xi32>], vector<16xf32>,
      %gather3A_487 = arith.constant 1 : i32
      %gather3A_488 = arith.constant 0 : i32
      %gather3A_489 = arith.constant 0 : i32
      %gather3A_490 = tpu.memref_slice %arg6[%gather3A_487, %gather3A_488, %gather3A_489] : memref<8x64x128xf32, #tpu.memory_space<vmem>> -> memref<1x64x128xf32, #tpu.memory_space<vmem>>
      %gather3A_491 = tpu.memref_squeeze %gather3A_490 : memref<1x64x128xf32, #tpu.memory_space<vmem>> -> memref<64x128xf32, #tpu.memory_space<vmem>>
      %gather3A_492 = tpu.vector_load_idx %gather3A_491[%add3A_14, %broadcast_in_dim3A_463] : memref<64x128xf32, #tpu.memory_space<vmem>>[vector<16xi32>, vector<16xi32>], vector<16xf32>,
      tpu.vector_store_idx %arg7[%add3A_14, %broadcast_in_dim3A_468], %gather3A_492 : memref<64x512xf32, #tpu.memory_space<vmem>>[vector<16xi32>, vector<16xi32>], vector<16xf32>,
      %broadcast_in_dim3A_493 = vector.broadcast %and3A_255 : i32 to vector<16xi32>
      %add3A_494 = arith.constant 0 : i32
      %add3A_495 = arith.addi %mul3A_205, %add3A_494 : i32
      %add3A_496 = arith.constant 2 : i32
      %add3A_497 = arith.addi %add3A_495, %add3A_496 : i32
      %broadcast_in_dim3A_498 = vector.broadcast %add3A_497 : i32 to vector<16xi32>
      %gather3A_499 = arith.constant 2 : i32
      %gather3A_500 = arith.constant 0 : i32
      %gather3A_501 = arith.constant 0 : i32
      %gather3A_502 = tpu.memref_slice %arg6[%gather3A_499, %gather3A_500, %gather3A_501] : memref<8x64x128xf32, #tpu.memory_space<vmem>> -> memref<1x64x128xf32, #tpu.memory_space<vmem>>
      %gather3A_503 = tpu.memref_squeeze %gather3A_502 : memref<1x64x128xf32, #tpu.memory_space<vmem>> -> memref<64x128xf32, #tpu.memory_space<vmem>>
      %gather3A_504 = tpu.vector_load_idx %gather3A_503[%add3A_5, %broadcast_in_dim3A_493] : memref<64x128xf32, #tpu.memory_space<vmem>>[vector<16xi32>, vector<16xi32>], vector<16xf32>,
      tpu.vector_store_idx %arg7[%add3A_5, %broadcast_in_dim3A_498], %gather3A_504 : memref<64x512xf32, #tpu.memory_space<vmem>>[vector<16xi32>, vector<16xi32>], vector<16xf32>,
      %gather3A_505 = arith.constant 2 : i32
      %gather3A_506 = arith.constant 0 : i32
      %gather3A_507 = arith.constant 0 : i32
      %gather3A_508 = tpu.memref_slice %arg6[%gather3A_505, %gather3A_506, %gather3A_507] : memref<8x64x128xf32, #tpu.memory_space<vmem>> -> memref<1x64x128xf32, #tpu.memory_space<vmem>>
      %gather3A_509 = tpu.memref_squeeze %gather3A_508 : memref<1x64x128xf32, #tpu.memory_space<vmem>> -> memref<64x128xf32, #tpu.memory_space<vmem>>
      %gather3A_510 = tpu.vector_load_idx %gather3A_509[%add3A_8, %broadcast_in_dim3A_493] : memref<64x128xf32, #tpu.memory_space<vmem>>[vector<16xi32>, vector<16xi32>], vector<16xf32>,
      tpu.vector_store_idx %arg7[%add3A_8, %broadcast_in_dim3A_498], %gather3A_510 : memref<64x512xf32, #tpu.memory_space<vmem>>[vector<16xi32>, vector<16xi32>], vector<16xf32>,
      %gather3A_511 = arith.constant 2 : i32
      %gather3A_512 = arith.constant 0 : i32
      %gather3A_513 = arith.constant 0 : i32
      %gather3A_514 = tpu.memref_slice %arg6[%gather3A_511, %gather3A_512, %gather3A_513] : memref<8x64x128xf32, #tpu.memory_space<vmem>> -> memref<1x64x128xf32, #tpu.memory_space<vmem>>
      %gather3A_515 = tpu.memref_squeeze %gather3A_514 : memref<1x64x128xf32, #tpu.memory_space<vmem>> -> memref<64x128xf32, #tpu.memory_space<vmem>>
      %gather3A_516 = tpu.vector_load_idx %gather3A_515[%add3A_11, %broadcast_in_dim3A_493] : memref<64x128xf32, #tpu.memory_space<vmem>>[vector<16xi32>, vector<16xi32>], vector<16xf32>,
      tpu.vector_store_idx %arg7[%add3A_11, %broadcast_in_dim3A_498], %gather3A_516 : memref<64x512xf32, #tpu.memory_space<vmem>>[vector<16xi32>, vector<16xi32>], vector<16xf32>,
      %gather3A_517 = arith.constant 2 : i32
      %gather3A_518 = arith.constant 0 : i32
      %gather3A_519 = arith.constant 0 : i32
      %gather3A_520 = tpu.memref_slice %arg6[%gather3A_517, %gather3A_518, %gather3A_519] : memref<8x64x128xf32, #tpu.memory_space<vmem>> -> memref<1x64x128xf32, #tpu.memory_space<vmem>>
      %gather3A_521 = tpu.memref_squeeze %gather3A_520 : memref<1x64x128xf32, #tpu.memory_space<vmem>> -> memref<64x128xf32, #tpu.memory_space<vmem>>
      %gather3A_522 = tpu.vector_load_idx %gather3A_521[%add3A_14, %broadcast_in_dim3A_493] : memref<64x128xf32, #tpu.memory_space<vmem>>[vector<16xi32>, vector<16xi32>], vector<16xf32>,
      tpu.vector_store_idx %arg7[%add3A_14, %broadcast_in_dim3A_498], %gather3A_522 : memref<64x512xf32, #tpu.memory_space<vmem>>[vector<16xi32>, vector<16xi32>], vector<16xf32>,
      %broadcast_in_dim3A_523 = vector.broadcast %and3A_277 : i32 to vector<16xi32>
      %add3A_524 = arith.constant 0 : i32
      %add3A_525 = arith.addi %mul3A_205, %add3A_524 : i32
      %add3A_526 = arith.constant 3 : i32
      %add3A_527 = arith.addi %add3A_525, %add3A_526 : i32
      %broadcast_in_dim3A_528 = vector.broadcast %add3A_527 : i32 to vector<16xi32>
      %gather3A_529 = arith.constant 3 : i32
      %gather3A_530 = arith.constant 0 : i32
      %gather3A_531 = arith.constant 0 : i32
      %gather3A_532 = tpu.memref_slice %arg6[%gather3A_529, %gather3A_530, %gather3A_531] : memref<8x64x128xf32, #tpu.memory_space<vmem>> -> memref<1x64x128xf32, #tpu.memory_space<vmem>>
      %gather3A_533 = tpu.memref_squeeze %gather3A_532 : memref<1x64x128xf32, #tpu.memory_space<vmem>> -> memref<64x128xf32, #tpu.memory_space<vmem>>
      %gather3A_534 = tpu.vector_load_idx %gather3A_533[%add3A_5, %broadcast_in_dim3A_523] : memref<64x128xf32, #tpu.memory_space<vmem>>[vector<16xi32>, vector<16xi32>], vector<16xf32>,
      tpu.vector_store_idx %arg7[%add3A_5, %broadcast_in_dim3A_528], %gather3A_534 : memref<64x512xf32, #tpu.memory_space<vmem>>[vector<16xi32>, vector<16xi32>], vector<16xf32>,
      %gather3A_535 = arith.constant 3 : i32
      %gather3A_536 = arith.constant 0 : i32
      %gather3A_537 = arith.constant 0 : i32
      %gather3A_538 = tpu.memref_slice %arg6[%gather3A_535, %gather3A_536, %gather3A_537] : memref<8x64x128xf32, #tpu.memory_space<vmem>> -> memref<1x64x128xf32, #tpu.memory_space<vmem>>
      %gather3A_539 = tpu.memref_squeeze %gather3A_538 : memref<1x64x128xf32, #tpu.memory_space<vmem>> -> memref<64x128xf32, #tpu.memory_space<vmem>>
      %gather3A_540 = tpu.vector_load_idx %gather3A_539[%add3A_8, %broadcast_in_dim3A_523] : memref<64x128xf32, #tpu.memory_space<vmem>>[vector<16xi32>, vector<16xi32>], vector<16xf32>,
      tpu.vector_store_idx %arg7[%add3A_8, %broadcast_in_dim3A_528], %gather3A_540 : memref<64x512xf32, #tpu.memory_space<vmem>>[vector<16xi32>, vector<16xi32>], vector<16xf32>,
      %gather3A_541 = arith.constant 3 : i32
      %gather3A_542 = arith.constant 0 : i32
      %gather3A_543 = arith.constant 0 : i32
      %gather3A_544 = tpu.memref_slice %arg6[%gather3A_541, %gather3A_542, %gather3A_543] : memref<8x64x128xf32, #tpu.memory_space<vmem>> -> memref<1x64x128xf32, #tpu.memory_space<vmem>>
      %gather3A_545 = tpu.memref_squeeze %gather3A_544 : memref<1x64x128xf32, #tpu.memory_space<vmem>> -> memref<64x128xf32, #tpu.memory_space<vmem>>
      %gather3A_546 = tpu.vector_load_idx %gather3A_545[%add3A_11, %broadcast_in_dim3A_523] : memref<64x128xf32, #tpu.memory_space<vmem>>[vector<16xi32>, vector<16xi32>], vector<16xf32>,
      tpu.vector_store_idx %arg7[%add3A_11, %broadcast_in_dim3A_528], %gather3A_546 : memref<64x512xf32, #tpu.memory_space<vmem>>[vector<16xi32>, vector<16xi32>], vector<16xf32>,
      %gather3A_547 = arith.constant 3 : i32
      %gather3A_548 = arith.constant 0 : i32
      %gather3A_549 = arith.constant 0 : i32
      %gather3A_550 = tpu.memref_slice %arg6[%gather3A_547, %gather3A_548, %gather3A_549] : memref<8x64x128xf32, #tpu.memory_space<vmem>> -> memref<1x64x128xf32, #tpu.memory_space<vmem>>
      %gather3A_551 = tpu.memref_squeeze %gather3A_550 : memref<1x64x128xf32, #tpu.memory_space<vmem>> -> memref<64x128xf32, #tpu.memory_space<vmem>>
      %gather3A_552 = tpu.vector_load_idx %gather3A_551[%add3A_14, %broadcast_in_dim3A_523] : memref<64x128xf32, #tpu.memory_space<vmem>>[vector<16xi32>, vector<16xi32>], vector<16xf32>,
      tpu.vector_store_idx %arg7[%add3A_14, %broadcast_in_dim3A_528], %gather3A_552 : memref<64x512xf32, #tpu.memory_space<vmem>>[vector<16xi32>, vector<16xi32>], vector<16xf32>,
      %slice3A_553 = vector.extract_strided_slice %get3A_203 {offsets = [8], sizes = [1], strides = [1]} : vector<16xi32> to vector<1xi32>
      %squeeze3A_554 = vector.extract %slice3A_553[0] : i32 from vector<1xi32>
      %shift_right_arithmetic3A_555 = arith.constant 7 : i32
      %shift_right_arithmetic3A_556 = arith.shrsi %squeeze3A_554, %shift_right_arithmetic3A_555 : i32
      %mul3A_557 = arith.constant 128 : i32
      %mul3A_558 = arith.muli %shift_right_arithmetic3A_556, %mul3A_557 : i32
      %multiple_of3A_559 = tpu.assume_multiple %mul3A_558, 128 : i32
      %and3A_560 = arith.constant 127 : i32
      %and3A_561 = arith.andi %squeeze3A_554, %and3A_560 : i32
      %dma_start3A_562 = arith.constant 0 : i32
      %dma_start3A_563 = arith.constant 0 : i32
      %dma_start3A_564 = arith.constant 0 : i32
      %dma_start3A_565 = tpu.memref_slice %arg6[%dma_start3A_562, %dma_start3A_563, %dma_start3A_564] : memref<8x64x128xf32, #tpu.memory_space<vmem>> -> memref<1x64x128xf32, #tpu.memory_space<vmem>>
      %dma_start3A_566 = tpu.memref_squeeze %dma_start3A_565 : memref<1x64x128xf32, #tpu.memory_space<vmem>> -> memref<64x128xf32, #tpu.memory_space<vmem>>
      %dma_start3A_567 = arith.constant 0 : i32
      %dma_start3A_568 = tpu.memref_slice %arg3[%dma_start3A_567, %multiple_of3A_559] : memref<64x1000000xf32, #tpu.memory_space<hbm>> -> memref<64x128xf32, #tpu.memory_space<hbm>>
      %dma_start3A_569 = arith.constant 0 : i32
      %dma_start3A_570 = arith.constant 0 : i32
      %dma_start3A_571 = tpu.memref_slice %arg6[%dma_start3A_562, %dma_start3A_569, %dma_start3A_570] : memref<8x64x128xf32, #tpu.memory_space<vmem>> -> memref<1x64x128xf32, #tpu.memory_space<vmem>>
      %dma_start3A_572 = tpu.memref_squeeze %dma_start3A_571 : memref<1x64x128xf32, #tpu.memory_space<vmem>> -> memref<64x128xf32, #tpu.memory_space<vmem>>
      %dma_start3A_573 = arith.constant 0 : i32
      %dma_start3A_574 = tpu.memref_slice %arg3[%dma_start3A_573, %multiple_of3A_559] : memref<64x1000000xf32, #tpu.memory_space<hbm>> -> memref<64x128xf32, #tpu.memory_space<hbm>>
      tpu.enqueue_dma source(%dma_start3A_574 : memref<64x128xf32, #tpu.memory_space<hbm>>) target(%dma_start3A_572 : memref<64x128xf32, #tpu.memory_space<vmem>>) target_semaphore(%arg8 : memref<!tpu.dma_semaphore, #tpu.memory_space<semaphore_mem>>)
      %slice3A_575 = vector.extract_strided_slice %get3A_203 {offsets = [9], sizes = [1], strides = [1]} : vector<16xi32> to vector<1xi32>
      %squeeze3A_576 = vector.extract %slice3A_575[0] : i32 from vector<1xi32>
      %shift_right_arithmetic3A_577 = arith.constant 7 : i32
      %shift_right_arithmetic3A_578 = arith.shrsi %squeeze3A_576, %shift_right_arithmetic3A_577 : i32
      %mul3A_579 = arith.constant 128 : i32
      %mul3A_580 = arith.muli %shift_right_arithmetic3A_578, %mul3A_579 : i32
      %multiple_of3A_581 = tpu.assume_multiple %mul3A_580, 128 : i32
      %and3A_582 = arith.constant 127 : i32
      %and3A_583 = arith.andi %squeeze3A_576, %and3A_582 : i32
      %dma_start3A_584 = arith.constant 1 : i32
      %dma_start3A_585 = arith.constant 0 : i32
      %dma_start3A_586 = arith.constant 0 : i32
      %dma_start3A_587 = tpu.memref_slice %arg6[%dma_start3A_584, %dma_start3A_585, %dma_start3A_586] : memref<8x64x128xf32, #tpu.memory_space<vmem>> -> memref<1x64x128xf32, #tpu.memory_space<vmem>>
      %dma_start3A_588 = tpu.memref_squeeze %dma_start3A_587 : memref<1x64x128xf32, #tpu.memory_space<vmem>> -> memref<64x128xf32, #tpu.memory_space<vmem>>
      %dma_start3A_589 = arith.constant 0 : i32
      %dma_start3A_590 = tpu.memref_slice %arg3[%dma_start3A_589, %multiple_of3A_581] : memref<64x1000000xf32, #tpu.memory_space<hbm>> -> memref<64x128xf32, #tpu.memory_space<hbm>>
      %dma_start3A_591 = arith.constant 0 : i32
      %dma_start3A_592 = arith.constant 0 : i32
      %dma_start3A_593 = tpu.memref_slice %arg6[%dma_start3A_584, %dma_start3A_591, %dma_start3A_592] : memref<8x64x128xf32, #tpu.memory_space<vmem>> -> memref<1x64x128xf32, #tpu.memory_space<vmem>>
      %dma_start3A_594 = tpu.memref_squeeze %dma_start3A_593 : memref<1x64x128xf32, #tpu.memory_space<vmem>> -> memref<64x128xf32, #tpu.memory_space<vmem>>
      %dma_start3A_595 = arith.constant 0 : i32
      %dma_start3A_596 = tpu.memref_slice %arg3[%dma_start3A_595, %multiple_of3A_581] : memref<64x1000000xf32, #tpu.memory_space<hbm>> -> memref<64x128xf32, #tpu.memory_space<hbm>>
      tpu.enqueue_dma source(%dma_start3A_596 : memref<64x128xf32, #tpu.memory_space<hbm>>) target(%dma_start3A_594 : memref<64x128xf32, #tpu.memory_space<vmem>>) target_semaphore(%arg8 : memref<!tpu.dma_semaphore, #tpu.memory_space<semaphore_mem>>)
      %slice3A_597 = vector.extract_strided_slice %get3A_203 {offsets = [10], sizes = [1], strides = [1]} : vector<16xi32> to vector<1xi32>
      %squeeze3A_598 = vector.extract %slice3A_597[0] : i32 from vector<1xi32>
      %shift_right_arithmetic3A_599 = arith.constant 7 : i32
      %shift_right_arithmetic3A_600 = arith.shrsi %squeeze3A_598, %shift_right_arithmetic3A_599 : i32
      %mul3A_601 = arith.constant 128 : i32
      %mul3A_602 = arith.muli %shift_right_arithmetic3A_600, %mul3A_601 : i32
      %multiple_of3A_603 = tpu.assume_multiple %mul3A_602, 128 : i32
      %and3A_604 = arith.constant 127 : i32
      %and3A_605 = arith.andi %squeeze3A_598, %and3A_604 : i32
      %dma_start3A_606 = arith.constant 2 : i32
      %dma_start3A_607 = arith.constant 0 : i32
      %dma_start3A_608 = arith.constant 0 : i32
      %dma_start3A_609 = tpu.memref_slice %arg6[%dma_start3A_606, %dma_start3A_607, %dma_start3A_608] : memref<8x64x128xf32, #tpu.memory_space<vmem>> -> memref<1x64x128xf32, #tpu.memory_space<vmem>>
      %dma_start3A_610 = tpu.memref_squeeze %dma_start3A_609 : memref<1x64x128xf32, #tpu.memory_space<vmem>> -> memref<64x128xf32, #tpu.memory_space<vmem>>
      %dma_start3A_611 = arith.constant 0 : i32
      %dma_start3A_612 = tpu.memref_slice %arg3[%dma_start3A_611, %multiple_of3A_603] : memref<64x1000000xf32, #tpu.memory_space<hbm>> -> memref<64x128xf32, #tpu.memory_space<hbm>>
      %dma_start3A_613 = arith.constant 0 : i32
      %dma_start3A_614 = arith.constant 0 : i32
      %dma_start3A_615 = tpu.memref_slice %arg6[%dma_start3A_606, %dma_start3A_613, %dma_start3A_614] : memref<8x64x128xf32, #tpu.memory_space<vmem>> -> memref<1x64x128xf32, #tpu.memory_space<vmem>>
      %dma_start3A_616 = tpu.memref_squeeze %dma_start3A_615 : memref<1x64x128xf32, #tpu.memory_space<vmem>> -> memref<64x128xf32, #tpu.memory_space<vmem>>
      %dma_start3A_617 = arith.constant 0 : i32
      %dma_start3A_618 = tpu.memref_slice %arg3[%dma_start3A_617, %multiple_of3A_603] : memref<64x1000000xf32, #tpu.memory_space<hbm>> -> memref<64x128xf32, #tpu.memory_space<hbm>>
      tpu.enqueue_dma source(%dma_start3A_618 : memref<64x128xf32, #tpu.memory_space<hbm>>) target(%dma_start3A_616 : memref<64x128xf32, #tpu.memory_space<vmem>>) target_semaphore(%arg8 : memref<!tpu.dma_semaphore, #tpu.memory_space<semaphore_mem>>)
      %slice3A_619 = vector.extract_strided_slice %get3A_203 {offsets = [11], sizes = [1], strides = [1]} : vector<16xi32> to vector<1xi32>
      %squeeze3A_620 = vector.extract %slice3A_619[0] : i32 from vector<1xi32>
      %shift_right_arithmetic3A_621 = arith.constant 7 : i32
      %shift_right_arithmetic3A_622 = arith.shrsi %squeeze3A_620, %shift_right_arithmetic3A_621 : i32
      %mul3A_623 = arith.constant 128 : i32
      %mul3A_624 = arith.muli %shift_right_arithmetic3A_622, %mul3A_623 : i32
      %multiple_of3A_625 = tpu.assume_multiple %mul3A_624, 128 : i32
      %and3A_626 = arith.constant 127 : i32
      %and3A_627 = arith.andi %squeeze3A_620, %and3A_626 : i32
      %dma_start3A_628 = arith.constant 3 : i32
      %dma_start3A_629 = arith.constant 0 : i32
      %dma_start3A_630 = arith.constant 0 : i32
      %dma_start3A_631 = tpu.memref_slice %arg6[%dma_start3A_628, %dma_start3A_629, %dma_start3A_630] : memref<8x64x128xf32, #tpu.memory_space<vmem>> -> memref<1x64x128xf32, #tpu.memory_space<vmem>>
      %dma_start3A_632 = tpu.memref_squeeze %dma_start3A_631 : memref<1x64x128xf32, #tpu.memory_space<vmem>> -> memref<64x128xf32, #tpu.memory_space<vmem>>
      %dma_start3A_633 = arith.constant 0 : i32
      %dma_start3A_634 = tpu.memref_slice %arg3[%dma_start3A_633, %multiple_of3A_625] : memref<64x1000000xf32, #tpu.memory_space<hbm>> -> memref<64x128xf32, #tpu.memory_space<hbm>>
      %dma_start3A_635 = arith.constant 0 : i32
      %dma_start3A_636 = arith.constant 0 : i32
      %dma_start3A_637 = tpu.memref_slice %arg6[%dma_start3A_628, %dma_start3A_635, %dma_start3A_636] : memref<8x64x128xf32, #tpu.memory_space<vmem>> -> memref<1x64x128xf32, #tpu.memory_space<vmem>>
      %dma_start3A_638 = tpu.memref_squeeze %dma_start3A_637 : memref<1x64x128xf32, #tpu.memory_space<vmem>> -> memref<64x128xf32, #tpu.memory_space<vmem>>
      %dma_start3A_639 = arith.constant 0 : i32
      %dma_start3A_640 = tpu.memref_slice %arg3[%dma_start3A_639, %multiple_of3A_625] : memref<64x1000000xf32, #tpu.memory_space<hbm>> -> memref<64x128xf32, #tpu.memory_space<hbm>>
      tpu.enqueue_dma source(%dma_start3A_640 : memref<64x128xf32, #tpu.memory_space<hbm>>) target(%dma_start3A_638 : memref<64x128xf32, #tpu.memory_space<vmem>>) target_semaphore(%arg8 : memref<!tpu.dma_semaphore, #tpu.memory_space<semaphore_mem>>)
      %dma_wait3A_641 = arith.constant 4 : i32
      %dma_wait3A_642 = arith.constant 0 : i32
      %dma_wait3A_643 = arith.constant 0 : i32
      %dma_wait3A_644 = tpu.memref_slice %arg6[%dma_wait3A_641, %dma_wait3A_642, %dma_wait3A_643] : memref<8x64x128xf32, #tpu.memory_space<vmem>> -> memref<1x64x128xf32, #tpu.memory_space<vmem>>
      %dma_wait3A_645 = tpu.memref_squeeze %dma_wait3A_644 : memref<1x64x128xf32, #tpu.memory_space<vmem>> -> memref<64x128xf32, #tpu.memory_space<vmem>>
      %dma_wait3A_646 = arith.constant 0 : i32
      %dma_wait3A_647 = tpu.memref_slice %arg3[%dma_wait3A_646, %multiple_of3A_299] : memref<64x1000000xf32, #tpu.memory_space<hbm>> -> memref<64x128xf32, #tpu.memory_space<hbm>>
      %dma_wait3A_648 = arith.constant 0 : i32
      %dma_wait3A_649 = arith.constant 0 : i32
      %dma_wait3A_650 = tpu.memref_slice %arg6[%dma_wait3A_641, %dma_wait3A_648, %dma_wait3A_649] : memref<8x64x128xf32, #tpu.memory_space<vmem>> -> memref<1x64x128xf32, #tpu.memory_space<vmem>>
      %dma_wait3A_651 = tpu.memref_squeeze %dma_wait3A_650 : memref<1x64x128xf32, #tpu.memory_space<vmem>> -> memref<64x128xf32, #tpu.memory_space<vmem>>
      %dma_wait3A_652 = arith.constant 0 : i32
      %dma_wait3A_653 = tpu.memref_slice %arg3[%dma_wait3A_652, %multiple_of3A_299] : memref<64x1000000xf32, #tpu.memory_space<hbm>> -> memref<64x128xf32, #tpu.memory_space<hbm>>
      tpu.wait_dma2 semaphore(%arg8 : memref<!tpu.dma_semaphore, #tpu.memory_space<semaphore_mem>>) src(%dma_wait3A_653 : memref<64x128xf32, #tpu.memory_space<hbm>>) dst(%dma_wait3A_651 : memref<64x128xf32, #tpu.memory_space<vmem>>)
      %dma_wait3A_654 = arith.constant 5 : i32
      %dma_wait3A_655 = arith.constant 0 : i32
      %dma_wait3A_656 = arith.constant 0 : i32
      %dma_wait3A_657 = tpu.memref_slice %arg6[%dma_wait3A_654, %dma_wait3A_655, %dma_wait3A_656] : memref<8x64x128xf32, #tpu.memory_space<vmem>> -> memref<1x64x128xf32, #tpu.memory_space<vmem>>
      %dma_wait3A_658 = tpu.memref_squeeze %dma_wait3A_657 : memref<1x64x128xf32, #tpu.memory_space<vmem>> -> memref<64x128xf32, #tpu.memory_space<vmem>>
      %dma_wait3A_659 = arith.constant 0 : i32
      %dma_wait3A_660 = tpu.memref_slice %arg3[%dma_wait3A_659, %multiple_of3A_321] : memref<64x1000000xf32, #tpu.memory_space<hbm>> -> memref<64x128xf32, #tpu.memory_space<hbm>>
      %dma_wait3A_661 = arith.constant 0 : i32
      %dma_wait3A_662 = arith.constant 0 : i32
      %dma_wait3A_663 = tpu.memref_slice %arg6[%dma_wait3A_654, %dma_wait3A_661, %dma_wait3A_662] : memref<8x64x128xf32, #tpu.memory_space<vmem>> -> memref<1x64x128xf32, #tpu.memory_space<vmem>>
      %dma_wait3A_664 = tpu.memref_squeeze %dma_wait3A_663 : memref<1x64x128xf32, #tpu.memory_space<vmem>> -> memref<64x128xf32, #tpu.memory_space<vmem>>
      %dma_wait3A_665 = arith.constant 0 : i32
      %dma_wait3A_666 = tpu.memref_slice %arg3[%dma_wait3A_665, %multiple_of3A_321] : memref<64x1000000xf32, #tpu.memory_space<hbm>> -> memref<64x128xf32, #tpu.memory_space<hbm>>
      tpu.wait_dma2 semaphore(%arg8 : memref<!tpu.dma_semaphore, #tpu.memory_space<semaphore_mem>>) src(%dma_wait3A_666 : memref<64x128xf32, #tpu.memory_space<hbm>>) dst(%dma_wait3A_664 : memref<64x128xf32, #tpu.memory_space<vmem>>)
      %dma_wait3A_667 = arith.constant 6 : i32
      %dma_wait3A_668 = arith.constant 0 : i32
      %dma_wait3A_669 = arith.constant 0 : i32
      %dma_wait3A_670 = tpu.memref_slice %arg6[%dma_wait3A_667, %dma_wait3A_668, %dma_wait3A_669] : memref<8x64x128xf32, #tpu.memory_space<vmem>> -> memref<1x64x128xf32, #tpu.memory_space<vmem>>
      %dma_wait3A_671 = tpu.memref_squeeze %dma_wait3A_670 : memref<1x64x128xf32, #tpu.memory_space<vmem>> -> memref<64x128xf32, #tpu.memory_space<vmem>>
      %dma_wait3A_672 = arith.constant 0 : i32
      %dma_wait3A_673 = tpu.memref_slice %arg3[%dma_wait3A_672, %multiple_of3A_343] : memref<64x1000000xf32, #tpu.memory_space<hbm>> -> memref<64x128xf32, #tpu.memory_space<hbm>>
      %dma_wait3A_674 = arith.constant 0 : i32
      %dma_wait3A_675 = arith.constant 0 : i32
      %dma_wait3A_676 = tpu.memref_slice %arg6[%dma_wait3A_667, %dma_wait3A_674, %dma_wait3A_675] : memref<8x64x128xf32, #tpu.memory_space<vmem>> -> memref<1x64x128xf32, #tpu.memory_space<vmem>>
      %dma_wait3A_677 = tpu.memref_squeeze %dma_wait3A_676 : memref<1x64x128xf32, #tpu.memory_space<vmem>> -> memref<64x128xf32, #tpu.memory_space<vmem>>
      %dma_wait3A_678 = arith.constant 0 : i32
      %dma_wait3A_679 = tpu.memref_slice %arg3[%dma_wait3A_678, %multiple_of3A_343] : memref<64x1000000xf32, #tpu.memory_space<hbm>> -> memref<64x128xf32, #tpu.memory_space<hbm>>
      tpu.wait_dma2 semaphore(%arg8 : memref<!tpu.dma_semaphore, #tpu.memory_space<semaphore_mem>>) src(%dma_wait3A_679 : memref<64x128xf32, #tpu.memory_space<hbm>>) dst(%dma_wait3A_677 : memref<64x128xf32, #tpu.memory_space<vmem>>)
      %dma_wait3A_680 = arith.constant 7 : i32
      %dma_wait3A_681 = arith.constant 0 : i32
      %dma_wait3A_682 = arith.constant 0 : i32
      %dma_wait3A_683 = tpu.memref_slice %arg6[%dma_wait3A_680, %dma_wait3A_681, %dma_wait3A_682] : memref<8x64x128xf32, #tpu.memory_space<vmem>> -> memref<1x64x128xf32, #tpu.memory_space<vmem>>
      %dma_wait3A_684 = tpu.memref_squeeze %dma_wait3A_683 : memref<1x64x128xf32, #tpu.memory_space<vmem>> -> memref<64x128xf32, #tpu.memory_space<vmem>>
      %dma_wait3A_685 = arith.constant 0 : i32
      %dma_wait3A_686 = tpu.memref_slice %arg3[%dma_wait3A_685, %multiple_of3A_365] : memref<64x1000000xf32, #tpu.memory_space<hbm>> -> memref<64x128xf32, #tpu.memory_space<hbm>>
      %dma_wait3A_687 = arith.constant 0 : i32
      %dma_wait3A_688 = arith.constant 0 : i32
      %dma_wait3A_689 = tpu.memref_slice %arg6[%dma_wait3A_680, %dma_wait3A_687, %dma_wait3A_688] : memref<8x64x128xf32, #tpu.memory_space<vmem>> -> memref<1x64x128xf32, #tpu.memory_space<vmem>>
      %dma_wait3A_690 = tpu.memref_squeeze %dma_wait3A_689 : memref<1x64x128xf32, #tpu.memory_space<vmem>> -> memref<64x128xf32, #tpu.memory_space<vmem>>
      %dma_wait3A_691 = arith.constant 0 : i32
      %dma_wait3A_692 = tpu.memref_slice %arg3[%dma_wait3A_691, %multiple_of3A_365] : memref<64x1000000xf32, #tpu.memory_space<hbm>> -> memref<64x128xf32, #tpu.memory_space<hbm>>
      tpu.wait_dma2 semaphore(%arg8 : memref<!tpu.dma_semaphore, #tpu.memory_space<semaphore_mem>>) src(%dma_wait3A_692 : memref<64x128xf32, #tpu.memory_space<hbm>>) dst(%dma_wait3A_690 : memref<64x128xf32, #tpu.memory_space<vmem>>)
      %broadcast_in_dim3A_693 = vector.broadcast %and3A_301 : i32 to vector<16xi32>
      %add3A_694 = arith.constant 4 : i32
      %add3A_695 = arith.addi %mul3A_205, %add3A_694 : i32
      %add3A_696 = arith.constant 0 : i32
      %add3A_697 = arith.addi %add3A_695, %add3A_696 : i32
      %broadcast_in_dim3A_698 = vector.broadcast %add3A_697 : i32 to vector<16xi32>
      %gather3A_699 = arith.constant 4 : i32
      %gather3A_700 = arith.constant 0 : i32
      %gather3A_701 = arith.constant 0 : i32
      %gather3A_702 = tpu.memref_slice %arg6[%gather3A_699, %gather3A_700, %gather3A_701] : memref<8x64x128xf32, #tpu.memory_space<vmem>> -> memref<1x64x128xf32, #tpu.memory_space<vmem>>
      %gather3A_703 = tpu.memref_squeeze %gather3A_702 : memref<1x64x128xf32, #tpu.memory_space<vmem>> -> memref<64x128xf32, #tpu.memory_space<vmem>>
      %gather3A_704 = tpu.vector_load_idx %gather3A_703[%add3A_5, %broadcast_in_dim3A_693] : memref<64x128xf32, #tpu.memory_space<vmem>>[vector<16xi32>, vector<16xi32>], vector<16xf32>,
      tpu.vector_store_idx %arg7[%add3A_5, %broadcast_in_dim3A_698], %gather3A_704 : memref<64x512xf32, #tpu.memory_space<vmem>>[vector<16xi32>, vector<16xi32>], vector<16xf32>,
      %gather3A_705 = arith.constant 4 : i32
      %gather3A_706 = arith.constant 0 : i32
      %gather3A_707 = arith.constant 0 : i32
      %gather3A_708 = tpu.memref_slice %arg6[%gather3A_705, %gather3A_706, %gather3A_707] : memref<8x64x128xf32, #tpu.memory_space<vmem>> -> memref<1x64x128xf32, #tpu.memory_space<vmem>>
      %gather3A_709 = tpu.memref_squeeze %gather3A_708 : memref<1x64x128xf32, #tpu.memory_space<vmem>> -> memref<64x128xf32, #tpu.memory_space<vmem>>
      %gather3A_710 = tpu.vector_load_idx %gather3A_709[%add3A_8, %broadcast_in_dim3A_693] : memref<64x128xf32, #tpu.memory_space<vmem>>[vector<16xi32>, vector<16xi32>], vector<16xf32>,
      tpu.vector_store_idx %arg7[%add3A_8, %broadcast_in_dim3A_698], %gather3A_710 : memref<64x512xf32, #tpu.memory_space<vmem>>[vector<16xi32>, vector<16xi32>], vector<16xf32>,
      %gather3A_711 = arith.constant 4 : i32
      %gather3A_712 = arith.constant 0 : i32
      %gather3A_713 = arith.constant 0 : i32
      %gather3A_714 = tpu.memref_slice %arg6[%gather3A_711, %gather3A_712, %gather3A_713] : memref<8x64x128xf32, #tpu.memory_space<vmem>> -> memref<1x64x128xf32, #tpu.memory_space<vmem>>
      %gather3A_715 = tpu.memref_squeeze %gather3A_714 : memref<1x64x128xf32, #tpu.memory_space<vmem>> -> memref<64x128xf32, #tpu.memory_space<vmem>>
      %gather3A_716 = tpu.vector_load_idx %gather3A_715[%add3A_11, %broadcast_in_dim3A_693] : memref<64x128xf32, #tpu.memory_space<vmem>>[vector<16xi32>, vector<16xi32>], vector<16xf32>,
      tpu.vector_store_idx %arg7[%add3A_11, %broadcast_in_dim3A_698], %gather3A_716 : memref<64x512xf32, #tpu.memory_space<vmem>>[vector<16xi32>, vector<16xi32>], vector<16xf32>,
      %gather3A_717 = arith.constant 4 : i32
      %gather3A_718 = arith.constant 0 : i32
      %gather3A_719 = arith.constant 0 : i32
      %gather3A_720 = tpu.memref_slice %arg6[%gather3A_717, %gather3A_718, %gather3A_719] : memref<8x64x128xf32, #tpu.memory_space<vmem>> -> memref<1x64x128xf32, #tpu.memory_space<vmem>>
      %gather3A_721 = tpu.memref_squeeze %gather3A_720 : memref<1x64x128xf32, #tpu.memory_space<vmem>> -> memref<64x128xf32, #tpu.memory_space<vmem>>
      %gather3A_722 = tpu.vector_load_idx %gather3A_721[%add3A_14, %broadcast_in_dim3A_693] : memref<64x128xf32, #tpu.memory_space<vmem>>[vector<16xi32>, vector<16xi32>], vector<16xf32>,
      tpu.vector_store_idx %arg7[%add3A_14, %broadcast_in_dim3A_698], %gather3A_722 : memref<64x512xf32, #tpu.memory_space<vmem>>[vector<16xi32>, vector<16xi32>], vector<16xf32>,
      %broadcast_in_dim3A_723 = vector.broadcast %and3A_323 : i32 to vector<16xi32>
      %add3A_724 = arith.constant 4 : i32
      %add3A_725 = arith.addi %mul3A_205, %add3A_724 : i32
      %add3A_726 = arith.constant 1 : i32
      %add3A_727 = arith.addi %add3A_725, %add3A_726 : i32
      %broadcast_in_dim3A_728 = vector.broadcast %add3A_727 : i32 to vector<16xi32>
      %gather3A_729 = arith.constant 5 : i32
      %gather3A_730 = arith.constant 0 : i32
      %gather3A_731 = arith.constant 0 : i32
      %gather3A_732 = tpu.memref_slice %arg6[%gather3A_729, %gather3A_730, %gather3A_731] : memref<8x64x128xf32, #tpu.memory_space<vmem>> -> memref<1x64x128xf32, #tpu.memory_space<vmem>>
      %gather3A_733 = tpu.memref_squeeze %gather3A_732 : memref<1x64x128xf32, #tpu.memory_space<vmem>> -> memref<64x128xf32, #tpu.memory_space<vmem>>
      %gather3A_734 = tpu.vector_load_idx %gather3A_733[%add3A_5, %broadcast_in_dim3A_723] : memref<64x128xf32, #tpu.memory_space<vmem>>[vector<16xi32>, vector<16xi32>], vector<16xf32>,
      tpu.vector_store_idx %arg7[%add3A_5, %broadcast_in_dim3A_728], %gather3A_734 : memref<64x512xf32, #tpu.memory_space<vmem>>[vector<16xi32>, vector<16xi32>], vector<16xf32>,
      %gather3A_735 = arith.constant 5 : i32
      %gather3A_736 = arith.constant 0 : i32
      %gather3A_737 = arith.constant 0 : i32
      %gather3A_738 = tpu.memref_slice %arg6[%gather3A_735, %gather3A_736, %gather3A_737] : memref<8x64x128xf32, #tpu.memory_space<vmem>> -> memref<1x64x128xf32, #tpu.memory_space<vmem>>
      %gather3A_739 = tpu.memref_squeeze %gather3A_738 : memref<1x64x128xf32, #tpu.memory_space<vmem>> -> memref<64x128xf32, #tpu.memory_space<vmem>>
      %gather3A_740 = tpu.vector_load_idx %gather3A_739[%add3A_8, %broadcast_in_dim3A_723] : memref<64x128xf32, #tpu.memory_space<vmem>>[vector<16xi32>, vector<16xi32>], vector<16xf32>,
      tpu.vector_store_idx %arg7[%add3A_8, %broadcast_in_dim3A_728], %gather3A_740 : memref<64x512xf32, #tpu.memory_space<vmem>>[vector<16xi32>, vector<16xi32>], vector<16xf32>,
      %gather3A_741 = arith.constant 5 : i32
      %gather3A_742 = arith.constant 0 : i32
      %gather3A_743 = arith.constant 0 : i32
      %gather3A_744 = tpu.memref_slice %arg6[%gather3A_741, %gather3A_742, %gather3A_743] : memref<8x64x128xf32, #tpu.memory_space<vmem>> -> memref<1x64x128xf32, #tpu.memory_space<vmem>>
      %gather3A_745 = tpu.memref_squeeze %gather3A_744 : memref<1x64x128xf32, #tpu.memory_space<vmem>> -> memref<64x128xf32, #tpu.memory_space<vmem>>
      %gather3A_746 = tpu.vector_load_idx %gather3A_745[%add3A_11, %broadcast_in_dim3A_723] : memref<64x128xf32, #tpu.memory_space<vmem>>[vector<16xi32>, vector<16xi32>], vector<16xf32>,
      tpu.vector_store_idx %arg7[%add3A_11, %broadcast_in_dim3A_728], %gather3A_746 : memref<64x512xf32, #tpu.memory_space<vmem>>[vector<16xi32>, vector<16xi32>], vector<16xf32>,
      %gather3A_747 = arith.constant 5 : i32
      %gather3A_748 = arith.constant 0 : i32
      %gather3A_749 = arith.constant 0 : i32
      %gather3A_750 = tpu.memref_slice %arg6[%gather3A_747, %gather3A_748, %gather3A_749] : memref<8x64x128xf32, #tpu.memory_space<vmem>> -> memref<1x64x128xf32, #tpu.memory_space<vmem>>
      %gather3A_751 = tpu.memref_squeeze %gather3A_750 : memref<1x64x128xf32, #tpu.memory_space<vmem>> -> memref<64x128xf32, #tpu.memory_space<vmem>>
      %gather3A_752 = tpu.vector_load_idx %gather3A_751[%add3A_14, %broadcast_in_dim3A_723] : memref<64x128xf32, #tpu.memory_space<vmem>>[vector<16xi32>, vector<16xi32>], vector<16xf32>,
      tpu.vector_store_idx %arg7[%add3A_14, %broadcast_in_dim3A_728], %gather3A_752 : memref<64x512xf32, #tpu.memory_space<vmem>>[vector<16xi32>, vector<16xi32>], vector<16xf32>,
      %broadcast_in_dim3A_753 = vector.broadcast %and3A_345 : i32 to vector<16xi32>
      %add3A_754 = arith.constant 4 : i32
      %add3A_755 = arith.addi %mul3A_205, %add3A_754 : i32
      %add3A_756 = arith.constant 2 : i32
      %add3A_757 = arith.addi %add3A_755, %add3A_756 : i32
      %broadcast_in_dim3A_758 = vector.broadcast %add3A_757 : i32 to vector<16xi32>
      %gather3A_759 = arith.constant 6 : i32
      %gather3A_760 = arith.constant 0 : i32
      %gather3A_761 = arith.constant 0 : i32
      %gather3A_762 = tpu.memref_slice %arg6[%gather3A_759, %gather3A_760, %gather3A_761] : memref<8x64x128xf32, #tpu.memory_space<vmem>> -> memref<1x64x128xf32, #tpu.memory_space<vmem>>
      %gather3A_763 = tpu.memref_squeeze %gather3A_762 : memref<1x64x128xf32, #tpu.memory_space<vmem>> -> memref<64x128xf32, #tpu.memory_space<vmem>>
      %gather3A_764 = tpu.vector_load_idx %gather3A_763[%add3A_5, %broadcast_in_dim3A_753] : memref<64x128xf32, #tpu.memory_space<vmem>>[vector<16xi32>, vector<16xi32>], vector<16xf32>,
      tpu.vector_store_idx %arg7[%add3A_5, %broadcast_in_dim3A_758], %gather3A_764 : memref<64x512xf32, #tpu.memory_space<vmem>>[vector<16xi32>, vector<16xi32>], vector<16xf32>,
      %gather3A_765 = arith.constant 6 : i32
      %gather3A_766 = arith.constant 0 : i32
      %gather3A_767 = arith.constant 0 : i32
      %gather3A_768 = tpu.memref_slice %arg6[%gather3A_765, %gather3A_766, %gather3A_767] : memref<8x64x128xf32, #tpu.memory_space<vmem>> -> memref<1x64x128xf32, #tpu.memory_space<vmem>>
      %gather3A_769 = tpu.memref_squeeze %gather3A_768 : memref<1x64x128xf32, #tpu.memory_space<vmem>> -> memref<64x128xf32, #tpu.memory_space<vmem>>
      %gather3A_770 = tpu.vector_load_idx %gather3A_769[%add3A_8, %broadcast_in_dim3A_753] : memref<64x128xf32, #tpu.memory_space<vmem>>[vector<16xi32>, vector<16xi32>], vector<16xf32>,
      tpu.vector_store_idx %arg7[%add3A_8, %broadcast_in_dim3A_758], %gather3A_770 : memref<64x512xf32, #tpu.memory_space<vmem>>[vector<16xi32>, vector<16xi32>], vector<16xf32>,
      %gather3A_771 = arith.constant 6 : i32
      %gather3A_772 = arith.constant 0 : i32
      %gather3A_773 = arith.constant 0 : i32
      %gather3A_774 = tpu.memref_slice %arg6[%gather3A_771, %gather3A_772, %gather3A_773] : memref<8x64x128xf32, #tpu.memory_space<vmem>> -> memref<1x64x128xf32, #tpu.memory_space<vmem>>
      %gather3A_775 = tpu.memref_squeeze %gather3A_774 : memref<1x64x128xf32, #tpu.memory_space<vmem>> -> memref<64x128xf32, #tpu.memory_space<vmem>>
      %gather3A_776 = tpu.vector_load_idx %gather3A_775[%add3A_11, %broadcast_in_dim3A_753] : memref<64x128xf32, #tpu.memory_space<vmem>>[vector<16xi32>, vector<16xi32>], vector<16xf32>,
      tpu.vector_store_idx %arg7[%add3A_11, %broadcast_in_dim3A_758], %gather3A_776 : memref<64x512xf32, #tpu.memory_space<vmem>>[vector<16xi32>, vector<16xi32>], vector<16xf32>,
      %gather3A_777 = arith.constant 6 : i32
      %gather3A_778 = arith.constant 0 : i32
      %gather3A_779 = arith.constant 0 : i32
      %gather3A_780 = tpu.memref_slice %arg6[%gather3A_777, %gather3A_778, %gather3A_779] : memref<8x64x128xf32, #tpu.memory_space<vmem>> -> memref<1x64x128xf32, #tpu.memory_space<vmem>>
      %gather3A_781 = tpu.memref_squeeze %gather3A_780 : memref<1x64x128xf32, #tpu.memory_space<vmem>> -> memref<64x128xf32, #tpu.memory_space<vmem>>
      %gather3A_782 = tpu.vector_load_idx %gather3A_781[%add3A_14, %broadcast_in_dim3A_753] : memref<64x128xf32, #tpu.memory_space<vmem>>[vector<16xi32>, vector<16xi32>], vector<16xf32>,
      tpu.vector_store_idx %arg7[%add3A_14, %broadcast_in_dim3A_758], %gather3A_782 : memref<64x512xf32, #tpu.memory_space<vmem>>[vector<16xi32>, vector<16xi32>], vector<16xf32>,
      %broadcast_in_dim3A_783 = vector.broadcast %and3A_367 : i32 to vector<16xi32>
      %add3A_784 = arith.constant 4 : i32
      %add3A_785 = arith.addi %mul3A_205, %add3A_784 : i32
      %add3A_786 = arith.constant 3 : i32
      %add3A_787 = arith.addi %add3A_785, %add3A_786 : i32
      %broadcast_in_dim3A_788 = vector.broadcast %add3A_787 : i32 to vector<16xi32>
      %gather3A_789 = arith.constant 7 : i32
      %gather3A_790 = arith.constant 0 : i32
      %gather3A_791 = arith.constant 0 : i32
      %gather3A_792 = tpu.memref_slice %arg6[%gather3A_789, %gather3A_790, %gather3A_791] : memref<8x64x128xf32, #tpu.memory_space<vmem>> -> memref<1x64x128xf32, #tpu.memory_space<vmem>>
      %gather3A_793 = tpu.memref_squeeze %gather3A_792 : memref<1x64x128xf32, #tpu.memory_space<vmem>> -> memref<64x128xf32, #tpu.memory_space<vmem>>
      %gather3A_794 = tpu.vector_load_idx %gather3A_793[%add3A_5, %broadcast_in_dim3A_783] : memref<64x128xf32, #tpu.memory_space<vmem>>[vector<16xi32>, vector<16xi32>], vector<16xf32>,
      tpu.vector_store_idx %arg7[%add3A_5, %broadcast_in_dim3A_788], %gather3A_794 : memref<64x512xf32, #tpu.memory_space<vmem>>[vector<16xi32>, vector<16xi32>], vector<16xf32>,
      %gather3A_795 = arith.constant 7 : i32
      %gather3A_796 = arith.constant 0 : i32
      %gather3A_797 = arith.constant 0 : i32
      %gather3A_798 = tpu.memref_slice %arg6[%gather3A_795, %gather3A_796, %gather3A_797] : memref<8x64x128xf32, #tpu.memory_space<vmem>> -> memref<1x64x128xf32, #tpu.memory_space<vmem>>
      %gather3A_799 = tpu.memref_squeeze %gather3A_798 : memref<1x64x128xf32, #tpu.memory_space<vmem>> -> memref<64x128xf32, #tpu.memory_space<vmem>>
      %gather3A_800 = tpu.vector_load_idx %gather3A_799[%add3A_8, %broadcast_in_dim3A_783] : memref<64x128xf32, #tpu.memory_space<vmem>>[vector<16xi32>, vector<16xi32>], vector<16xf32>,
      tpu.vector_store_idx %arg7[%add3A_8, %broadcast_in_dim3A_788], %gather3A_800 : memref<64x512xf32, #tpu.memory_space<vmem>>[vector<16xi32>, vector<16xi32>], vector<16xf32>,
      %gather3A_801 = arith.constant 7 : i32
      %gather3A_802 = arith.constant 0 : i32
      %gather3A_803 = arith.constant 0 : i32
      %gather3A_804 = tpu.memref_slice %arg6[%gather3A_801, %gather3A_802, %gather3A_803] : memref<8x64x128xf32, #tpu.memory_space<vmem>> -> memref<1x64x128xf32, #tpu.memory_space<vmem>>
      %gather3A_805 = tpu.memref_squeeze %gather3A_804 : memref<1x64x128xf32, #tpu.memory_space<vmem>> -> memref<64x128xf32, #tpu.memory_space<vmem>>
      %gather3A_806 = tpu.vector_load_idx %gather3A_805[%add3A_11, %broadcast_in_dim3A_783] : memref<64x128xf32, #tpu.memory_space<vmem>>[vector<16xi32>, vector<16xi32>], vector<16xf32>,
      tpu.vector_store_idx %arg7[%add3A_11, %broadcast_in_dim3A_788], %gather3A_806 : memref<64x512xf32, #tpu.memory_space<vmem>>[vector<16xi32>, vector<16xi32>], vector<16xf32>,
      %gather3A_807 = arith.constant 7 : i32
      %gather3A_808 = arith.constant 0 : i32
      %gather3A_809 = arith.constant 0 : i32
      %gather3A_810 = tpu.memref_slice %arg6[%gather3A_807, %gather3A_808, %gather3A_809] : memref<8x64x128xf32, #tpu.memory_space<vmem>> -> memref<1x64x128xf32, #tpu.memory_space<vmem>>
      %gather3A_811 = tpu.memref_squeeze %gather3A_810 : memref<1x64x128xf32, #tpu.memory_space<vmem>> -> memref<64x128xf32, #tpu.memory_space<vmem>>
      %gather3A_812 = tpu.vector_load_idx %gather3A_811[%add3A_14, %broadcast_in_dim3A_783] : memref<64x128xf32, #tpu.memory_space<vmem>>[vector<16xi32>, vector<16xi32>], vector<16xf32>,
      tpu.vector_store_idx %arg7[%add3A_14, %broadcast_in_dim3A_788], %gather3A_812 : memref<64x512xf32, #tpu.memory_space<vmem>>[vector<16xi32>, vector<16xi32>], vector<16xf32>,
      %slice3A_813 = vector.extract_strided_slice %get3A_203 {offsets = [12], sizes = [1], strides = [1]} : vector<16xi32> to vector<1xi32>
      %squeeze3A_814 = vector.extract %slice3A_813[0] : i32 from vector<1xi32>
      %shift_right_arithmetic3A_815 = arith.constant 7 : i32
      %shift_right_arithmetic3A_816 = arith.shrsi %squeeze3A_814, %shift_right_arithmetic3A_815 : i32
      %mul3A_817 = arith.constant 128 : i32
      %mul3A_818 = arith.muli %shift_right_arithmetic3A_816, %mul3A_817 : i32
      %multiple_of3A_819 = tpu.assume_multiple %mul3A_818, 128 : i32
      %and3A_820 = arith.constant 127 : i32
      %and3A_821 = arith.andi %squeeze3A_814, %and3A_820 : i32
      %dma_start3A_822 = arith.constant 4 : i32
      %dma_start3A_823 = arith.constant 0 : i32
      %dma_start3A_824 = arith.constant 0 : i32
      %dma_start3A_825 = tpu.memref_slice %arg6[%dma_start3A_822, %dma_start3A_823, %dma_start3A_824] : memref<8x64x128xf32, #tpu.memory_space<vmem>> -> memref<1x64x128xf32, #tpu.memory_space<vmem>>
      %dma_start3A_826 = tpu.memref_squeeze %dma_start3A_825 : memref<1x64x128xf32, #tpu.memory_space<vmem>> -> memref<64x128xf32, #tpu.memory_space<vmem>>
      %dma_start3A_827 = arith.constant 0 : i32
      %dma_start3A_828 = tpu.memref_slice %arg3[%dma_start3A_827, %multiple_of3A_819] : memref<64x1000000xf32, #tpu.memory_space<hbm>> -> memref<64x128xf32, #tpu.memory_space<hbm>>
      %dma_start3A_829 = arith.constant 0 : i32
      %dma_start3A_830 = arith.constant 0 : i32
      %dma_start3A_831 = tpu.memref_slice %arg6[%dma_start3A_822, %dma_start3A_829, %dma_start3A_830] : memref<8x64x128xf32, #tpu.memory_space<vmem>> -> memref<1x64x128xf32, #tpu.memory_space<vmem>>
      %dma_start3A_832 = tpu.memref_squeeze %dma_start3A_831 : memref<1x64x128xf32, #tpu.memory_space<vmem>> -> memref<64x128xf32, #tpu.memory_space<vmem>>
      %dma_start3A_833 = arith.constant 0 : i32
      %dma_start3A_834 = tpu.memref_slice %arg3[%dma_start3A_833, %multiple_of3A_819] : memref<64x1000000xf32, #tpu.memory_space<hbm>> -> memref<64x128xf32, #tpu.memory_space<hbm>>
      tpu.enqueue_dma source(%dma_start3A_834 : memref<64x128xf32, #tpu.memory_space<hbm>>) target(%dma_start3A_832 : memref<64x128xf32, #tpu.memory_space<vmem>>) target_semaphore(%arg8 : memref<!tpu.dma_semaphore, #tpu.memory_space<semaphore_mem>>)
      %slice3A_835 = vector.extract_strided_slice %get3A_203 {offsets = [13], sizes = [1], strides = [1]} : vector<16xi32> to vector<1xi32>
      %squeeze3A_836 = vector.extract %slice3A_835[0] : i32 from vector<1xi32>
      %shift_right_arithmetic3A_837 = arith.constant 7 : i32
      %shift_right_arithmetic3A_838 = arith.shrsi %squeeze3A_836, %shift_right_arithmetic3A_837 : i32
      %mul3A_839 = arith.constant 128 : i32
      %mul3A_840 = arith.muli %shift_right_arithmetic3A_838, %mul3A_839 : i32
      %multiple_of3A_841 = tpu.assume_multiple %mul3A_840, 128 : i32
      %and3A_842 = arith.constant 127 : i32
      %and3A_843 = arith.andi %squeeze3A_836, %and3A_842 : i32
      %dma_start3A_844 = arith.constant 5 : i32
      %dma_start3A_845 = arith.constant 0 : i32
      %dma_start3A_846 = arith.constant 0 : i32
      %dma_start3A_847 = tpu.memref_slice %arg6[%dma_start3A_844, %dma_start3A_845, %dma_start3A_846] : memref<8x64x128xf32, #tpu.memory_space<vmem>> -> memref<1x64x128xf32, #tpu.memory_space<vmem>>
      %dma_start3A_848 = tpu.memref_squeeze %dma_start3A_847 : memref<1x64x128xf32, #tpu.memory_space<vmem>> -> memref<64x128xf32, #tpu.memory_space<vmem>>
      %dma_start3A_849 = arith.constant 0 : i32
      %dma_start3A_850 = tpu.memref_slice %arg3[%dma_start3A_849, %multiple_of3A_841] : memref<64x1000000xf32, #tpu.memory_space<hbm>> -> memref<64x128xf32, #tpu.memory_space<hbm>>
      %dma_start3A_851 = arith.constant 0 : i32
      %dma_start3A_852 = arith.constant 0 : i32
      %dma_start3A_853 = tpu.memref_slice %arg6[%dma_start3A_844, %dma_start3A_851, %dma_start3A_852] : memref<8x64x128xf32, #tpu.memory_space<vmem>> -> memref<1x64x128xf32, #tpu.memory_space<vmem>>
      %dma_start3A_854 = tpu.memref_squeeze %dma_start3A_853 : memref<1x64x128xf32, #tpu.memory_space<vmem>> -> memref<64x128xf32, #tpu.memory_space<vmem>>
      %dma_start3A_855 = arith.constant 0 : i32
      %dma_start3A_856 = tpu.memref_slice %arg3[%dma_start3A_855, %multiple_of3A_841] : memref<64x1000000xf32, #tpu.memory_space<hbm>> -> memref<64x128xf32, #tpu.memory_space<hbm>>
      tpu.enqueue_dma source(%dma_start3A_856 : memref<64x128xf32, #tpu.memory_space<hbm>>) target(%dma_start3A_854 : memref<64x128xf32, #tpu.memory_space<vmem>>) target_semaphore(%arg8 : memref<!tpu.dma_semaphore, #tpu.memory_space<semaphore_mem>>)
      %slice3A_857 = vector.extract_strided_slice %get3A_203 {offsets = [14], sizes = [1], strides = [1]} : vector<16xi32> to vector<1xi32>
      %squeeze3A_858 = vector.extract %slice3A_857[0] : i32 from vector<1xi32>
      %shift_right_arithmetic3A_859 = arith.constant 7 : i32
      %shift_right_arithmetic3A_860 = arith.shrsi %squeeze3A_858, %shift_right_arithmetic3A_859 : i32
      %mul3A_861 = arith.constant 128 : i32
      %mul3A_862 = arith.muli %shift_right_arithmetic3A_860, %mul3A_861 : i32
      %multiple_of3A_863 = tpu.assume_multiple %mul3A_862, 128 : i32
      %and3A_864 = arith.constant 127 : i32
      %and3A_865 = arith.andi %squeeze3A_858, %and3A_864 : i32
      %dma_start3A_866 = arith.constant 6 : i32
      %dma_start3A_867 = arith.constant 0 : i32
      %dma_start3A_868 = arith.constant 0 : i32
      %dma_start3A_869 = tpu.memref_slice %arg6[%dma_start3A_866, %dma_start3A_867, %dma_start3A_868] : memref<8x64x128xf32, #tpu.memory_space<vmem>> -> memref<1x64x128xf32, #tpu.memory_space<vmem>>
      %dma_start3A_870 = tpu.memref_squeeze %dma_start3A_869 : memref<1x64x128xf32, #tpu.memory_space<vmem>> -> memref<64x128xf32, #tpu.memory_space<vmem>>
      %dma_start3A_871 = arith.constant 0 : i32
      %dma_start3A_872 = tpu.memref_slice %arg3[%dma_start3A_871, %multiple_of3A_863] : memref<64x1000000xf32, #tpu.memory_space<hbm>> -> memref<64x128xf32, #tpu.memory_space<hbm>>
      %dma_start3A_873 = arith.constant 0 : i32
      %dma_start3A_874 = arith.constant 0 : i32
      %dma_start3A_875 = tpu.memref_slice %arg6[%dma_start3A_866, %dma_start3A_873, %dma_start3A_874] : memref<8x64x128xf32, #tpu.memory_space<vmem>> -> memref<1x64x128xf32, #tpu.memory_space<vmem>>
      %dma_start3A_876 = tpu.memref_squeeze %dma_start3A_875 : memref<1x64x128xf32, #tpu.memory_space<vmem>> -> memref<64x128xf32, #tpu.memory_space<vmem>>
      %dma_start3A_877 = arith.constant 0 : i32
      %dma_start3A_878 = tpu.memref_slice %arg3[%dma_start3A_877, %multiple_of3A_863] : memref<64x1000000xf32, #tpu.memory_space<hbm>> -> memref<64x128xf32, #tpu.memory_space<hbm>>
      tpu.enqueue_dma source(%dma_start3A_878 : memref<64x128xf32, #tpu.memory_space<hbm>>) target(%dma_start3A_876 : memref<64x128xf32, #tpu.memory_space<vmem>>) target_semaphore(%arg8 : memref<!tpu.dma_semaphore, #tpu.memory_space<semaphore_mem>>)
      %slice3A_879 = vector.extract_strided_slice %get3A_203 {offsets = [15], sizes = [1], strides = [1]} : vector<16xi32> to vector<1xi32>
      %squeeze3A_880 = vector.extract %slice3A_879[0] : i32 from vector<1xi32>
      %shift_right_arithmetic3A_881 = arith.constant 7 : i32
      %shift_right_arithmetic3A_882 = arith.shrsi %squeeze3A_880, %shift_right_arithmetic3A_881 : i32
      %mul3A_883 = arith.constant 128 : i32
      %mul3A_884 = arith.muli %shift_right_arithmetic3A_882, %mul3A_883 : i32
      %multiple_of3A_885 = tpu.assume_multiple %mul3A_884, 128 : i32
      %and3A_886 = arith.constant 127 : i32
      %and3A_887 = arith.andi %squeeze3A_880, %and3A_886 : i32
      %dma_start3A_888 = arith.constant 7 : i32
      %dma_start3A_889 = arith.constant 0 : i32
      %dma_start3A_890 = arith.constant 0 : i32
      %dma_start3A_891 = tpu.memref_slice %arg6[%dma_start3A_888, %dma_start3A_889, %dma_start3A_890] : memref<8x64x128xf32, #tpu.memory_space<vmem>> -> memref<1x64x128xf32, #tpu.memory_space<vmem>>
      %dma_start3A_892 = tpu.memref_squeeze %dma_start3A_891 : memref<1x64x128xf32, #tpu.memory_space<vmem>> -> memref<64x128xf32, #tpu.memory_space<vmem>>
      %dma_start3A_893 = arith.constant 0 : i32
      %dma_start3A_894 = tpu.memref_slice %arg3[%dma_start3A_893, %multiple_of3A_885] : memref<64x1000000xf32, #tpu.memory_space<hbm>> -> memref<64x128xf32, #tpu.memory_space<hbm>>
      %dma_start3A_895 = arith.constant 0 : i32
      %dma_start3A_896 = arith.constant 0 : i32
      %dma_start3A_897 = tpu.memref_slice %arg6[%dma_start3A_888, %dma_start3A_895, %dma_start3A_896] : memref<8x64x128xf32, #tpu.memory_space<vmem>> -> memref<1x64x128xf32, #tpu.memory_space<vmem>>
      %dma_start3A_898 = tpu.memref_squeeze %dma_start3A_897 : memref<1x64x128xf32, #tpu.memory_space<vmem>> -> memref<64x128xf32, #tpu.memory_space<vmem>>
      %dma_start3A_899 = arith.constant 0 : i32
      %dma_start3A_900 = tpu.memref_slice %arg3[%dma_start3A_899, %multiple_of3A_885] : memref<64x1000000xf32, #tpu.memory_space<hbm>> -> memref<64x128xf32, #tpu.memory_space<hbm>>
      tpu.enqueue_dma source(%dma_start3A_900 : memref<64x128xf32, #tpu.memory_space<hbm>>) target(%dma_start3A_898 : memref<64x128xf32, #tpu.memory_space<vmem>>) target_semaphore(%arg8 : memref<!tpu.dma_semaphore, #tpu.memory_space<semaphore_mem>>)
      %dma_wait3A_901 = arith.constant 0 : i32
      %dma_wait3A_902 = arith.constant 0 : i32
      %dma_wait3A_903 = arith.constant 0 : i32
      %dma_wait3A_904 = tpu.memref_slice %arg6[%dma_wait3A_901, %dma_wait3A_902, %dma_wait3A_903] : memref<8x64x128xf32, #tpu.memory_space<vmem>> -> memref<1x64x128xf32, #tpu.memory_space<vmem>>
      %dma_wait3A_905 = tpu.memref_squeeze %dma_wait3A_904 : memref<1x64x128xf32, #tpu.memory_space<vmem>> -> memref<64x128xf32, #tpu.memory_space<vmem>>
      %dma_wait3A_906 = arith.constant 0 : i32
      %dma_wait3A_907 = tpu.memref_slice %arg3[%dma_wait3A_906, %multiple_of3A_559] : memref<64x1000000xf32, #tpu.memory_space<hbm>> -> memref<64x128xf32, #tpu.memory_space<hbm>>
      %dma_wait3A_908 = arith.constant 0 : i32
      %dma_wait3A_909 = arith.constant 0 : i32
      %dma_wait3A_910 = tpu.memref_slice %arg6[%dma_wait3A_901, %dma_wait3A_908, %dma_wait3A_909] : memref<8x64x128xf32, #tpu.memory_space<vmem>> -> memref<1x64x128xf32, #tpu.memory_space<vmem>>
      %dma_wait3A_911 = tpu.memref_squeeze %dma_wait3A_910 : memref<1x64x128xf32, #tpu.memory_space<vmem>> -> memref<64x128xf32, #tpu.memory_space<vmem>>
      %dma_wait3A_912 = arith.constant 0 : i32
      %dma_wait3A_913 = tpu.memref_slice %arg3[%dma_wait3A_912, %multiple_of3A_559] : memref<64x1000000xf32, #tpu.memory_space<hbm>> -> memref<64x128xf32, #tpu.memory_space<hbm>>
      tpu.wait_dma2 semaphore(%arg8 : memref<!tpu.dma_semaphore, #tpu.memory_space<semaphore_mem>>) src(%dma_wait3A_913 : memref<64x128xf32, #tpu.memory_space<hbm>>) dst(%dma_wait3A_911 : memref<64x128xf32, #tpu.memory_space<vmem>>)
      %dma_wait3A_914 = arith.constant 1 : i32
      %dma_wait3A_915 = arith.constant 0 : i32
      %dma_wait3A_916 = arith.constant 0 : i32
      %dma_wait3A_917 = tpu.memref_slice %arg6[%dma_wait3A_914, %dma_wait3A_915, %dma_wait3A_916] : memref<8x64x128xf32, #tpu.memory_space<vmem>> -> memref<1x64x128xf32, #tpu.memory_space<vmem>>
      %dma_wait3A_918 = tpu.memref_squeeze %dma_wait3A_917 : memref<1x64x128xf32, #tpu.memory_space<vmem>> -> memref<64x128xf32, #tpu.memory_space<vmem>>
      %dma_wait3A_919 = arith.constant 0 : i32
      %dma_wait3A_920 = tpu.memref_slice %arg3[%dma_wait3A_919, %multiple_of3A_581] : memref<64x1000000xf32, #tpu.memory_space<hbm>> -> memref<64x128xf32, #tpu.memory_space<hbm>>
      %dma_wait3A_921 = arith.constant 0 : i32
      %dma_wait3A_922 = arith.constant 0 : i32
      %dma_wait3A_923 = tpu.memref_slice %arg6[%dma_wait3A_914, %dma_wait3A_921, %dma_wait3A_922] : memref<8x64x128xf32, #tpu.memory_space<vmem>> -> memref<1x64x128xf32, #tpu.memory_space<vmem>>
      %dma_wait3A_924 = tpu.memref_squeeze %dma_wait3A_923 : memref<1x64x128xf32, #tpu.memory_space<vmem>> -> memref<64x128xf32, #tpu.memory_space<vmem>>
      %dma_wait3A_925 = arith.constant 0 : i32
      %dma_wait3A_926 = tpu.memref_slice %arg3[%dma_wait3A_925, %multiple_of3A_581] : memref<64x1000000xf32, #tpu.memory_space<hbm>> -> memref<64x128xf32, #tpu.memory_space<hbm>>
      tpu.wait_dma2 semaphore(%arg8 : memref<!tpu.dma_semaphore, #tpu.memory_space<semaphore_mem>>) src(%dma_wait3A_926 : memref<64x128xf32, #tpu.memory_space<hbm>>) dst(%dma_wait3A_924 : memref<64x128xf32, #tpu.memory_space<vmem>>)
      %dma_wait3A_927 = arith.constant 2 : i32
      %dma_wait3A_928 = arith.constant 0 : i32
      %dma_wait3A_929 = arith.constant 0 : i32
      %dma_wait3A_930 = tpu.memref_slice %arg6[%dma_wait3A_927, %dma_wait3A_928, %dma_wait3A_929] : memref<8x64x128xf32, #tpu.memory_space<vmem>> -> memref<1x64x128xf32, #tpu.memory_space<vmem>>
      %dma_wait3A_931 = tpu.memref_squeeze %dma_wait3A_930 : memref<1x64x128xf32, #tpu.memory_space<vmem>> -> memref<64x128xf32, #tpu.memory_space<vmem>>
      %dma_wait3A_932 = arith.constant 0 : i32
      %dma_wait3A_933 = tpu.memref_slice %arg3[%dma_wait3A_932, %multiple_of3A_603] : memref<64x1000000xf32, #tpu.memory_space<hbm>> -> memref<64x128xf32, #tpu.memory_space<hbm>>
      %dma_wait3A_934 = arith.constant 0 : i32
      %dma_wait3A_935 = arith.constant 0 : i32
      %dma_wait3A_936 = tpu.memref_slice %arg6[%dma_wait3A_927, %dma_wait3A_934, %dma_wait3A_935] : memref<8x64x128xf32, #tpu.memory_space<vmem>> -> memref<1x64x128xf32, #tpu.memory_space<vmem>>
      %dma_wait3A_937 = tpu.memref_squeeze %dma_wait3A_936 : memref<1x64x128xf32, #tpu.memory_space<vmem>> -> memref<64x128xf32, #tpu.memory_space<vmem>>
      %dma_wait3A_938 = arith.constant 0 : i32
      %dma_wait3A_939 = tpu.memref_slice %arg3[%dma_wait3A_938, %multiple_of3A_603] : memref<64x1000000xf32, #tpu.memory_space<hbm>> -> memref<64x128xf32, #tpu.memory_space<hbm>>
      tpu.wait_dma2 semaphore(%arg8 : memref<!tpu.dma_semaphore, #tpu.memory_space<semaphore_mem>>) src(%dma_wait3A_939 : memref<64x128xf32, #tpu.memory_space<hbm>>) dst(%dma_wait3A_937 : memref<64x128xf32, #tpu.memory_space<vmem>>)
      %dma_wait3A_940 = arith.constant 3 : i32
      %dma_wait3A_941 = arith.constant 0 : i32
      %dma_wait3A_942 = arith.constant 0 : i32
      %dma_wait3A_943 = tpu.memref_slice %arg6[%dma_wait3A_940, %dma_wait3A_941, %dma_wait3A_942] : memref<8x64x128xf32, #tpu.memory_space<vmem>> -> memref<1x64x128xf32, #tpu.memory_space<vmem>>
      %dma_wait3A_944 = tpu.memref_squeeze %dma_wait3A_943 : memref<1x64x128xf32, #tpu.memory_space<vmem>> -> memref<64x128xf32, #tpu.memory_space<vmem>>
      %dma_wait3A_945 = arith.constant 0 : i32
      %dma_wait3A_946 = tpu.memref_slice %arg3[%dma_wait3A_945, %multiple_of3A_625] : memref<64x1000000xf32, #tpu.memory_space<hbm>> -> memref<64x128xf32, #tpu.memory_space<hbm>>
      %dma_wait3A_947 = arith.constant 0 : i32
      %dma_wait3A_948 = arith.constant 0 : i32
      %dma_wait3A_949 = tpu.memref_slice %arg6[%dma_wait3A_940, %dma_wait3A_947, %dma_wait3A_948] : memref<8x64x128xf32, #tpu.memory_space<vmem>> -> memref<1x64x128xf32, #tpu.memory_space<vmem>>
      %dma_wait3A_950 = tpu.memref_squeeze %dma_wait3A_949 : memref<1x64x128xf32, #tpu.memory_space<vmem>> -> memref<64x128xf32, #tpu.memory_space<vmem>>
      %dma_wait3A_951 = arith.constant 0 : i32
      %dma_wait3A_952 = tpu.memref_slice %arg3[%dma_wait3A_951, %multiple_of3A_625] : memref<64x1000000xf32, #tpu.memory_space<hbm>> -> memref<64x128xf32, #tpu.memory_space<hbm>>
      tpu.wait_dma2 semaphore(%arg8 : memref<!tpu.dma_semaphore, #tpu.memory_space<semaphore_mem>>) src(%dma_wait3A_952 : memref<64x128xf32, #tpu.memory_space<hbm>>) dst(%dma_wait3A_950 : memref<64x128xf32, #tpu.memory_space<vmem>>)
      %broadcast_in_dim3A_953 = vector.broadcast %and3A_561 : i32 to vector<16xi32>
      %add3A_954 = arith.constant 8 : i32
      %add3A_955 = arith.addi %mul3A_205, %add3A_954 : i32
      %add3A_956 = arith.constant 0 : i32
      %add3A_957 = arith.addi %add3A_955, %add3A_956 : i32
      %broadcast_in_dim3A_958 = vector.broadcast %add3A_957 : i32 to vector<16xi32>
      %gather3A_959 = arith.constant 0 : i32
      %gather3A_960 = arith.constant 0 : i32
      %gather3A_961 = arith.constant 0 : i32
      %gather3A_962 = tpu.memref_slice %arg6[%gather3A_959, %gather3A_960, %gather3A_961] : memref<8x64x128xf32, #tpu.memory_space<vmem>> -> memref<1x64x128xf32, #tpu.memory_space<vmem>>
      %gather3A_963 = tpu.memref_squeeze %gather3A_962 : memref<1x64x128xf32, #tpu.memory_space<vmem>> -> memref<64x128xf32, #tpu.memory_space<vmem>>
      %gather3A_964 = tpu.vector_load_idx %gather3A_963[%add3A_5, %broadcast_in_dim3A_953] : memref<64x128xf32, #tpu.memory_space<vmem>>[vector<16xi32>, vector<16xi32>], vector<16xf32>,
      tpu.vector_store_idx %arg7[%add3A_5, %broadcast_in_dim3A_958], %gather3A_964 : memref<64x512xf32, #tpu.memory_space<vmem>>[vector<16xi32>, vector<16xi32>], vector<16xf32>,
      %gather3A_965 = arith.constant 0 : i32
      %gather3A_966 = arith.constant 0 : i32
      %gather3A_967 = arith.constant 0 : i32
      %gather3A_968 = tpu.memref_slice %arg6[%gather3A_965, %gather3A_966, %gather3A_967] : memref<8x64x128xf32, #tpu.memory_space<vmem>> -> memref<1x64x128xf32, #tpu.memory_space<vmem>>
      %gather3A_969 = tpu.memref_squeeze %gather3A_968 : memref<1x64x128xf32, #tpu.memory_space<vmem>> -> memref<64x128xf32, #tpu.memory_space<vmem>>
      %gather3A_970 = tpu.vector_load_idx %gather3A_969[%add3A_8, %broadcast_in_dim3A_953] : memref<64x128xf32, #tpu.memory_space<vmem>>[vector<16xi32>, vector<16xi32>], vector<16xf32>,
      tpu.vector_store_idx %arg7[%add3A_8, %broadcast_in_dim3A_958], %gather3A_970 : memref<64x512xf32, #tpu.memory_space<vmem>>[vector<16xi32>, vector<16xi32>], vector<16xf32>,
      %gather3A_971 = arith.constant 0 : i32
      %gather3A_972 = arith.constant 0 : i32
      %gather3A_973 = arith.constant 0 : i32
      %gather3A_974 = tpu.memref_slice %arg6[%gather3A_971, %gather3A_972, %gather3A_973] : memref<8x64x128xf32, #tpu.memory_space<vmem>> -> memref<1x64x128xf32, #tpu.memory_space<vmem>>
      %gather3A_975 = tpu.memref_squeeze %gather3A_974 : memref<1x64x128xf32, #tpu.memory_space<vmem>> -> memref<64x128xf32, #tpu.memory_space<vmem>>
      %gather3A_976 = tpu.vector_load_idx %gather3A_975[%add3A_11, %broadcast_in_dim3A_953] : memref<64x128xf32, #tpu.memory_space<vmem>>[vector<16xi32>, vector<16xi32>], vector<16xf32>,
      tpu.vector_store_idx %arg7[%add3A_11, %broadcast_in_dim3A_958], %gather3A_976 : memref<64x512xf32, #tpu.memory_space<vmem>>[vector<16xi32>, vector<16xi32>], vector<16xf32>,
      %gather3A_977 = arith.constant 0 : i32
      %gather3A_978 = arith.constant 0 : i32
      %gather3A_979 = arith.constant 0 : i32
      %gather3A_980 = tpu.memref_slice %arg6[%gather3A_977, %gather3A_978, %gather3A_979] : memref<8x64x128xf32, #tpu.memory_space<vmem>> -> memref<1x64x128xf32, #tpu.memory_space<vmem>>
      %gather3A_981 = tpu.memref_squeeze %gather3A_980 : memref<1x64x128xf32, #tpu.memory_space<vmem>> -> memref<64x128xf32, #tpu.memory_space<vmem>>
      %gather3A_982 = tpu.vector_load_idx %gather3A_981[%add3A_14, %broadcast_in_dim3A_953] : memref<64x128xf32, #tpu.memory_space<vmem>>[vector<16xi32>, vector<16xi32>], vector<16xf32>,
      tpu.vector_store_idx %arg7[%add3A_14, %broadcast_in_dim3A_958], %gather3A_982 : memref<64x512xf32, #tpu.memory_space<vmem>>[vector<16xi32>, vector<16xi32>], vector<16xf32>,
      %broadcast_in_dim3A_983 = vector.broadcast %and3A_583 : i32 to vector<16xi32>
      %add3A_984 = arith.constant 8 : i32
      %add3A_985 = arith.addi %mul3A_205, %add3A_984 : i32
      %add3A_986 = arith.constant 1 : i32
      %add3A_987 = arith.addi %add3A_985, %add3A_986 : i32
      %broadcast_in_dim3A_988 = vector.broadcast %add3A_987 : i32 to vector<16xi32>
      %gather3A_989 = arith.constant 1 : i32
      %gather3A_990 = arith.constant 0 : i32
      %gather3A_991 = arith.constant 0 : i32
      %gather3A_992 = tpu.memref_slice %arg6[%gather3A_989, %gather3A_990, %gather3A_991] : memref<8x64x128xf32, #tpu.memory_space<vmem>> -> memref<1x64x128xf32, #tpu.memory_space<vmem>>
      %gather3A_993 = tpu.memref_squeeze %gather3A_992 : memref<1x64x128xf32, #tpu.memory_space<vmem>> -> memref<64x128xf32, #tpu.memory_space<vmem>>
      %gather3A_994 = tpu.vector_load_idx %gather3A_993[%add3A_5, %broadcast_in_dim3A_983] : memref<64x128xf32, #tpu.memory_space<vmem>>[vector<16xi32>, vector<16xi32>], vector<16xf32>,
      tpu.vector_store_idx %arg7[%add3A_5, %broadcast_in_dim3A_988], %gather3A_994 : memref<64x512xf32, #tpu.memory_space<vmem>>[vector<16xi32>, vector<16xi32>], vector<16xf32>,
      %gather3A_995 = arith.constant 1 : i32
      %gather3A_996 = arith.constant 0 : i32
      %gather3A_997 = arith.constant 0 : i32
      %gather3A_998 = tpu.memref_slice %arg6[%gather3A_995, %gather3A_996, %gather3A_997] : memref<8x64x128xf32, #tpu.memory_space<vmem>> -> memref<1x64x128xf32, #tpu.memory_space<vmem>>
      %gather3A_999 = tpu.memref_squeeze %gather3A_998 : memref<1x64x128xf32, #tpu.memory_space<vmem>> -> memref<64x128xf32, #tpu.memory_space<vmem>>
      %gather3A_1000 = tpu.vector_load_idx %gather3A_999[%add3A_8, %broadcast_in_dim3A_983] : memref<64x128xf32, #tpu.memory_space<vmem>>[vector<16xi32>, vector<16xi32>], vector<16xf32>,
      tpu.vector_store_idx %arg7[%add3A_8, %broadcast_in_dim3A_988], %gather3A_1000 : memref<64x512xf32, #tpu.memory_space<vmem>>[vector<16xi32>, vector<16xi32>], vector<16xf32>,
      %gather3A_1001 = arith.constant 1 : i32
      %gather3A_1002 = arith.constant 0 : i32
      %gather3A_1003 = arith.constant 0 : i32
      %gather3A_1004 = tpu.memref_slice %arg6[%gather3A_1001, %gather3A_1002, %gather3A_1003] : memref<8x64x128xf32, #tpu.memory_space<vmem>> -> memref<1x64x128xf32, #tpu.memory_space<vmem>>
      %gather3A_1005 = tpu.memref_squeeze %gather3A_1004 : memref<1x64x128xf32, #tpu.memory_space<vmem>> -> memref<64x128xf32, #tpu.memory_space<vmem>>
      %gather3A_1006 = tpu.vector_load_idx %gather3A_1005[%add3A_11, %broadcast_in_dim3A_983] : memref<64x128xf32, #tpu.memory_space<vmem>>[vector<16xi32>, vector<16xi32>], vector<16xf32>,
      tpu.vector_store_idx %arg7[%add3A_11, %broadcast_in_dim3A_988], %gather3A_1006 : memref<64x512xf32, #tpu.memory_space<vmem>>[vector<16xi32>, vector<16xi32>], vector<16xf32>,
      %gather3A_1007 = arith.constant 1 : i32
      %gather3A_1008 = arith.constant 0 : i32
      %gather3A_1009 = arith.constant 0 : i32
      %gather3A_1010 = tpu.memref_slice %arg6[%gather3A_1007, %gather3A_1008, %gather3A_1009] : memref<8x64x128xf32, #tpu.memory_space<vmem>> -> memref<1x64x128xf32, #tpu.memory_space<vmem>>
      %gather3A_1011 = tpu.memref_squeeze %gather3A_1010 : memref<1x64x128xf32, #tpu.memory_space<vmem>> -> memref<64x128xf32, #tpu.memory_space<vmem>>
      %gather3A_1012 = tpu.vector_load_idx %gather3A_1011[%add3A_14, %broadcast_in_dim3A_983] : memref<64x128xf32, #tpu.memory_space<vmem>>[vector<16xi32>, vector<16xi32>], vector<16xf32>,
      tpu.vector_store_idx %arg7[%add3A_14, %broadcast_in_dim3A_988], %gather3A_1012 : memref<64x512xf32, #tpu.memory_space<vmem>>[vector<16xi32>, vector<16xi32>], vector<16xf32>,
      %broadcast_in_dim3A_1013 = vector.broadcast %and3A_605 : i32 to vector<16xi32>
      %add3A_1014 = arith.constant 8 : i32
      %add3A_1015 = arith.addi %mul3A_205, %add3A_1014 : i32
      %add3A_1016 = arith.constant 2 : i32
      %add3A_1017 = arith.addi %add3A_1015, %add3A_1016 : i32
      %broadcast_in_dim3A_1018 = vector.broadcast %add3A_1017 : i32 to vector<16xi32>
      %gather3A_1019 = arith.constant 2 : i32
      %gather3A_1020 = arith.constant 0 : i32
      %gather3A_1021 = arith.constant 0 : i32
      %gather3A_1022 = tpu.memref_slice %arg6[%gather3A_1019, %gather3A_1020, %gather3A_1021] : memref<8x64x128xf32, #tpu.memory_space<vmem>> -> memref<1x64x128xf32, #tpu.memory_space<vmem>>
      %gather3A_1023 = tpu.memref_squeeze %gather3A_1022 : memref<1x64x128xf32, #tpu.memory_space<vmem>> -> memref<64x128xf32, #tpu.memory_space<vmem>>
      %gather3A_1024 = tpu.vector_load_idx %gather3A_1023[%add3A_5, %broadcast_in_dim3A_1013] : memref<64x128xf32, #tpu.memory_space<vmem>>[vector<16xi32>, vector<16xi32>], vector<16xf32>,
      tpu.vector_store_idx %arg7[%add3A_5, %broadcast_in_dim3A_1018], %gather3A_1024 : memref<64x512xf32, #tpu.memory_space<vmem>>[vector<16xi32>, vector<16xi32>], vector<16xf32>,
      %gather3A_1025 = arith.constant 2 : i32
      %gather3A_1026 = arith.constant 0 : i32
      %gather3A_1027 = arith.constant 0 : i32
      %gather3A_1028 = tpu.memref_slice %arg6[%gather3A_1025, %gather3A_1026, %gather3A_1027] : memref<8x64x128xf32, #tpu.memory_space<vmem>> -> memref<1x64x128xf32, #tpu.memory_space<vmem>>
      %gather3A_1029 = tpu.memref_squeeze %gather3A_1028 : memref<1x64x128xf32, #tpu.memory_space<vmem>> -> memref<64x128xf32, #tpu.memory_space<vmem>>
      %gather3A_1030 = tpu.vector_load_idx %gather3A_1029[%add3A_8, %broadcast_in_dim3A_1013] : memref<64x128xf32, #tpu.memory_space<vmem>>[vector<16xi32>, vector<16xi32>], vector<16xf32>,
      tpu.vector_store_idx %arg7[%add3A_8, %broadcast_in_dim3A_1018], %gather3A_1030 : memref<64x512xf32, #tpu.memory_space<vmem>>[vector<16xi32>, vector<16xi32>], vector<16xf32>,
      %gather3A_1031 = arith.constant 2 : i32
      %gather3A_1032 = arith.constant 0 : i32
      %gather3A_1033 = arith.constant 0 : i32
      %gather3A_1034 = tpu.memref_slice %arg6[%gather3A_1031, %gather3A_1032, %gather3A_1033] : memref<8x64x128xf32, #tpu.memory_space<vmem>> -> memref<1x64x128xf32, #tpu.memory_space<vmem>>
      %gather3A_1035 = tpu.memref_squeeze %gather3A_1034 : memref<1x64x128xf32, #tpu.memory_space<vmem>> -> memref<64x128xf32, #tpu.memory_space<vmem>>
      %gather3A_1036 = tpu.vector_load_idx %gather3A_1035[%add3A_11, %broadcast_in_dim3A_1013] : memref<64x128xf32, #tpu.memory_space<vmem>>[vector<16xi32>, vector<16xi32>], vector<16xf32>,
      tpu.vector_store_idx %arg7[%add3A_11, %broadcast_in_dim3A_1018], %gather3A_1036 : memref<64x512xf32, #tpu.memory_space<vmem>>[vector<16xi32>, vector<16xi32>], vector<16xf32>,
      %gather3A_1037 = arith.constant 2 : i32
      %gather3A_1038 = arith.constant 0 : i32
      %gather3A_1039 = arith.constant 0 : i32
      %gather3A_1040 = tpu.memref_slice %arg6[%gather3A_1037, %gather3A_1038, %gather3A_1039] : memref<8x64x128xf32, #tpu.memory_space<vmem>> -> memref<1x64x128xf32, #tpu.memory_space<vmem>>
      %gather3A_1041 = tpu.memref_squeeze %gather3A_1040 : memref<1x64x128xf32, #tpu.memory_space<vmem>> -> memref<64x128xf32, #tpu.memory_space<vmem>>
      %gather3A_1042 = tpu.vector_load_idx %gather3A_1041[%add3A_14, %broadcast_in_dim3A_1013] : memref<64x128xf32, #tpu.memory_space<vmem>>[vector<16xi32>, vector<16xi32>], vector<16xf32>,
      tpu.vector_store_idx %arg7[%add3A_14, %broadcast_in_dim3A_1018], %gather3A_1042 : memref<64x512xf32, #tpu.memory_space<vmem>>[vector<16xi32>, vector<16xi32>], vector<16xf32>,
      %broadcast_in_dim3A_1043 = vector.broadcast %and3A_627 : i32 to vector<16xi32>
      %add3A_1044 = arith.constant 8 : i32
      %add3A_1045 = arith.addi %mul3A_205, %add3A_1044 : i32
      %add3A_1046 = arith.constant 3 : i32
      %add3A_1047 = arith.addi %add3A_1045, %add3A_1046 : i32
      %broadcast_in_dim3A_1048 = vector.broadcast %add3A_1047 : i32 to vector<16xi32>
      %gather3A_1049 = arith.constant 3 : i32
      %gather3A_1050 = arith.constant 0 : i32
      %gather3A_1051 = arith.constant 0 : i32
      %gather3A_1052 = tpu.memref_slice %arg6[%gather3A_1049, %gather3A_1050, %gather3A_1051] : memref<8x64x128xf32, #tpu.memory_space<vmem>> -> memref<1x64x128xf32, #tpu.memory_space<vmem>>
      %gather3A_1053 = tpu.memref_squeeze %gather3A_1052 : memref<1x64x128xf32, #tpu.memory_space<vmem>> -> memref<64x128xf32, #tpu.memory_space<vmem>>
      %gather3A_1054 = tpu.vector_load_idx %gather3A_1053[%add3A_5, %broadcast_in_dim3A_1043] : memref<64x128xf32, #tpu.memory_space<vmem>>[vector<16xi32>, vector<16xi32>], vector<16xf32>,
      tpu.vector_store_idx %arg7[%add3A_5, %broadcast_in_dim3A_1048], %gather3A_1054 : memref<64x512xf32, #tpu.memory_space<vmem>>[vector<16xi32>, vector<16xi32>], vector<16xf32>,
      %gather3A_1055 = arith.constant 3 : i32
      %gather3A_1056 = arith.constant 0 : i32
      %gather3A_1057 = arith.constant 0 : i32
      %gather3A_1058 = tpu.memref_slice %arg6[%gather3A_1055, %gather3A_1056, %gather3A_1057] : memref<8x64x128xf32, #tpu.memory_space<vmem>> -> memref<1x64x128xf32, #tpu.memory_space<vmem>>
      %gather3A_1059 = tpu.memref_squeeze %gather3A_1058 : memref<1x64x128xf32, #tpu.memory_space<vmem>> -> memref<64x128xf32, #tpu.memory_space<vmem>>
      %gather3A_1060 = tpu.vector_load_idx %gather3A_1059[%add3A_8, %broadcast_in_dim3A_1043] : memref<64x128xf32, #tpu.memory_space<vmem>>[vector<16xi32>, vector<16xi32>], vector<16xf32>,
      tpu.vector_store_idx %arg7[%add3A_8, %broadcast_in_dim3A_1048], %gather3A_1060 : memref<64x512xf32, #tpu.memory_space<vmem>>[vector<16xi32>, vector<16xi32>], vector<16xf32>,
      %gather3A_1061 = arith.constant 3 : i32
      %gather3A_1062 = arith.constant 0 : i32
      %gather3A_1063 = arith.constant 0 : i32
      %gather3A_1064 = tpu.memref_slice %arg6[%gather3A_1061, %gather3A_1062, %gather3A_1063] : memref<8x64x128xf32, #tpu.memory_space<vmem>> -> memref<1x64x128xf32, #tpu.memory_space<vmem>>
      %gather3A_1065 = tpu.memref_squeeze %gather3A_1064 : memref<1x64x128xf32, #tpu.memory_space<vmem>> -> memref<64x128xf32, #tpu.memory_space<vmem>>
      %gather3A_1066 = tpu.vector_load_idx %gather3A_1065[%add3A_11, %broadcast_in_dim3A_1043] : memref<64x128xf32, #tpu.memory_space<vmem>>[vector<16xi32>, vector<16xi32>], vector<16xf32>,
      tpu.vector_store_idx %arg7[%add3A_11, %broadcast_in_dim3A_1048], %gather3A_1066 : memref<64x512xf32, #tpu.memory_space<vmem>>[vector<16xi32>, vector<16xi32>], vector<16xf32>,
      %gather3A_1067 = arith.constant 3 : i32
      %gather3A_1068 = arith.constant 0 : i32
      %gather3A_1069 = arith.constant 0 : i32
      %gather3A_1070 = tpu.memref_slice %arg6[%gather3A_1067, %gather3A_1068, %gather3A_1069] : memref<8x64x128xf32, #tpu.memory_space<vmem>> -> memref<1x64x128xf32, #tpu.memory_space<vmem>>
      %gather3A_1071 = tpu.memref_squeeze %gather3A_1070 : memref<1x64x128xf32, #tpu.memory_space<vmem>> -> memref<64x128xf32, #tpu.memory_space<vmem>>
      %gather3A_1072 = tpu.vector_load_idx %gather3A_1071[%add3A_14, %broadcast_in_dim3A_1043] : memref<64x128xf32, #tpu.memory_space<vmem>>[vector<16xi32>, vector<16xi32>], vector<16xf32>,
      tpu.vector_store_idx %arg7[%add3A_14, %broadcast_in_dim3A_1048], %gather3A_1072 : memref<64x512xf32, #tpu.memory_space<vmem>>[vector<16xi32>, vector<16xi32>], vector<16xf32>,
    }
    %scan3A_19 = arith.constant 32 : i32
    %get3A = arith.constant 496 : index
    %get3A_20 = tpu.vector_load %arg5[%get3A] {strides = array<i32>} : memref<512xi32, #tpu.memory_space<vmem>>, vector<16xi32>,
    %slice3A = vector.extract_strided_slice %get3A_20 {offsets = [12], sizes = [1], strides = [1]} : vector<16xi32> to vector<1xi32>
    %squeeze3A = vector.extract %slice3A[0] : i32 from vector<1xi32>
    %and3A = arith.constant 127 : i32
    %and3A_21 = arith.andi %squeeze3A, %and3A : i32
    %slice3A_22 = vector.extract_strided_slice %get3A_20 {offsets = [13], sizes = [1], strides = [1]} : vector<16xi32> to vector<1xi32>
    %squeeze3A_23 = vector.extract %slice3A_22[0] : i32 from vector<1xi32>
    %and3A_24 = arith.constant 127 : i32
    %and3A_25 = arith.andi %squeeze3A_23, %and3A_24 : i32
    %slice3A_26 = vector.extract_strided_slice %get3A_20 {offsets = [14], sizes = [1], strides = [1]} : vector<16xi32> to vector<1xi32>
    %squeeze3A_27 = vector.extract %slice3A_26[0] : i32 from vector<1xi32>
    %and3A_28 = arith.constant 127 : i32
    %and3A_29 = arith.andi %squeeze3A_27, %and3A_28 : i32
    %slice3A_30 = vector.extract_strided_slice %get3A_20 {offsets = [15], sizes = [1], strides = [1]} : vector<16xi32> to vector<1xi32>
    %squeeze3A_31 = vector.extract %slice3A_30[0] : i32 from vector<1xi32>
    %and3A_32 = arith.constant 127 : i32
    %and3A_33 = arith.andi %squeeze3A_31, %and3A_32 : i32
    %dma_wait3A = arith.constant 4 : i32
    %dma_wait3A_34 = arith.constant 0 : i32
    %dma_wait3A_35 = arith.constant 0 : i32
    %dma_wait3A_36 = tpu.memref_slice %arg6[%dma_wait3A, %dma_wait3A_34, %dma_wait3A_35] : memref<8x64x128xf32, #tpu.memory_space<vmem>> -> memref<1x64x128xf32, #tpu.memory_space<vmem>>
    %dma_wait3A_37 = tpu.memref_squeeze %dma_wait3A_36 : memref<1x64x128xf32, #tpu.memory_space<vmem>> -> memref<64x128xf32, #tpu.memory_space<vmem>>
    %dma_wait3A_38 = arith.constant 0 : i32
    %dma_wait3A_39 = arith.constant 0 : i32
    %dma_wait3A_40 = tpu.memref_slice %arg3[%dma_wait3A_38, %dma_wait3A_39] : memref<64x1000000xf32, #tpu.memory_space<hbm>> -> memref<64x128xf32, #tpu.memory_space<hbm>>
    %dma_wait3A_41 = arith.constant 0 : i32
    %dma_wait3A_42 = arith.constant 0 : i32
    %dma_wait3A_43 = tpu.memref_slice %arg6[%dma_wait3A, %dma_wait3A_41, %dma_wait3A_42] : memref<8x64x128xf32, #tpu.memory_space<vmem>> -> memref<1x64x128xf32, #tpu.memory_space<vmem>>
    %dma_wait3A_44 = tpu.memref_squeeze %dma_wait3A_43 : memref<1x64x128xf32, #tpu.memory_space<vmem>> -> memref<64x128xf32, #tpu.memory_space<vmem>>
    %dma_wait3A_45 = arith.constant 0 : i32
    %dma_wait3A_46 = arith.constant 0 : i32
    %dma_wait3A_47 = tpu.memref_slice %arg3[%dma_wait3A_45, %dma_wait3A_46] : memref<64x1000000xf32, #tpu.memory_space<hbm>> -> memref<64x128xf32, #tpu.memory_space<hbm>>
    tpu.wait_dma2 semaphore(%arg8 : memref<!tpu.dma_semaphore, #tpu.memory_space<semaphore_mem>>) src(%dma_wait3A_47 : memref<64x128xf32, #tpu.memory_space<hbm>>) dst(%dma_wait3A_44 : memref<64x128xf32, #tpu.memory_space<vmem>>)
    %dma_wait3A_48 = arith.constant 5 : i32
    %dma_wait3A_49 = arith.constant 0 : i32
    %dma_wait3A_50 = arith.constant 0 : i32
    %dma_wait3A_51 = tpu.memref_slice %arg6[%dma_wait3A_48, %dma_wait3A_49, %dma_wait3A_50] : memref<8x64x128xf32, #tpu.memory_space<vmem>> -> memref<1x64x128xf32, #tpu.memory_space<vmem>>
    %dma_wait3A_52 = tpu.memref_squeeze %dma_wait3A_51 : memref<1x64x128xf32, #tpu.memory_space<vmem>> -> memref<64x128xf32, #tpu.memory_space<vmem>>
    %dma_wait3A_53 = arith.constant 0 : i32
    %dma_wait3A_54 = arith.constant 0 : i32
    %dma_wait3A_55 = tpu.memref_slice %arg3[%dma_wait3A_53, %dma_wait3A_54] : memref<64x1000000xf32, #tpu.memory_space<hbm>> -> memref<64x128xf32, #tpu.memory_space<hbm>>
    %dma_wait3A_56 = arith.constant 0 : i32
    %dma_wait3A_57 = arith.constant 0 : i32
    %dma_wait3A_58 = tpu.memref_slice %arg6[%dma_wait3A_48, %dma_wait3A_56, %dma_wait3A_57] : memref<8x64x128xf32, #tpu.memory_space<vmem>> -> memref<1x64x128xf32, #tpu.memory_space<vmem>>
    %dma_wait3A_59 = tpu.memref_squeeze %dma_wait3A_58 : memref<1x64x128xf32, #tpu.memory_space<vmem>> -> memref<64x128xf32, #tpu.memory_space<vmem>>
    %dma_wait3A_60 = arith.constant 0 : i32
    %dma_wait3A_61 = arith.constant 0 : i32
    %dma_wait3A_62 = tpu.memref_slice %arg3[%dma_wait3A_60, %dma_wait3A_61] : memref<64x1000000xf32, #tpu.memory_space<hbm>> -> memref<64x128xf32, #tpu.memory_space<hbm>>
    tpu.wait_dma2 semaphore(%arg8 : memref<!tpu.dma_semaphore, #tpu.memory_space<semaphore_mem>>) src(%dma_wait3A_62 : memref<64x128xf32, #tpu.memory_space<hbm>>) dst(%dma_wait3A_59 : memref<64x128xf32, #tpu.memory_space<vmem>>)
    %dma_wait3A_63 = arith.constant 6 : i32
    %dma_wait3A_64 = arith.constant 0 : i32
    %dma_wait3A_65 = arith.constant 0 : i32
    %dma_wait3A_66 = tpu.memref_slice %arg6[%dma_wait3A_63, %dma_wait3A_64, %dma_wait3A_65] : memref<8x64x128xf32, #tpu.memory_space<vmem>> -> memref<1x64x128xf32, #tpu.memory_space<vmem>>
    %dma_wait3A_67 = tpu.memref_squeeze %dma_wait3A_66 : memref<1x64x128xf32, #tpu.memory_space<vmem>> -> memref<64x128xf32, #tpu.memory_space<vmem>>
    %dma_wait3A_68 = arith.constant 0 : i32
    %dma_wait3A_69 = arith.constant 0 : i32
    %dma_wait3A_70 = tpu.memref_slice %arg3[%dma_wait3A_68, %dma_wait3A_69] : memref<64x1000000xf32, #tpu.memory_space<hbm>> -> memref<64x128xf32, #tpu.memory_space<hbm>>
    %dma_wait3A_71 = arith.constant 0 : i32
    %dma_wait3A_72 = arith.constant 0 : i32
    %dma_wait3A_73 = tpu.memref_slice %arg6[%dma_wait3A_63, %dma_wait3A_71, %dma_wait3A_72] : memref<8x64x128xf32, #tpu.memory_space<vmem>> -> memref<1x64x128xf32, #tpu.memory_space<vmem>>
    %dma_wait3A_74 = tpu.memref_squeeze %dma_wait3A_73 : memref<1x64x128xf32, #tpu.memory_space<vmem>> -> memref<64x128xf32, #tpu.memory_space<vmem>>
    %dma_wait3A_75 = arith.constant 0 : i32
    %dma_wait3A_76 = arith.constant 0 : i32
    %dma_wait3A_77 = tpu.memref_slice %arg3[%dma_wait3A_75, %dma_wait3A_76] : memref<64x1000000xf32, #tpu.memory_space<hbm>> -> memref<64x128xf32, #tpu.memory_space<hbm>>
    tpu.wait_dma2 semaphore(%arg8 : memref<!tpu.dma_semaphore, #tpu.memory_space<semaphore_mem>>) src(%dma_wait3A_77 : memref<64x128xf32, #tpu.memory_space<hbm>>) dst(%dma_wait3A_74 : memref<64x128xf32, #tpu.memory_space<vmem>>)
    %dma_wait3A_78 = arith.constant 7 : i32
    %dma_wait3A_79 = arith.constant 0 : i32
    %dma_wait3A_80 = arith.constant 0 : i32
    %dma_wait3A_81 = tpu.memref_slice %arg6[%dma_wait3A_78, %dma_wait3A_79, %dma_wait3A_80] : memref<8x64x128xf32, #tpu.memory_space<vmem>> -> memref<1x64x128xf32, #tpu.memory_space<vmem>>
    %dma_wait3A_82 = tpu.memref_squeeze %dma_wait3A_81 : memref<1x64x128xf32, #tpu.memory_space<vmem>> -> memref<64x128xf32, #tpu.memory_space<vmem>>
    %dma_wait3A_83 = arith.constant 0 : i32
    %dma_wait3A_84 = arith.constant 0 : i32
    %dma_wait3A_85 = tpu.memref_slice %arg3[%dma_wait3A_83, %dma_wait3A_84] : memref<64x1000000xf32, #tpu.memory_space<hbm>> -> memref<64x128xf32, #tpu.memory_space<hbm>>
    %dma_wait3A_86 = arith.constant 0 : i32
    %dma_wait3A_87 = arith.constant 0 : i32
    %dma_wait3A_88 = tpu.memref_slice %arg6[%dma_wait3A_78, %dma_wait3A_86, %dma_wait3A_87] : memref<8x64x128xf32, #tpu.memory_space<vmem>> -> memref<1x64x128xf32, #tpu.memory_space<vmem>>
    %dma_wait3A_89 = tpu.memref_squeeze %dma_wait3A_88 : memref<1x64x128xf32, #tpu.memory_space<vmem>> -> memref<64x128xf32, #tpu.memory_space<vmem>>
    %dma_wait3A_90 = arith.constant 0 : i32
    %dma_wait3A_91 = arith.constant 0 : i32
    %dma_wait3A_92 = tpu.memref_slice %arg3[%dma_wait3A_90, %dma_wait3A_91] : memref<64x1000000xf32, #tpu.memory_space<hbm>> -> memref<64x128xf32, #tpu.memory_space<hbm>>
    tpu.wait_dma2 semaphore(%arg8 : memref<!tpu.dma_semaphore, #tpu.memory_space<semaphore_mem>>) src(%dma_wait3A_92 : memref<64x128xf32, #tpu.memory_space<hbm>>) dst(%dma_wait3A_89 : memref<64x128xf32, #tpu.memory_space<vmem>>)
    %broadcast_in_dim3A = vector.broadcast %and3A_21 : i32 to vector<16xi32>
    %broadcast_in_dim3A_93 = arith.constant 508 : i32
    %broadcast_in_dim3A_94 = vector.broadcast %broadcast_in_dim3A_93 : i32 to vector<16xi32>
    %gather3A = arith.constant 4 : i32
    %gather3A_95 = arith.constant 0 : i32
    %gather3A_96 = arith.constant 0 : i32
    %gather3A_97 = tpu.memref_slice %arg6[%gather3A, %gather3A_95, %gather3A_96] : memref<8x64x128xf32, #tpu.memory_space<vmem>> -> memref<1x64x128xf32, #tpu.memory_space<vmem>>
    %gather3A_98 = tpu.memref_squeeze %gather3A_97 : memref<1x64x128xf32, #tpu.memory_space<vmem>> -> memref<64x128xf32, #tpu.memory_space<vmem>>
    %gather3A_99 = tpu.vector_load_idx %gather3A_98[%add3A_5, %broadcast_in_dim3A] : memref<64x128xf32, #tpu.memory_space<vmem>>[vector<16xi32>, vector<16xi32>], vector<16xf32>,
    tpu.vector_store_idx %arg7[%add3A_5, %broadcast_in_dim3A_94], %gather3A_99 : memref<64x512xf32, #tpu.memory_space<vmem>>[vector<16xi32>, vector<16xi32>], vector<16xf32>,
    %gather3A_100 = arith.constant 4 : i32
    %gather3A_101 = arith.constant 0 : i32
    %gather3A_102 = arith.constant 0 : i32
    %gather3A_103 = tpu.memref_slice %arg6[%gather3A_100, %gather3A_101, %gather3A_102] : memref<8x64x128xf32, #tpu.memory_space<vmem>> -> memref<1x64x128xf32, #tpu.memory_space<vmem>>
    %gather3A_104 = tpu.memref_squeeze %gather3A_103 : memref<1x64x128xf32, #tpu.memory_space<vmem>> -> memref<64x128xf32, #tpu.memory_space<vmem>>
    %gather3A_105 = tpu.vector_load_idx %gather3A_104[%add3A_8, %broadcast_in_dim3A] : memref<64x128xf32, #tpu.memory_space<vmem>>[vector<16xi32>, vector<16xi32>], vector<16xf32>,
    tpu.vector_store_idx %arg7[%add3A_8, %broadcast_in_dim3A_94], %gather3A_105 : memref<64x512xf32, #tpu.memory_space<vmem>>[vector<16xi32>, vector<16xi32>], vector<16xf32>,
    %gather3A_106 = arith.constant 4 : i32
    %gather3A_107 = arith.constant 0 : i32
    %gather3A_108 = arith.constant 0 : i32
    %gather3A_109 = tpu.memref_slice %arg6[%gather3A_106, %gather3A_107, %gather3A_108] : memref<8x64x128xf32, #tpu.memory_space<vmem>> -> memref<1x64x128xf32, #tpu.memory_space<vmem>>
    %gather3A_110 = tpu.memref_squeeze %gather3A_109 : memref<1x64x128xf32, #tpu.memory_space<vmem>> -> memref<64x128xf32, #tpu.memory_space<vmem>>
    %gather3A_111 = tpu.vector_load_idx %gather3A_110[%add3A_11, %broadcast_in_dim3A] : memref<64x128xf32, #tpu.memory_space<vmem>>[vector<16xi32>, vector<16xi32>], vector<16xf32>,
    tpu.vector_store_idx %arg7[%add3A_11, %broadcast_in_dim3A_94], %gather3A_111 : memref<64x512xf32, #tpu.memory_space<vmem>>[vector<16xi32>, vector<16xi32>], vector<16xf32>,
    %gather3A_112 = arith.constant 4 : i32
    %gather3A_113 = arith.constant 0 : i32
    %gather3A_114 = arith.constant 0 : i32
    %gather3A_115 = tpu.memref_slice %arg6[%gather3A_112, %gather3A_113, %gather3A_114] : memref<8x64x128xf32, #tpu.memory_space<vmem>> -> memref<1x64x128xf32, #tpu.memory_space<vmem>>
    %gather3A_116 = tpu.memref_squeeze %gather3A_115 : memref<1x64x128xf32, #tpu.memory_space<vmem>> -> memref<64x128xf32, #tpu.memory_space<vmem>>
    %gather3A_117 = tpu.vector_load_idx %gather3A_116[%add3A_14, %broadcast_in_dim3A] : memref<64x128xf32, #tpu.memory_space<vmem>>[vector<16xi32>, vector<16xi32>], vector<16xf32>,
    tpu.vector_store_idx %arg7[%add3A_14, %broadcast_in_dim3A_94], %gather3A_117 : memref<64x512xf32, #tpu.memory_space<vmem>>[vector<16xi32>, vector<16xi32>], vector<16xf32>,
    %broadcast_in_dim3A_118 = vector.broadcast %and3A_25 : i32 to vector<16xi32>
    %broadcast_in_dim3A_119 = arith.constant 509 : i32
    %broadcast_in_dim3A_120 = vector.broadcast %broadcast_in_dim3A_119 : i32 to vector<16xi32>
    %gather3A_121 = arith.constant 5 : i32
    %gather3A_122 = arith.constant 0 : i32
    %gather3A_123 = arith.constant 0 : i32
    %gather3A_124 = tpu.memref_slice %arg6[%gather3A_121, %gather3A_122, %gather3A_123] : memref<8x64x128xf32, #tpu.memory_space<vmem>> -> memref<1x64x128xf32, #tpu.memory_space<vmem>>
    %gather3A_125 = tpu.memref_squeeze %gather3A_124 : memref<1x64x128xf32, #tpu.memory_space<vmem>> -> memref<64x128xf32, #tpu.memory_space<vmem>>
    %gather3A_126 = tpu.vector_load_idx %gather3A_125[%add3A_5, %broadcast_in_dim3A_118] : memref<64x128xf32, #tpu.memory_space<vmem>>[vector<16xi32>, vector<16xi32>], vector<16xf32>,
    tpu.vector_store_idx %arg7[%add3A_5, %broadcast_in_dim3A_120], %gather3A_126 : memref<64x512xf32, #tpu.memory_space<vmem>>[vector<16xi32>, vector<16xi32>], vector<16xf32>,
    %gather3A_127 = arith.constant 5 : i32
    %gather3A_128 = arith.constant 0 : i32
    %gather3A_129 = arith.constant 0 : i32
    %gather3A_130 = tpu.memref_slice %arg6[%gather3A_127, %gather3A_128, %gather3A_129] : memref<8x64x128xf32, #tpu.memory_space<vmem>> -> memref<1x64x128xf32, #tpu.memory_space<vmem>>
    %gather3A_131 = tpu.memref_squeeze %gather3A_130 : memref<1x64x128xf32, #tpu.memory_space<vmem>> -> memref<64x128xf32, #tpu.memory_space<vmem>>
    %gather3A_132 = tpu.vector_load_idx %gather3A_131[%add3A_8, %broadcast_in_dim3A_118] : memref<64x128xf32, #tpu.memory_space<vmem>>[vector<16xi32>, vector<16xi32>], vector<16xf32>,
    tpu.vector_store_idx %arg7[%add3A_8, %broadcast_in_dim3A_120], %gather3A_132 : memref<64x512xf32, #tpu.memory_space<vmem>>[vector<16xi32>, vector<16xi32>], vector<16xf32>,
    %gather3A_133 = arith.constant 5 : i32
    %gather3A_134 = arith.constant 0 : i32
    %gather3A_135 = arith.constant 0 : i32
    %gather3A_136 = tpu.memref_slice %arg6[%gather3A_133, %gather3A_134, %gather3A_135] : memref<8x64x128xf32, #tpu.memory_space<vmem>> -> memref<1x64x128xf32, #tpu.memory_space<vmem>>
    %gather3A_137 = tpu.memref_squeeze %gather3A_136 : memref<1x64x128xf32, #tpu.memory_space<vmem>> -> memref<64x128xf32, #tpu.memory_space<vmem>>
    %gather3A_138 = tpu.vector_load_idx %gather3A_137[%add3A_11, %broadcast_in_dim3A_118] : memref<64x128xf32, #tpu.memory_space<vmem>>[vector<16xi32>, vector<16xi32>], vector<16xf32>,
    tpu.vector_store_idx %arg7[%add3A_11, %broadcast_in_dim3A_120], %gather3A_138 : memref<64x512xf32, #tpu.memory_space<vmem>>[vector<16xi32>, vector<16xi32>], vector<16xf32>,
    %gather3A_139 = arith.constant 5 : i32
    %gather3A_140 = arith.constant 0 : i32
    %gather3A_141 = arith.constant 0 : i32
    %gather3A_142 = tpu.memref_slice %arg6[%gather3A_139, %gather3A_140, %gather3A_141] : memref<8x64x128xf32, #tpu.memory_space<vmem>> -> memref<1x64x128xf32, #tpu.memory_space<vmem>>
    %gather3A_143 = tpu.memref_squeeze %gather3A_142 : memref<1x64x128xf32, #tpu.memory_space<vmem>> -> memref<64x128xf32, #tpu.memory_space<vmem>>
    %gather3A_144 = tpu.vector_load_idx %gather3A_143[%add3A_14, %broadcast_in_dim3A_118] : memref<64x128xf32, #tpu.memory_space<vmem>>[vector<16xi32>, vector<16xi32>], vector<16xf32>,
    tpu.vector_store_idx %arg7[%add3A_14, %broadcast_in_dim3A_120], %gather3A_144 : memref<64x512xf32, #tpu.memory_space<vmem>>[vector<16xi32>, vector<16xi32>], vector<16xf32>,
    %broadcast_in_dim3A_145 = vector.broadcast %and3A_29 : i32 to vector<16xi32>
    %broadcast_in_dim3A_146 = arith.constant 510 : i32
    %broadcast_in_dim3A_147 = vector.broadcast %broadcast_in_dim3A_146 : i32 to vector<16xi32>
    %gather3A_148 = arith.constant 6 : i32
    %gather3A_149 = arith.constant 0 : i32
    %gather3A_150 = arith.constant 0 : i32
    %gather3A_151 = tpu.memref_slice %arg6[%gather3A_148, %gather3A_149, %gather3A_150] : memref<8x64x128xf32, #tpu.memory_space<vmem>> -> memref<1x64x128xf32, #tpu.memory_space<vmem>>
    %gather3A_152 = tpu.memref_squeeze %gather3A_151 : memref<1x64x128xf32, #tpu.memory_space<vmem>> -> memref<64x128xf32, #tpu.memory_space<vmem>>
    %gather3A_153 = tpu.vector_load_idx %gather3A_152[%add3A_5, %broadcast_in_dim3A_145] : memref<64x128xf32, #tpu.memory_space<vmem>>[vector<16xi32>, vector<16xi32>], vector<16xf32>,
    tpu.vector_store_idx %arg7[%add3A_5, %broadcast_in_dim3A_147], %gather3A_153 : memref<64x512xf32, #tpu.memory_space<vmem>>[vector<16xi32>, vector<16xi32>], vector<16xf32>,
    %gather3A_154 = arith.constant 6 : i32
    %gather3A_155 = arith.constant 0 : i32
    %gather3A_156 = arith.constant 0 : i32
    %gather3A_157 = tpu.memref_slice %arg6[%gather3A_154, %gather3A_155, %gather3A_156] : memref<8x64x128xf32, #tpu.memory_space<vmem>> -> memref<1x64x128xf32, #tpu.memory_space<vmem>>
    %gather3A_158 = tpu.memref_squeeze %gather3A_157 : memref<1x64x128xf32, #tpu.memory_space<vmem>> -> memref<64x128xf32, #tpu.memory_space<vmem>>
    %gather3A_159 = tpu.vector_load_idx %gather3A_158[%add3A_8, %broadcast_in_dim3A_145] : memref<64x128xf32, #tpu.memory_space<vmem>>[vector<16xi32>, vector<16xi32>], vector<16xf32>,
    tpu.vector_store_idx %arg7[%add3A_8, %broadcast_in_dim3A_147], %gather3A_159 : memref<64x512xf32, #tpu.memory_space<vmem>>[vector<16xi32>, vector<16xi32>], vector<16xf32>,
    %gather3A_160 = arith.constant 6 : i32
    %gather3A_161 = arith.constant 0 : i32
    %gather3A_162 = arith.constant 0 : i32
    %gather3A_163 = tpu.memref_slice %arg6[%gather3A_160, %gather3A_161, %gather3A_162] : memref<8x64x128xf32, #tpu.memory_space<vmem>> -> memref<1x64x128xf32, #tpu.memory_space<vmem>>
    %gather3A_164 = tpu.memref_squeeze %gather3A_163 : memref<1x64x128xf32, #tpu.memory_space<vmem>> -> memref<64x128xf32, #tpu.memory_space<vmem>>
    %gather3A_165 = tpu.vector_load_idx %gather3A_164[%add3A_11, %broadcast_in_dim3A_145] : memref<64x128xf32, #tpu.memory_space<vmem>>[vector<16xi32>, vector<16xi32>], vector<16xf32>,
    tpu.vector_store_idx %arg7[%add3A_11, %broadcast_in_dim3A_147], %gather3A_165 : memref<64x512xf32, #tpu.memory_space<vmem>>[vector<16xi32>, vector<16xi32>], vector<16xf32>,
    %gather3A_166 = arith.constant 6 : i32
    %gather3A_167 = arith.constant 0 : i32
    %gather3A_168 = arith.constant 0 : i32
    %gather3A_169 = tpu.memref_slice %arg6[%gather3A_166, %gather3A_167, %gather3A_168] : memref<8x64x128xf32, #tpu.memory_space<vmem>> -> memref<1x64x128xf32, #tpu.memory_space<vmem>>
    %gather3A_170 = tpu.memref_squeeze %gather3A_169 : memref<1x64x128xf32, #tpu.memory_space<vmem>> -> memref<64x128xf32, #tpu.memory_space<vmem>>
    %gather3A_171 = tpu.vector_load_idx %gather3A_170[%add3A_14, %broadcast_in_dim3A_145] : memref<64x128xf32, #tpu.memory_space<vmem>>[vector<16xi32>, vector<16xi32>], vector<16xf32>,
    tpu.vector_store_idx %arg7[%add3A_14, %broadcast_in_dim3A_147], %gather3A_171 : memref<64x512xf32, #tpu.memory_space<vmem>>[vector<16xi32>, vector<16xi32>], vector<16xf32>,
    %broadcast_in_dim3A_172 = vector.broadcast %and3A_33 : i32 to vector<16xi32>
    %broadcast_in_dim3A_173 = arith.constant 511 : i32
    %broadcast_in_dim3A_174 = vector.broadcast %broadcast_in_dim3A_173 : i32 to vector<16xi32>
    %gather3A_175 = arith.constant 7 : i32
    %gather3A_176 = arith.constant 0 : i32
    %gather3A_177 = arith.constant 0 : i32
    %gather3A_178 = tpu.memref_slice %arg6[%gather3A_175, %gather3A_176, %gather3A_177] : memref<8x64x128xf32, #tpu.memory_space<vmem>> -> memref<1x64x128xf32, #tpu.memory_space<vmem>>
    %gather3A_179 = tpu.memref_squeeze %gather3A_178 : memref<1x64x128xf32, #tpu.memory_space<vmem>> -> memref<64x128xf32, #tpu.memory_space<vmem>>
    %gather3A_180 = tpu.vector_load_idx %gather3A_179[%add3A_5, %broadcast_in_dim3A_172] : memref<64x128xf32, #tpu.memory_space<vmem>>[vector<16xi32>, vector<16xi32>], vector<16xf32>,
    tpu.vector_store_idx %arg7[%add3A_5, %broadcast_in_dim3A_174], %gather3A_180 : memref<64x512xf32, #tpu.memory_space<vmem>>[vector<16xi32>, vector<16xi32>], vector<16xf32>,
    %gather3A_181 = arith.constant 7 : i32
    %gather3A_182 = arith.constant 0 : i32
    %gather3A_183 = arith.constant 0 : i32
    %gather3A_184 = tpu.memref_slice %arg6[%gather3A_181, %gather3A_182, %gather3A_183] : memref<8x64x128xf32, #tpu.memory_space<vmem>> -> memref<1x64x128xf32, #tpu.memory_space<vmem>>
    %gather3A_185 = tpu.memref_squeeze %gather3A_184 : memref<1x64x128xf32, #tpu.memory_space<vmem>> -> memref<64x128xf32, #tpu.memory_space<vmem>>
    %gather3A_186 = tpu.vector_load_idx %gather3A_185[%add3A_8, %broadcast_in_dim3A_172] : memref<64x128xf32, #tpu.memory_space<vmem>>[vector<16xi32>, vector<16xi32>], vector<16xf32>,
    tpu.vector_store_idx %arg7[%add3A_8, %broadcast_in_dim3A_174], %gather3A_186 : memref<64x512xf32, #tpu.memory_space<vmem>>[vector<16xi32>, vector<16xi32>], vector<16xf32>,
    %gather3A_187 = arith.constant 7 : i32
    %gather3A_188 = arith.constant 0 : i32
    %gather3A_189 = arith.constant 0 : i32
    %gather3A_190 = tpu.memref_slice %arg6[%gather3A_187, %gather3A_188, %gather3A_189] : memref<8x64x128xf32, #tpu.memory_space<vmem>> -> memref<1x64x128xf32, #tpu.memory_space<vmem>>
    %gather3A_191 = tpu.memref_squeeze %gather3A_190 : memref<1x64x128xf32, #tpu.memory_space<vmem>> -> memref<64x128xf32, #tpu.memory_space<vmem>>
    %gather3A_192 = tpu.vector_load_idx %gather3A_191[%add3A_11, %broadcast_in_dim3A_172] : memref<64x128xf32, #tpu.memory_space<vmem>>[vector<16xi32>, vector<16xi32>], vector<16xf32>,
    tpu.vector_store_idx %arg7[%add3A_11, %broadcast_in_dim3A_174], %gather3A_192 : memref<64x512xf32, #tpu.memory_space<vmem>>[vector<16xi32>, vector<16xi32>], vector<16xf32>,
    %gather3A_193 = arith.constant 7 : i32
    %gather3A_194 = arith.constant 0 : i32
    %gather3A_195 = arith.constant 0 : i32
    %gather3A_196 = tpu.memref_slice %arg6[%gather3A_193, %gather3A_194, %gather3A_195] : memref<8x64x128xf32, #tpu.memory_space<vmem>> -> memref<1x64x128xf32, #tpu.memory_space<vmem>>
    %gather3A_197 = tpu.memref_squeeze %gather3A_196 : memref<1x64x128xf32, #tpu.memory_space<vmem>> -> memref<64x128xf32, #tpu.memory_space<vmem>>
    %gather3A_198 = tpu.vector_load_idx %gather3A_197[%add3A_14, %broadcast_in_dim3A_172] : memref<64x128xf32, #tpu.memory_space<vmem>>[vector<16xi32>, vector<16xi32>], vector<16xf32>,
    tpu.vector_store_idx %arg7[%add3A_14, %broadcast_in_dim3A_174], %gather3A_198 : memref<64x512xf32, #tpu.memory_space<vmem>>[vector<16xi32>, vector<16xi32>], vector<16xf32>,
    "tpu.region"() ({
      %run_scoped3A = tpu.sem_alloc : memref<!tpu.dma_semaphore, #tpu.memory_space<semaphore_mem>>
      %dma_start3A = arith.constant 0 : i32
      %dma_start3A_199 = tpu.memref_slice %arg4[%dma_start3A, %mul3A_2] : memref<64x16384xf32, #tpu.memory_space<hbm>> -> memref<64x512xf32, #tpu.memory_space<hbm>>
      %dma_start3A_200 = arith.constant 0 : i32
      %dma_start3A_201 = tpu.memref_slice %arg4[%dma_start3A_200, %mul3A_2] : memref<64x16384xf32, #tpu.memory_space<hbm>> -> memref<64x512xf32, #tpu.memory_space<hbm>>
      tpu.enqueue_dma source(%arg7 : memref<64x512xf32, #tpu.memory_space<vmem>>) target(%dma_start3A_201 : memref<64x512xf32, #tpu.memory_space<hbm>>) target_semaphore(%run_scoped3A : memref<!tpu.dma_semaphore, #tpu.memory_space<semaphore_mem>>)
      %dma_wait3A_202 = arith.constant 0 : i32
      %dma_wait3A_203 = tpu.memref_slice %arg4[%dma_wait3A_202, %mul3A_2] : memref<64x16384xf32, #tpu.memory_space<hbm>> -> memref<64x512xf32, #tpu.memory_space<hbm>>
      %dma_wait3A_204 = arith.constant 0 : i32
      %dma_wait3A_205 = tpu.memref_slice %arg4[%dma_wait3A_204, %mul3A_2] : memref<64x16384xf32, #tpu.memory_space<hbm>> -> memref<64x512xf32, #tpu.memory_space<hbm>>
      tpu.wait_dma2 semaphore(%run_scoped3A : memref<!tpu.dma_semaphore, #tpu.memory_space<semaphore_mem>>) src(%arg7 : memref<64x512xf32, #tpu.memory_space<vmem>>) dst(%dma_wait3A_205 : memref<64x512xf32, #tpu.memory_space<hbm>>)
      tpu.yield
    }) : () -> ()
    return
  }
}

</mosaic_0001>

<sc_bundles>
// kernel: kernel.3.cloned.1.call-start
scs
__scs_entry_jumppad:
0x0: {  	(pc) =	sbr.rel $0x88, $3  }
0x1: {  	(tag) =	ssettag $0x0;
	lr =	simm.s32 $0x1  }
0x2: {  	[smem:$0x3F9F] =	sst lr;
	_ =	strace $0xD0000000  }
0x3: {  	_ = 	snop  }
0x4: {  	_ = 	snop  }
0x5: {  	_ = 	snop  }
0x6: {  	_ = 	snop  }
0x7: {  	_ = 	snop  }
__scs_overlays_trampoline_lowered:
0x8: {  	[smem:$0x3FAE] =	sst s0  }
0x9: {  	[smem:$0x3FAF] =	sst s1  }
0xa: {  	[smem:$0x3FB0] =	sst s2  }
0xb: {  	[smem:$0x3FB1] =	sst s3  }
0xc: {  	[smem:$0x3FB2] =	sst s4  }
0xd: {  	[smem:$0x3FB3] =	sst s5  }
0xe: {  	[smem:$0x3FB4] =	sst s6  }
0xf: {  	[smem:$0x3FB5] =	sst s7  }
0x10: {  	[smem:$0x3FB6] =	sst s8  }
0x11: {  	[smem:$0x3FB7] =	sst s9;
	s0 =	simm.s32 @!p0 $0x0  }
0x12: {  	s1 =	sld [smem:$0x3F9D];
	s0 =	simm.s32 @p0 $0x1  }
0x13: {  	[smem:$0x3FB8] =	sst s0;
	s0 =	simm.s32 @!p1 $0x0  }
0x14: {  	s2 =	sld [smem:$0x3F9C];
	s0 =	simm.s32 @p1 $0x1  }
0x15: {  	[smem:$0x3FB9] =	sst s0;
	s0 =	simm.s32 @!p2 $0x0  }
0x16: {  	s3 =	sld [smem:$0x3FDB];
	s0 =	simm.s32 @p2 $0x1  }
0x17: {  	s4 =	simm.s32 $0x1BF5;
	[smem:$0x3FBB] =	sst s0  }
0x18: {  	s0 =	sld [smem:$0x3F9E];
	_ =	swait.ge [sflag:s4], $0x0  }
0x19: {  	s7 =	sld [smem:$0x3F9F]  }
0x1a: {  	s8 =	sadd.s32 $0xFFFFE003, lr  }
0x1b: {  	s9 =	sadd.s32 $0xFFFFFEF7, lr;
	s5 =	simm.s32 $0xFFFFFFFF;
	p2 =	slt.u32 s8, $0xFFFFF086  }
0x1c: {  	p1 =	slt.u32 s9, $0xF7A;
	s5 =	simm.s32 @!p2 $0x0  }
0x1d: {  	s5 =	simm.s32 @p1 $0x1;
	p0 =	seq.s32 s7, s2  }
0x1e: {  	s7 =	smul.u32 @!p0 $0xF7A, s2;
	p2 =	seq.s32 @!p0 s5, $0x0  }
0x1f: {  	s9 =	smul.u32 $0xF7A, s1;
	s8 =	simm.s32 @!p0 $0x1BF5;
	p2 =	por !p2, p0  }
0x20: {  	[sflag:s8] =	ssyncset.s32 @!p0 $0xFFFFF086;
	s6 =	sadd.s32 @!p0 s3, s7;
	s7 =	simm.s32 @!p0 $0x108  }
0x21: {  	s3 =	sadd.s32 s3, s9;
	s6 =	sadd.s32 @!p0 $0x88, s6;
	s7 =	simm.s32 @p2 $0x1082  }
0x22: {  	[simem:s7], [sflag:s8] =	dma.local @!p0 [hbm:s6], $0xF7A  }
0x23: {  	s9 =	sor.u32 $0xD0000000, s2;
	s6 =	simm.s32 $0x108;
	_ =	swait.ge @!p0 [sflag:s8], $0x0  }
0x24: {  	s3 =	sadd.s32 $0x88, s3;
	s6 =	simm.s32 @!p1 $0x1082;
	[sflag:s4] =	ssyncset.s32 $0xFFFFF086  }
0x25: {  	[simem:s6], [sflag:s4] =	dma.local [hbm:s3], $0xF7A  }
0x26: {  	[smem:$0x3F9F] =	sst s1;
	(tag) =	ssettag s2;
	_ =	strace s9  }
0x27: {  	s1 =	sld [smem:$0x3FAF]  }
0x28: {  	s2 =	sld [smem:$0x3FB0]  }
0x29: {  	s4 =	sld [smem:$0x3FB2]  }
0x2a: {  	p0 =	seq.s32 s5, $0x0;
	s5 =	sld [smem:$0x3FB3]  }
0x2b: {  	s6 =	sld [smem:$0x3FB4]  }
0x2c: {  	s7 =	sld [smem:$0x3FB5]  }
0x2d: {  	s3 =	simm.s32 $0x108;
	s8 =	sld [smem:$0x3FB6]  }
0x2e: {  	s3 =	simm.s32 @!p0 $0x1082;
	s9 =	sld [smem:$0x3FB7]  }
0x2f: {  	lr =	sadd.s32 s0, s3;
	s0 =	sld [smem:$0x3FAE]  }
0x30: {  	s3 =	sld [smem:$0x3FB1]  }
0x31: {  	[smem:$0x3FBA] =	sst s10  }
0x32: {  	s10 =	sld [smem:$0x3FB8];
	_ =	sdelay $0x3  }
0x33: {  	p0 =	seq.s32 s10, $0x1;
	s10 =	sld [smem:$0x3FBA];
	_ =	sdelay $0x3  }
0x34: {  	[smem:$0x3FBA] =	sst s10  }
0x35: {  	s10 =	sld [smem:$0x3FB9];
	_ =	sdelay $0x3  }
0x36: {  	p1 =	seq.s32 s10, $0x1;
	s10 =	sld [smem:$0x3FBA];
	_ =	sdelay $0x3  }
0x37: {  	[smem:$0x3FBA] =	sst s10  }
0x38: {  	s10 =	sld [smem:$0x3FBB]  }
0x39: {  	_ = 	snop;
	(pc) =	sbr.ind lr, $3  }
0x3a: {  	_ = 	snop  }
0x3b: {  	_ = 	snop  }
0x3c: {  	p2 =	seq.s32 s10, $0x1;
	s10 =	sld [smem:$0x3FBA]  }
0x3d: {  	_ =	shalt  }
0x3e: {  	_ =	shalt  }
0x3f: {  	_ =	shalt  }
0x40: {  	_ =	shalt  }
0x41: {  	_ =	shalt  }
0x42: {  	_ =	shalt  }
0x43: {  	_ =	shalt  }
0x44: {  	_ =	shalt  }
0x45: {  	_ =	shalt  }
0x46: {  	_ =	shalt  }
0x47: {  	_ =	shalt  }
0x48: {  	_ =	shalt  }
0x49: {  	_ =	shalt  }
0x4a: {  	_ =	shalt  }
0x4b: {  	_ =	shalt  }
0x4c: {  	_ =	shalt  }
0x4d: {  	_ =	shalt  }
0x4e: {  	_ =	shalt  }
0x4f: {  	_ =	shalt  }
0x50: {  	_ =	shalt  }
0x51: {  	_ =	shalt  }
0x52: {  	_ =	shalt  }
0x53: {  	_ =	shalt  }
0x54: {  	_ =	shalt  }
0x55: {  	_ =	shalt  }
0x56: {  	_ =	shalt  }
0x57: {  	_ =	shalt  }
0x58: {  	_ =	shalt  }
0x59: {  	_ =	shalt  }
0x5a: {  	_ =	shalt  }
0x5b: {  	_ =	shalt  }
0x5c: {  	_ =	shalt  }
0x5d: {  	_ =	shalt  }
0x5e: {  	_ =	shalt  }
0x5f: {  	_ =	shalt  }
0x60: {  	_ =	shalt  }
0x61: {  	_ =	shalt  }
0x62: {  	_ =	shalt  }
0x63: {  	_ =	shalt  }
0x64: {  	_ =	shalt  }
0x65: {  	_ =	shalt  }
0x66: {  	_ =	shalt  }
0x67: {  	_ =	shalt  }
0x68: {  	_ =	shalt  }
0x69: {  	_ =	shalt  }
0x6a: {  	_ =	shalt  }
0x6b: {  	_ =	shalt  }
0x6c: {  	_ =	shalt  }
0x6d: {  	_ =	shalt  }
0x6e: {  	_ =	shalt  }
0x6f: {  	_ =	shalt  }
0x70: {  	_ =	shalt  }
0x71: {  	_ =	shalt  }
0x72: {  	_ =	shalt  }
0x73: {  	_ =	shalt  }
0x74: {  	_ =	shalt  }
0x75: {  	_ =	shalt  }
0x76: {  	_ =	shalt  }
0x77: {  	_ =	shalt  }
0x78: {  	_ =	shalt  }
0x79: {  	_ =	shalt  }
0x7a: {  	_ =	shalt  }
0x7b: {  	_ =	shalt  }
0x7c: {  	_ =	shalt  }
0x7d: {  	_ =	shalt  }
0x7e: {  	_ =	shalt  }
0x7f: {  	_ =	shalt  }
0x80: {  	_ =	shalt  }
0x81: {  	_ =	shalt  }
0x82: {  	_ =	shalt  }
0x83: {  	_ =	shalt  }
0x84: {  	_ =	shalt  }
0x85: {  	_ =	shalt  }
0x86: {  	_ =	shalt  }
0x87: {  	_ =	shalt  }
.Lfunc_end0:
.L_simem_size_0:
called_computation_lowered:
.L_overlay_start_0:
0x88: {  	s2 =	sld [smem:$0x3FD9]  }
0x89: {  	s3 =	sld [smem:$0x3FFE];
	_ =	sdelay $0x1  }
0x8a: {  	s1 =	srdreg.scid  }
0x8b: {  	s0 =	sand.u32 $0x1, s1  }
0x8c: {  	s18 =	sshll.u32 s0, $0xA;
	s2 =	sadd.s32 s3, s2  }
0x8d: {  	s2 =	sadd.s32 s2, s18  }
0x8e: {  	[smem:$0x3FC6] =	sst s2  }
0x8f: {  	_ = 	snop  }
0x90: {  	s2 =	sld [smem:$0x3FC9]  }
0x91: {  	s19 =	sld [smem:$0x3FC8]  }
0x92: {  	s4 =	sld [smem:$0x3FD0];
	(tm) =	ssettm $0x1  }
0x93: {  	s5 =	sld [smem:$0x3FFB];
	_ =	sdelay $0x3  }
0x94: {  	_ =	strace s5  }
0x95: {  	s5 =	sld [smem:$0x3FFC];
	_ =	sdelay $0x3  }
0x96: {  	_ =	strace s5  }
0x97: {  	s5 =	sld [smem:$0x3FFD];
	_ =	sdelay $0x3  }
0x98: {  	_ =	strace s5  }
0x99: {  	_ =	strace $0x8FFFFFFF  }
0x9a: {  	s20 =	sld [smem:$0x3FDB];
	_ =	sdelay $0x1  }
0x9b: {  	s6 =	simm.s32 $_scs_section_size  }
0x9c: {  	s7 =	simm.s32 $_size__tile_overlayer_lowered;
	s8 =	simm.s32 $_tile_overlayer_lowered  }
0x9d: {  	s23 =	simm.s32 $0x1BFF;
	s22 =	sshll.u32 s8, $0x1;
	s5 =	sadd.s32 s6, s20  }
0x9e: {  	s9 =	simm.s32 $0x0;
	s21 =	sshll.u32 s7, $0x1;
	s7 =	sadd.s32 s22, s5  }
0x9f: {  	[timem:s9], [sflag:s23] =	dma.local [hbm:s7], s21  }
0xa0: {  	_ =	swait.ge [sflag:s23], s21  }
0xa1: {  	s6 =	ssub.s32 $0x0, s21;
	[sflag:s23] =	ssyncset.done $0x0  }
0xa2: {  	[sflag:s23] =	ssyncadd.s32 s6;
	_ =	sdelay $0x1  }
0xa3: {  	s24 =	simm.s32 $0x1B8B  }
0xa4: {  	_ =	swait.ge [sflag:s24], $0x1  }
0xa5: {  	[sflag:s24] =	ssyncset.done $0x0  }
0xa6: {  	s25 =	simm.s32 $0x1B8E;
	[sflag:s24] =	ssyncadd.s32 $0xFFFFFFFF  }
0xa7: {  	s26 =	simm.s32 $execute0_lowered;
	[smem:$0x3FD2] =	sst s25  }
0xa8: {  	s6 =	sshll.u32 s26, $0x1;
	_ =	strace $0x80000046;
	[dreg:$0x1] =	wrdreg $0xFFFFFFFF  }
0xa9: {  	s28 =	simm.s32 $_size_execute0_lowered;
	s5 =	sadd.s32 s5, s6;
	[dreg:$0x0] =	wrdreg $0x0  }
0xaa: {  	s6 =	sshll.u32 s28, $0x1;
	[dreg:$0x2] =	wrdreg s5  }
0xab: {  	[dreg:$0x3] =	wrdreg s6  }
0xac: {  	[dreg:$0x4] =	wrdreg $0xC0  }
0xad: {  	_ =	task [dreg:s9], $0x5FFFF  }
0xae: {  	[dreg:$0x1] =	wrdreg $0xFFFFFFFF  }
0xaf: {  	[dreg:$0x0] =	wrdreg $0x60  }
0xb0: {  	[dreg:$0x2] =	wrdreg s2  }
0xb1: {  	[dreg:$0x3] =	wrdreg s19  }
0xb2: {  	[dreg:$0x4] =	wrdreg s4  }
0xb3: {  	[dreg:$0x5] =	wrdreg $0x9  }
0xb4: {  	_ =	task.clear_ibuf [dreg:s9], $0x6FFFF;
	_ =	strace $0x90000046  }
0xb5: {  	s29 =	simm.s32 $0x9;
	_ =	strace $0x80000048  }
0xb6: {  	_ =	swait.ge [sflag:s29], $0x1  }
0xb7: {  	[sflag:s29] =	ssyncadd.s32 $0xFFFFFFFF  }
0xb8: {  	_ =	strace $0x90000048  }
0xb9: {  	_ =	sfence  }
0xba: {  	s30 =	sld [smem:$0x0];
	_ =	sdelay $0x2  }
0xbb: {  	s31 =	sshll.u32 s1, $0xD;
	s1 =	sshrl.u32 s1, $0x2  }
0xbc: {  	s3 =	sand.u32 $0x4000, s31;
	s1 =	sadd.s32 s1, s30  }
0xbd: {  	s0 =	sor.u32 s3, s0;
	s1 =	sshll.u32 s1, $0x11  }
0xbe: {  	s0 =	sor.u32 s1, s0  }
0xbf: {  	s0 =	sadd.s32 $0x8F2B, s0  }
0xc0: {  	[sflag:s0] =	ssyncadd.remote.s32 $0x1  }
0xc1: {  	_ =	sfence.sel $0xFFFF  }
0xc2: {  	[dreg:$0x0] =	wrdreg $0xFFFFFFFF;
	(pc) =	sbr.abs _section_cstart, $3  }
0xc3: {  	[dreg:$0x1] =	wrdreg $0xFFFFFFFF  }
0xc4: {  	_ =	task.clear_ibuf [dreg:s9], $0x2FFFF;
	_ =	strace $0x9FFFFFFF  }
0xc5: {  	(tm) =	ssettm $0x7FFFFFFF  }
tec
execute0_lowered:
.L_overlay_start_1:
0x0: {  	(tag) =	ssettag $0x1  }
0x1: {  	v0 =	vlaneseq.u32  }
0x2: {  	v1 =	vimm.s32 $0x1380;
	vm14 =	vcmask $0x300;
	vm13 =	vcmask $0x704  }
0x3: {  	v2 =	vimm.s32 $0x3380;
	vm12 =	vcmask $0xB08;
	vm11 =	vcmask $0xF0C  }
0x4: {  	vm10 =	vcmask $0x1310;
	vm9 =	vcmask $0x1714;
	vm8 =	vcmask $0x1B18  }
0x5: {  	vm7 =	vcmask $0x1F1C;
	vm6 =	vcmask $0x2320;
	vm5 =	vcmask $0x2724  }
0x6: {  	vm4 =	vcmask $0x2B28;
	vm3 =	vcmask $0x2F2C;
	vm2 =	vcmask $0x3330  }
0x7: {  	vm0 =	vcmask $0x3734;
	vm1 =	vcmask $0x3B38;
	v5 =	vimm.s32 $0x5380  }
0x8: {  	v6 =	vimm.s32 $0x7380;
	v7 =	vimm.s32 $0x1FFC;
	v10 =	vimm.s32 $0x5FFC  }
0x9: {  	v11 =	vimm.s32 $0x7FFC;
	v12 =	vimm.s32 $0x1FFD;
	v13 =	vimm.s32 $0x3FFD  }
0xa: {  	v14 =	vimm.s32 $0x5FFD;
	v15 =	vimm.s32 $0x7FFD;
	v16 =	vimm.s32 $0x1FFE  }
0xb: {  	v17 =	vimm.s32 $0x3FFE;
	v18 =	vimm.s32 $0x5FFE;
	v19 =	vimm.s32 $0x7FFE  }
0xc: {  	v20 =	vimm.s32 $0x1FFF;
	v21 =	vimm.s32 $0x3FFF;
	v22 =	vimm.s32 $0x5FFF  }
0xd: {  	v23 =	vimm.s32 $0x7FFF;
	v0 =	vmul.u32 $0x80, v0;
	v1 =	vsel vm14, $0x0, v1  }
0xe: {  	v2 =	vsel vm14, $0x2000, v2;
	v5 =	vsel vm14, $0x4000, v5;
	v6 =	vsel vm14, $0x6000, v6  }
0xf: {  	v7 =	vsel vm14, $0xC7C, v7;
	v10 =	vsel vm14, $0x4C7C, v10;
	v11 =	vsel vm14, $0x6C7C, v11  }
0x10: {  	v12 =	vsel vm14, $0xC7D, v12;
	v13 =	vsel vm14, $0x2C7D, v13;
	v14 =	vsel vm14, $0x4C7D, v14  }
0x11: {  	v15 =	vsel vm14, $0x6C7D, v15;
	v16 =	vsel vm14, $0xC7E, v16;
	v17 =	vsel vm14, $0x2C7E, v17  }
0x12: {  	v18 =	vsel vm14, $0x4C7E, v18;
	v19 =	vsel vm14, $0x6C7E, v19;
	v20 =	vsel vm14, $0xC7F, v20  }
0x13: {  	v21 =	vsel vm14, $0x2C7F, v21;
	v22 =	vsel vm14, $0x4C7F, v22;
	v23 =	vsel vm14, $0x6C7F, v23  }
0x14: {  	v1 =	vsel vm13, $0x80, v1;
	v2 =	vsel vm13, $0x2080, v2;
	v5 =	vsel vm13, $0x4080, v5  }
0x15: {  	v6 =	vsel vm13, $0x6080, v6;
	v7 =	vsel vm13, $0xCFC, v7;
	v10 =	vsel vm13, $0x4CFC, v10  }
0x16: {  	v11 =	vsel vm13, $0x6CFC, v11;
	v12 =	vsel vm13, $0xCFD, v12;
	v13 =	vsel vm13, $0x2CFD, v13  }
0x17: {  	v14 =	vsel vm13, $0x4CFD, v14;
	v15 =	vsel vm13, $0x6CFD, v15;
	v16 =	vsel vm13, $0xCFE, v16  }
0x18: {  	v17 =	vsel vm13, $0x2CFE, v17;
	v18 =	vsel vm13, $0x4CFE, v18;
	v19 =	vsel vm13, $0x6CFE, v19  }
0x19: {  	v20 =	vsel vm13, $0xCFF, v20;
	v21 =	vsel vm13, $0x2CFF, v21;
	v22 =	vsel vm13, $0x4CFF, v22  }
0x1a: {  	v23 =	vsel vm13, $0x6CFF, v23;
	v1 =	vsel vm12, $0x100, v1;
	v2 =	vsel vm12, $0x2100, v2  }
0x1b: {  	v4 =	vor.u32 $0x1000, v0;
	v5 =	vsel vm12, $0x4100, v5;
	v6 =	vsel vm12, $0x6100, v6  }
0x1c: {  	v7 =	vsel vm12, $0xD7C, v7;
	v10 =	vsel vm12, $0x4D7C, v10;
	v11 =	vsel vm12, $0x6D7C, v11  }
0x1d: {  	v12 =	vsel vm12, $0xD7D, v12;
	v13 =	vsel vm12, $0x2D7D, v13;
	v14 =	vsel vm12, $0x4D7D, v14  }
0x1e: {  	v15 =	vsel vm12, $0x6D7D, v15;
	v16 =	vsel vm12, $0xD7E, v16;
	v17 =	vsel vm12, $0x2D7E, v17  }
0x1f: {  	v18 =	vsel vm12, $0x4D7E, v18;
	v19 =	vsel vm12, $0x6D7E, v19;
	v20 =	vsel vm12, $0xD7F, v20  }
0x20: {  	v21 =	vsel vm12, $0x2D7F, v21;
	v22 =	vsel vm12, $0x4D7F, v22;
	v23 =	vsel vm12, $0x6D7F, v23  }
0x21: {  	v1 =	vsel vm11, $0x180, v1;
	v2 =	vsel vm11, $0x2180, v2;
	v5 =	vsel vm11, $0x4180, v5  }
0x22: {  	v6 =	vsel vm11, $0x6180, v6;
	v7 =	vsel vm11, $0xDFC, v7;
	v10 =	vsel vm11, $0x4DFC, v10  }
0x23: {  	v11 =	vsel vm11, $0x6DFC, v11;
	v12 =	vsel vm11, $0xDFD, v12;
	v13 =	vsel vm11, $0x2DFD, v13  }
0x24: {  	v14 =	vsel vm11, $0x4DFD, v14;
	v15 =	vsel vm11, $0x6DFD, v15;
	v16 =	vsel vm11, $0xDFE, v16  }
0x25: {  	v17 =	vsel vm11, $0x2DFE, v17;
	v18 =	vsel vm11, $0x4DFE, v18;
	v19 =	vsel vm11, $0x6DFE, v19  }
0x26: {  	v20 =	vsel vm11, $0xDFF, v20;
	v21 =	vsel vm11, $0x2DFF, v21;
	v22 =	vsel vm11, $0x4DFF, v22  }
0x27: {  	v23 =	vsel vm11, $0x6DFF, v23;
	v1 =	vsel vm10, $0x200, v1;
	v2 =	vsel vm10, $0x2200, v2  }
0x28: {  	v5 =	vsel vm10, $0x4200, v5;
	v6 =	vsel vm10, $0x6200, v6;
	v7 =	vsel vm10, $0xE7C, v7  }
0x29: {  	v10 =	vsel vm10, $0x4E7C, v10;
	v11 =	vsel vm10, $0x6E7C, v11;
	v12 =	vsel vm10, $0xE7D, v12  }
0x2a: {  	v13 =	vsel vm10, $0x2E7D, v13;
	v14 =	vsel vm10, $0x4E7D, v14;
	v15 =	vsel vm10, $0x6E7D, v15  }
0x2b: {  	v16 =	vsel vm10, $0xE7E, v16;
	v17 =	vsel vm10, $0x2E7E, v17;
	v18 =	vsel vm10, $0x4E7E, v18  }
0x2c: {  	v19 =	vsel vm10, $0x6E7E, v19;
	v20 =	vsel vm10, $0xE7F, v20;
	v21 =	vsel vm10, $0x2E7F, v21  }
0x2d: {  	v22 =	vsel vm10, $0x4E7F, v22;
	v23 =	vsel vm10, $0x6E7F, v23;
	v1 =	vsel vm9, $0x280, v1  }
0x2e: {  	v2 =	vsel vm9, $0x2280, v2;
	v5 =	vsel vm9, $0x4280, v5;
	v6 =	vsel vm9, $0x6280, v6  }
0x2f: {  	v7 =	vsel vm9, $0xEFC, v7;
	v10 =	vsel vm9, $0x4EFC, v10;
	v11 =	vsel vm9, $0x6EFC, v11  }
0x30: {  	v12 =	vsel vm9, $0xEFD, v12;
	v13 =	vsel vm9, $0x2EFD, v13;
	v14 =	vsel vm9, $0x4EFD, v14  }
0x31: {  	v15 =	vsel vm9, $0x6EFD, v15;
	v16 =	vsel vm9, $0xEFE, v16;
	v17 =	vsel vm9, $0x2EFE, v17  }
0x32: {  	v18 =	vsel vm9, $0x4EFE, v18;
	v19 =	vsel vm9, $0x6EFE, v19;
	v20 =	vsel vm9, $0xEFF, v20  }
0x33: {  	v21 =	vsel vm9, $0x2EFF, v21;
	v22 =	vsel vm9, $0x4EFF, v22;
	v23 =	vsel vm9, $0x6EFF, v23  }
0x34: {  	v1 =	vsel vm8, $0x300, v1;
	v2 =	vsel vm8, $0x2300, v2;
	v5 =	vsel vm8, $0x4300, v5  }
0x35: {  	v6 =	vsel vm8, $0x6300, v6;
	v7 =	vsel vm8, $0xF7C, v7;
	v10 =	vsel vm8, $0x4F7C, v10  }
0x36: {  	v11 =	vsel vm8, $0x6F7C, v11;
	v12 =	vsel vm8, $0xF7D, v12;
	v13 =	vsel vm8, $0x2F7D, v13  }
0x37: {  	v14 =	vsel vm8, $0x4F7D, v14;
	v15 =	vsel vm8, $0x6F7D, v15;
	v16 =	vsel vm8, $0xF7E, v16  }
0x38: {  	v17 =	vsel vm8, $0x2F7E, v17;
	v18 =	vsel vm8, $0x4F7E, v18;
	v19 =	vsel vm8, $0x6F7E, v19  }
0x39: {  	v20 =	vsel vm8, $0xF7F, v20;
	v21 =	vsel vm8, $0x2F7F, v21;
	v22 =	vsel vm8, $0x4F7F, v22  }
0x3a: {  	v23 =	vsel vm8, $0x6F7F, v23;
	v1 =	vsel vm7, $0x380, v1;
	v2 =	vsel vm7, $0x2380, v2  }
0x3b: {  	v5 =	vsel vm7, $0x4380, v5;
	v6 =	vsel vm7, $0x6380, v6;
	v7 =	vsel vm7, $0xFFC, v7  }
0x3c: {  	v10 =	vsel vm7, $0x4FFC, v10;
	v11 =	vsel vm7, $0x6FFC, v11;
	v12 =	vsel vm7, $0xFFD, v12  }
0x3d: {  	v13 =	vsel vm7, $0x2FFD, v13;
	v14 =	vsel vm7, $0x4FFD, v14;
	v15 =	vsel vm7, $0x6FFD, v15  }
0x3e: {  	v16 =	vsel vm7, $0xFFE, v16;
	v17 =	vsel vm7, $0x2FFE, v17;
	v18 =	vsel vm7, $0x4FFE, v18  }
0x3f: {  	v19 =	vsel vm7, $0x6FFE, v19;
	v20 =	vsel vm7, $0xFFF, v20;
	v21 =	vsel vm7, $0x2FFF, v21  }
0x40: {  	v22 =	vsel vm7, $0x4FFF, v22;
	v23 =	vsel vm7, $0x6FFF, v23;
	v1 =	vsel vm6, $0x1000, v1  }
0x41: {  	v2 =	vsel vm6, $0x3000, v2;
	v5 =	vsel vm6, $0x5000, v5;
	v6 =	vsel vm6, $0x7000, v6  }
0x42: {  	v7 =	vsel vm6, $0x1C7C, v7;
	v10 =	vsel vm6, $0x5C7C, v10;
	v11 =	vsel vm6, $0x7C7C, v11  }
0x43: {  	v12 =	vsel vm6, $0x1C7D, v12;
	v13 =	vsel vm6, $0x3C7D, v13;
	v14 =	vsel vm6, $0x5C7D, v14  }
0x44: {  	v15 =	vsel vm6, $0x7C7D, v15;
	v16 =	vsel vm6, $0x1C7E, v16;
	v17 =	vsel vm6, $0x3C7E, v17  }
0x45: {  	v18 =	vsel vm6, $0x5C7E, v18;
	v19 =	vsel vm6, $0x7C7E, v19;
	v20 =	vsel vm6, $0x1C7F, v20  }
0x46: {  	v21 =	vsel vm6, $0x3C7F, v21;
	v22 =	vsel vm6, $0x5C7F, v22;
	v23 =	vsel vm6, $0x7C7F, v23  }
0x47: {  	v1 =	vsel vm5, $0x1080, v1;
	v2 =	vsel vm5, $0x3080, v2;
	v5 =	vsel vm5, $0x5080, v5  }
0x48: {  	v6 =	vsel vm5, $0x7080, v6;
	v7 =	vsel vm5, $0x1CFC, v7;
	v10 =	vsel vm5, $0x5CFC, v10  }
0x49: {  	v11 =	vsel vm5, $0x7CFC, v11;
	v12 =	vsel vm5, $0x1CFD, v12;
	v13 =	vsel vm5, $0x3CFD, v13  }
0x4a: {  	v14 =	vsel vm5, $0x5CFD, v14;
	v15 =	vsel vm5, $0x7CFD, v15;
	v16 =	vsel vm5, $0x1CFE, v16  }
0x4b: {  	v17 =	vsel vm5, $0x3CFE, v17;
	v18 =	vsel vm5, $0x5CFE, v18;
	v19 =	vsel vm5, $0x7CFE, v19  }
0x4c: {  	v20 =	vsel vm5, $0x1CFF, v20;
	v21 =	vsel vm5, $0x3CFF, v21;
	v22 =	vsel vm5, $0x5CFF, v22  }
0x4d: {  	v23 =	vsel vm5, $0x7CFF, v23;
	v1 =	vsel vm4, $0x1100, v1;
	v2 =	vsel vm4, $0x3100, v2  }
0x4e: {  	v5 =	vsel vm4, $0x5100, v5;
	v6 =	vsel vm4, $0x7100, v6;
	v7 =	vsel vm4, $0x1D7C, v7  }
0x4f: {  	v10 =	vsel vm4, $0x5D7C, v10;
	v11 =	vsel vm4, $0x7D7C, v11;
	v12 =	vsel vm4, $0x1D7D, v12  }
0x50: {  	v13 =	vsel vm4, $0x3D7D, v13;
	v14 =	vsel vm4, $0x5D7D, v14;
	v15 =	vsel vm4, $0x7D7D, v15  }
0x51: {  	v16 =	vsel vm4, $0x1D7E, v16;
	v17 =	vsel vm4, $0x3D7E, v17;
	v18 =	vsel vm4, $0x5D7E, v18  }
0x52: {  	v19 =	vsel vm4, $0x7D7E, v19;
	v20 =	vsel vm4, $0x1D7F, v20;
	v21 =	vsel vm4, $0x3D7F, v21  }
0x53: {  	v22 =	vsel vm4, $0x5D7F, v22;
	v23 =	vsel vm4, $0x7D7F, v23;
	v1 =	vsel vm3, $0x1180, v1  }
0x54: {  	v2 =	vsel vm3, $0x3180, v2;
	v5 =	vsel vm3, $0x5180, v5;
	v6 =	vsel vm3, $0x7180, v6  }
0x55: {  	v7 =	vsel vm3, $0x1DFC, v7;
	v10 =	vsel vm3, $0x5DFC, v10;
	v11 =	vsel vm3, $0x7DFC, v11  }
0x56: {  	v12 =	vsel vm3, $0x1DFD, v12;
	v13 =	vsel vm3, $0x3DFD, v13;
	v14 =	vsel vm3, $0x5DFD, v14  }
0x57: {  	v15 =	vsel vm3, $0x7DFD, v15;
	v16 =	vsel vm3, $0x1DFE, v16;
	v17 =	vsel vm3, $0x3DFE, v17  }
0x58: {  	v18 =	vsel vm3, $0x5DFE, v18;
	v19 =	vsel vm3, $0x7DFE, v19;
	v20 =	vsel vm3, $0x1DFF, v20  }
0x59: {  	v21 =	vsel vm3, $0x3DFF, v21;
	v22 =	vsel vm3, $0x5DFF, v22;
	v23 =	vsel vm3, $0x7DFF, v23  }
0x5a: {  	v1 =	vsel vm2, $0x1200, v1;
	v3 =	vsel vm2, $0x3200, v2;
	v2 =	vor.u32 $0x800, v0  }
0x5b: {  	v5 =	vsel vm2, $0x5200, v5;
	v6 =	vsel vm2, $0x7200, v6;
	v7 =	vsel vm2, $0x1E7C, v7  }
0x5c: {  	v10 =	vsel vm2, $0x5E7C, v10;
	v11 =	vsel vm2, $0x7E7C, v11;
	v12 =	vsel vm2, $0x1E7D, v12  }
0x5d: {  	v13 =	vsel vm2, $0x3E7D, v13;
	v14 =	vsel vm2, $0x5E7D, v14;
	v15 =	vsel vm2, $0x7E7D, v15  }
0x5e: {  	v16 =	vsel vm2, $0x1E7E, v16;
	v17 =	vsel vm2, $0x3E7E, v17;
	v18 =	vsel vm2, $0x5E7E, v18  }
0x5f: {  	v19 =	vsel vm2, $0x7E7E, v19;
	v20 =	vsel vm2, $0x1E7F, v20;
	v21 =	vsel vm2, $0x3E7F, v21  }
0x60: {  	v22 =	vsel vm2, $0x5E7F, v22;
	v23 =	vsel vm2, $0x7E7F, v23;
	v1 =	vsel vm0, $0x1280, v1  }
0x61: {  	v3 =	vsel vm0, $0x3280, v3;
	v5 =	vsel vm0, $0x5280, v5;
	v8 =	vsel vm0, $0x7280, v6  }
0x62: {  	v9 =	vsel vm0, $0x1EFC, v7;
	v6 =	vor.u32 $0x1800, v0;
	v10 =	vsel vm0, $0x5EFC, v10  }
0x63: {  	v7 =	vsel vm1, $0x7300, v8;
	v8 =	vsel vm1, $0x1F7C, v9;
	v9 =	vimm.s32 $0x3FFC  }
0x64: {  	v11 =	vsel vm0, $0x7EFC, v11;
	v12 =	vsel vm0, $0x1EFD, v12;
	v9 =	vsel vm14, $0x2C7C, v9  }
0x65: {  	v13 =	vsel vm0, $0x3EFD, v13;
	v14 =	vsel vm0, $0x5EFD, v14;
	v9 =	vsel vm13, $0x2CFC, v9  }
0x66: {  	s1 =	rddreg [dreg:$0x0];
	v15 =	vsel vm0, $0x7EFD, v15;
	v16 =	vsel vm0, $0x1EFE, v16;
	v9 =	vsel vm12, $0x2D7C, v9  }
0x67: {  	s0 =	rddreg [dreg:$0x1];
	s2 =	srdreg.scid;
	v17 =	vsel vm0, $0x3EFE, v17;
	v18 =	vsel vm0, $0x5EFE, v18;
	v9 =	vsel vm11, $0x2DFC, v9  }
0x68: {  	s5 =	rddreg [dreg:$0x2];
	s3 =	stileid.u32;
	s30 =	simm.s32 $0x0;
	v19 =	vsel vm0, $0x7EFE, v19;
	v20 =	vsel vm0, $0x1EFF, v20;
	v9 =	vsel vm10, $0x2E7C, v9  }
0x69: {  	s8 =	simm.s32 $0x2;
	s9 =	simm.s32 $0x7A1400;
	s10 =	simm.s32 $0x200;
	v21 =	vsel vm0, $0x3EFF, v21;
	v22 =	vsel vm0, $0x5EFF, v22;
	v9 =	vsel vm9, $0x2EFC, v9  }
0x6a: {  	s11 =	simm.s32 $0x2200;
	s12 =	simm.s32 $0x4200;
	s13 =	simm.s32 $0x6200;
	v23 =	vsel vm0, $0x7EFF, v23;
	v1 =	vsel vm1, $0x1300, v1;
	v9 =	vsel vm8, $0x2F7C, v9  }
0x6b: {  	s14 =	simm.s32 $0x8200;
	s15 =	simm.s32 $0xA200;
	s16 =	simm.s32 $0xC200;
	v3 =	vsel vm1, $0x3300, v3;
	v5 =	vsel vm1, $0x5300, v5;
	v9 =	vsel vm7, $0x2FFC, v9  }
0x6c: {  	s17 =	simm.s32 $0xE200;
	s18 =	simm.s32 $0x1;
	s19 =	simm.s32 $0x10200;
	v10 =	vsel vm1, $0x5F7C, v10;
	v11 =	vsel vm1, $0x7F7C, v11;
	v9 =	vsel vm6, $0x3C7C, v9  }
0x6d: {  	s20 =	simm.s32 $0x1000;
	s21 =	simm.s32 $0x20000;
	s22 =	simm.s32 $0x0;
	v12 =	vsel vm1, $0x1F7D, v12;
	v13 =	vsel vm1, $0x3F7D, v13;
	v9 =	vsel vm5, $0x3CFC, v9  }
.Ltmp0:
0x6e: {  	s2 =	sand.u32 $0x1, s2;
	s4 =	sshll.u32 s3, $0xA;
	v14 =	vsel vm1, $0x5F7D, v14;
	v15 =	vsel vm1, $0x7F7D, v15;
	v9 =	vsel vm4, $0x3D7C, v9;
	(pc) =	sbr.rel .LBB2_1-.Ltmp0, $4  }
0x6f: {  	[smem:$0x7FF] =	sst s30;
	s6 =	sshll.u32 s2, $0x9;
	s2 =	ssub.s32 $0x2, s2;
	v16 =	vsel vm1, $0x1F7E, v16;
	v17 =	vsel vm1, $0x3F7E, v17;
	v9 =	vsel vm3, $0x3DFC, v9  }
0x70: {  	_ =	strace $0x80000047;
	s6 =	sor.u32 s6, s4;
	s31 =	sshrl.u32 s2, $0x1;
	v18 =	vsel vm1, $0x5F7E, v18;
	v19 =	vsel vm1, $0x7F7E, v19;
	v9 =	vsel vm2, $0x3E7C, v9  }
0x71: {  	s7 =	sshrl.u32 s6, $0x3;
	s2 =	ssub.s32 s2, s31;
	s5 =	sadd.s32 s5, s6;
	v20 =	vsel vm1, $0x1F7F, v20;
	v21 =	vsel vm1, $0x3F7F, v21;
	v9 =	vsel vm0, $0x3EFC, v9  }
0x72: {  	s4 =	sadd.s32 s1, s7;
	s6 =	smax.u32 s2, $0x1;
	s7 =	simm.s32 $0x400;
	v22 =	vsel vm1, $0x5F7F, v22;
	v23 =	vsel vm1, $0x7F7F, v23;
	v9 =	vsel vm1, $0x3F7C, v9  }
.LBB2_5:
0x73: {  	v24 =	vld [tilespmem:$0x1F0];
	_ =	sdelay $0x4  }
0x74: {  	(v2sf) =	vpush v24, $0xC  }
0x75: {  	(v2sf) =	vpush v24, $0xD  }
0x76: {  	(v2sf) =	vpush v24, $0xE  }
0x77: {  	(v2sf) =	vpush v24, $0xF;
	_ =	sdelay $0xb  }
0x78: {  	s1 =	spop (v2sf)  }
0x79: {  	s2 =	spop (v2sf)  }
0x7a: {  	s3 =	spop (v2sf)  }
0x7b: {  	s23 =	spop (v2sf)  }
0x7c: {  	_ =	swait.ge [sflag:s18], $0x2000  }
0x7d: {  	[sflag:s18] =	ssyncset.done $0x0  }
0x7e: {  	[sflag:s18] =	ssyncadd.s32 $0xFFFFE000  }
0x7f: {  	_ =	swait.ge [sflag:s18], $0x2000  }
0x80: {  	[sflag:s18] =	ssyncset.done $0x0  }
0x81: {  	[sflag:s18] =	ssyncadd.s32 $0xFFFFE000  }
0x82: {  	s1 =	sand.u32 $0x7F, s1;
	_ =	swait.ge [sflag:s18], $0x2000  }
0x83: {  	v49 =	vor.u32 s1, v0;
	[sflag:s18] =	ssyncset.done $0x0  }
0x84: {  	[sflag:s18] =	ssyncadd.s32 $0xFFFFE000  }
0x85: {  	_ =	swait.ge [sflag:s18], $0x2000  }
0x86: {  	[sflag:s18] =	ssyncset.done $0x0  }
0x87: {  	[sflag:s18] =	ssyncadd.s32 $0xFFFFE000  }
0x88: {  	v24 =	vld.idx.msk [tilespmem:v49+s14+$0x0], $0xffff  }
0x89: {  	v25 =	vor.u32 s1, v2;
	_ =	sdelay $0x3  }
0x8a: {  	[tilespmem:v8+s19+$0x0] =	vst.idx.msk $0xffff, v24  }
0x8b: {  	v24 =	vld.idx.msk [tilespmem:v25+s14+$0x0], $0xffff  }
0x8c: {  	v50 =	vor.u32 s1, v4;
	_ =	sdelay $0x3  }
0x8d: {  	[tilespmem:v9+s19+$0x0] =	vst.idx.msk $0xffff, v24  }
0x8e: {  	v24 =	vld.idx.msk [tilespmem:v50+s14+$0x0], $0xffff  }
0x8f: {  	v51 =	vor.u32 s1, v6;
	_ =	sdelay $0x3  }
0x90: {  	[tilespmem:v10+s19+$0x0] =	vst.idx.msk $0xffff, v24  }
0x91: {  	s29 =	sand.u32 $0x7F, s2;
	v24 =	vld.idx.msk [tilespmem:v51+s14+$0x0], $0xffff  }
0x92: {  	v52 =	vor.u32 s29, v0;
	_ =	sdelay $0x3  }
0x93: {  	[tilespmem:v11+s19+$0x0] =	vst.idx.msk $0xffff, v24  }
0x94: {  	v24 =	vld.idx.msk [tilespmem:v52+s15+$0x0], $0xffff  }
0x95: {  	v53 =	vor.u32 s29, v2;
	_ =	sdelay $0x3  }
0x96: {  	[tilespmem:v12+s19+$0x0] =	vst.idx.msk $0xffff, v24  }
0x97: {  	v24 =	vld.idx.msk [tilespmem:v53+s15+$0x0], $0xffff  }
0x98: {  	v54 =	vor.u32 s29, v4;
	_ =	sdelay $0x3  }
0x99: {  	[tilespmem:v13+s19+$0x0] =	vst.idx.msk $0xffff, v24  }
0x9a: {  	v24 =	vld.idx.msk [tilespmem:v54+s15+$0x0], $0xffff  }
0x9b: {  	v55 =	vor.u32 s29, v6;
	_ =	sdelay $0x3  }
0x9c: {  	[tilespmem:v14+s19+$0x0] =	vst.idx.msk $0xffff, v24  }
0x9d: {  	s30 =	sand.u32 $0x7F, s3;
	v24 =	vld.idx.msk [tilespmem:v55+s15+$0x0], $0xffff  }
0x9e: {  	v56 =	vor.u32 s30, v0;
	_ =	sdelay $0x3  }
0x9f: {  	[tilespmem:v15+s19+$0x0] =	vst.idx.msk $0xffff, v24  }
0xa0: {  	v24 =	vld.idx.msk [tilespmem:v56+s16+$0x0], $0xffff  }
0xa1: {  	v57 =	vor.u32 s30, v2;
	_ =	sdelay $0x3  }
0xa2: {  	[tilespmem:v16+s19+$0x0] =	vst.idx.msk $0xffff, v24  }
0xa3: {  	v24 =	vld.idx.msk [tilespmem:v57+s16+$0x0], $0xffff  }
0xa4: {  	v58 =	vor.u32 s30, v4;
	_ =	sdelay $0x3  }
0xa5: {  	[tilespmem:v17+s19+$0x0] =	vst.idx.msk $0xffff, v24  }
0xa6: {  	v24 =	vld.idx.msk [tilespmem:v58+s16+$0x0], $0xffff  }
0xa7: {  	v59 =	vor.u32 s30, v6;
	_ =	sdelay $0x3  }
0xa8: {  	[tilespmem:v18+s19+$0x0] =	vst.idx.msk $0xffff, v24  }
0xa9: {  	s31 =	sand.u32 $0x7F, s23;
	v24 =	vld.idx.msk [tilespmem:v59+s16+$0x0], $0xffff  }
0xaa: {  	v60 =	vor.u32 s31, v0;
	_ =	sdelay $0x3  }
0xab: {  	[tilespmem:v19+s19+$0x0] =	vst.idx.msk $0xffff, v24  }
0xac: {  	v24 =	vld.idx.msk [tilespmem:v60+s17+$0x0], $0xffff  }
0xad: {  	v61 =	vor.u32 s31, v2;
	_ =	sdelay $0x3  }
0xae: {  	[tilespmem:v20+s19+$0x0] =	vst.idx.msk $0xffff, v24  }
0xaf: {  	v24 =	vld.idx.msk [tilespmem:v61+s17+$0x0], $0xffff  }
0xb0: {  	v62 =	vor.u32 s31, v4;
	_ =	sdelay $0x3  }
0xb1: {  	[tilespmem:v21+s19+$0x0] =	vst.idx.msk $0xffff, v24  }
0xb2: {  	v24 =	vld.idx.msk [tilespmem:v62+s17+$0x0], $0xffff  }
0xb3: {  	v63 =	vor.u32 s31, v6;
	_ =	sdelay $0x3  }
0xb4: {  	[tilespmem:v22+s19+$0x0] =	vst.idx.msk $0xffff, v24  }
0xb5: {  	v24 =	vld.idx.msk [tilespmem:v63+s17+$0x0], $0xffff;
	_ =	sdelay $0x2  }
0xb6: {  	s22 =	sadd.s32 $0x1, s22  }
0xb7: {  	p0 =	sne.s32 s22, s6  }
.Ltmp1:
0xb8: {  	[tilespmem:v23+s19+$0x0] =	vst.idx.msk $0xffff, v24;
	(pc) =	sbr.rel @!p0 .LBB2_6-.Ltmp1, $4  }
0xb9: {  	[hbm4b:s5+s20] =	stream.strided.scatter [tilespmem:s19], [sflag:$0x2], $0x8000, s21, s20, $0x38;
	[tilespmem:$0x18200] =	vst v63  }
0xba: {  	_ =	swait.ge [sflag:s8], $0x8000  }
0xbb: {  	[sflag:s8] =	ssyncset.done $0x0  }
0xbc: {  	[sflag:s8] =	ssyncadd.s32 $0xFFFF8000  }
.LBB2_1:
.Ltmp2:
0xbd: {  	s1 =	simm.s32 $0x0;
	(pc) =	sbr.rel .LBB2_2-.Ltmp2, $4  }
0xbe: {  	[tilespmem:s1], [sflag:$0x2] =	stream.linear.gather [hbm4b:s4+s1], $0x200, $0x38;
	[tilespmem:$0x18200] =	vst v63  }
0xbf: {  	_ =	swait.ge [sflag:s8], $0x200  }
0xc0: {  	[sflag:s8] =	ssyncset.done $0x0  }
0xc1: {  	s23 =	simm.s32 $0xFFFFFFFC;
	s24 =	simm.s32 $0x0;
	[sflag:s8] =	ssyncadd.s32 $0xFFFFFE00  }
.LBB2_4:
0xc2: {  	(v2sf) =	vpush v24, $0x4;
	_ =	sdelay $0x3  }
0xc3: {  	(v2sf) =	vpush v24, $0x5  }
0xc4: {  	(v2sf) =	vpush v24, $0x6;
	_ =	sdelay $0x4  }
0xc5: {  	(v2sf) =	vpush v24, $0x7;
	_ =	sdelay $0x4  }
0xc6: {  	s1 =	spop (v2sf)  }
0xc7: {  	s2 =	sand.u32 $0xFFFFF80, s1  }
0xc8: {  	s2 =	sadd.s32 s0, s2  }
0xc9: {  	[tilespmem:s14], [sflag:$0x1] =	stream.strided.gather [hbm4b:s2+s7], $0x2000, s9, s7, $0x38;
	[tilespmem:$0x18200] =	vst v63  }
0xca: {  	s2 =	spop (v2sf)  }
0xcb: {  	s28 =	sand.u32 $0xFFFFF80, s2;
	s30 =	spop (v2sf)  }
0xcc: {  	s28 =	sadd.s32 s0, s28;
	s3 =	sand.u32 $0xFFFFF80, s30  }
0xcd: {  	[tilespmem:s15], [sflag:$0x1] =	stream.strided.gather [hbm4b:s28+s7], $0x2000, s9, s7, $0x38;
	[tilespmem:$0x18200] =	vst v63  }
0xce: {  	s28 =	sadd.s32 s0, s3  }
0xcf: {  	[tilespmem:s16], [sflag:$0x1] =	stream.strided.gather [hbm4b:s28+s7], $0x2000, s9, s7, $0x38;
	[tilespmem:$0x18200] =	vst v63  }
0xd0: {  	s28 =	spop (v2sf)  }
0xd1: {  	s3 =	sand.u32 $0xFFFFF80, s28  }
0xd2: {  	s3 =	sadd.s32 s0, s3  }
0xd3: {  	[tilespmem:s17], [sflag:$0x1] =	stream.strided.gather [hbm4b:s3+s7], $0x2000, s9, s7, $0x38;
	[tilespmem:$0x18200] =	vst v63  }
0xd4: {  	_ =	swait.ge [sflag:s18], $0x2000  }
0xd5: {  	[sflag:s18] =	ssyncset.done $0x0  }
0xd6: {  	[sflag:s18] =	ssyncadd.s32 $0xFFFFE000  }
0xd7: {  	_ =	swait.ge [sflag:s18], $0x2000  }
0xd8: {  	[sflag:s18] =	ssyncset.done $0x0  }
0xd9: {  	[sflag:s18] =	ssyncadd.s32 $0xFFFFE000  }
0xda: {  	_ =	swait.ge [sflag:s18], $0x2000  }
0xdb: {  	v25 =	vor.u32 s31, v0;
	s3 =	sadd.s32 $0x4, s23;
	[sflag:s18] =	ssyncset.done $0x0  }
0xdc: {  	v26 =	vmov s3;
	[sflag:s18] =	ssyncadd.s32 $0xFFFFE000  }
0xdd: {  	v27 =	vshll.u32 v26, $0x3;
	_ =	swait.ge [sflag:s18], $0x2000  }
0xde: {  	v26 =	vand.u32 $0x70, v26;
	v27 =	vand.u32 $0xC00, v27;
	[sflag:s18] =	ssyncset.done $0x0  }
0xdf: {  	v26 =	vor.u32 v26, v27;
	[sflag:s18] =	ssyncadd.s32 $0xFFFFE000  }
0xe0: {  	v27 =	vor.u32 v1, v26;
	v25 =	vld.idx.msk [tilespmem:v25+s10+$0x0], $0xffff  }
0xe1: {  	v28 =	vor.u32 s31, v2;
	_ =	sdelay $0x3  }
0xe2: {  	[tilespmem:v27+s19+$0x0] =	vst.idx.msk $0xffff, v25  }
0xe3: {  	v52 =	vor.u32 v3, v26;
	v25 =	vld.idx.msk [tilespmem:v28+s10+$0x0], $0xffff  }
0xe4: {  	v53 =	vor.u32 s31, v4;
	_ =	sdelay $0x3  }
0xe5: {  	[tilespmem:v52+s19+$0x0] =	vst.idx.msk $0xffff, v25  }
0xe6: {  	v54 =	vor.u32 v5, v26;
	v25 =	vld.idx.msk [tilespmem:v53+s10+$0x0], $0xffff  }
0xe7: {  	v55 =	vor.u32 s31, v6;
	_ =	sdelay $0x3  }
0xe8: {  	[tilespmem:v54+s19+$0x0] =	vst.idx.msk $0xffff, v25  }
0xe9: {  	v26 =	vor.u32 v7, v26;
	v25 =	vld.idx.msk [tilespmem:v55+s10+$0x0], $0xffff  }
0xea: {  	s31 =	sadd.s32 $0x5, s23;
	v56 =	vor.u32 s29, v0  }
0xeb: {  	v57 =	vmov s31  }
0xec: {  	v29 =	vshll.u32 v57, $0x3  }
0xed: {  	v29 =	vand.u32 $0xC00, v29;
	v28 =	vand.u32 $0x71, v57  }
0xee: {  	v58 =	vor.u32 v28, v29;
	[tilespmem:v26+s19+$0x0] =	vst.idx.msk $0xffff, v25  }
0xef: {  	v59 =	vor.u32 v1, v58;
	v26 =	vld.idx.msk [tilespmem:v56+s11+$0x0], $0xffff  }
0xf0: {  	v60 =	vor.u32 s29, v2;
	_ =	sdelay $0x3  }
0xf1: {  	[tilespmem:v59+s19+$0x0] =	vst.idx.msk $0xffff, v26  }
0xf2: {  	v61 =	vor.u32 v3, v58;
	v26 =	vld.idx.msk [tilespmem:v60+s11+$0x0], $0xffff  }
0xf3: {  	v62 =	vor.u32 s29, v4;
	_ =	sdelay $0x3  }
0xf4: {  	[tilespmem:v61+s19+$0x0] =	vst.idx.msk $0xffff, v26  }
0xf5: {  	v63 =	vor.u32 v5, v58;
	v26 =	vld.idx.msk [tilespmem:v62+s11+$0x0], $0xffff  }
0xf6: {  	v32 =	vor.u32 s29, v6;
	_ =	sdelay $0x3  }
0xf7: {  	[tilespmem:v63+s19+$0x0] =	vst.idx.msk $0xffff, v26  }
0xf8: {  	v25 =	vor.u32 v7, v58;
	v26 =	vld.idx.msk [tilespmem:v32+s11+$0x0], $0xffff  }
0xf9: {  	s29 =	sadd.s32 $0x6, s23;
	v33 =	vor.u32 s26, v0  }
0xfa: {  	v34 =	vmov s29  }
0xfb: {  	v35 =	vshll.u32 v34, $0x3  }
0xfc: {  	v28 =	vand.u32 $0x72, v34;
	v29 =	vand.u32 $0xC00, v35  }
0xfd: {  	v36 =	vor.u32 v28, v29;
	[tilespmem:v25+s19+$0x0] =	vst.idx.msk $0xffff, v26  }
0xfe: {  	v37 =	vor.u32 v1, v36;
	v26 =	vld.idx.msk [tilespmem:v33+s12+$0x0], $0xffff  }
0xff: {  	v38 =	vor.u32 s26, v2;
	_ =	sdelay $0x3  }
0x100: {  	[tilespmem:v37+s19+$0x0] =	vst.idx.msk $0xffff, v26  }
0x101: {  	v39 =	vor.u32 v3, v36;
	v26 =	vld.idx.msk [tilespmem:v38+s12+$0x0], $0xffff  }
0x102: {  	v40 =	vor.u32 s26, v4;
	_ =	sdelay $0x3  }
0x103: {  	[tilespmem:v39+s19+$0x0] =	vst.idx.msk $0xffff, v26  }
0x104: {  	v41 =	vor.u32 v5, v36;
	v26 =	vld.idx.msk [tilespmem:v40+s12+$0x0], $0xffff  }
0x105: {  	v42 =	vor.u32 s26, v6;
	_ =	sdelay $0x3  }
0x106: {  	[tilespmem:v41+s19+$0x0] =	vst.idx.msk $0xffff, v26  }
0x107: {  	v25 =	vor.u32 v7, v36;
	v26 =	vld.idx.msk [tilespmem:v42+s12+$0x0], $0xffff  }
0x108: {  	v43 =	vor.u32 s25, v0;
	s31 =	sadd.s32 $0x7, s23  }
0x109: {  	v44 =	vmov s31  }
0x10a: {  	v45 =	vshll.u32 v44, $0x3  }
0x10b: {  	v28 =	vand.u32 $0x73, v44;
	v29 =	vand.u32 $0xC00, v45  }
0x10c: {  	v46 =	vor.u32 v28, v29;
	[tilespmem:v25+s19+$0x0] =	vst.idx.msk $0xffff, v26  }
0x10d: {  	v47 =	vor.u32 v1, v46;
	v26 =	vld.idx.msk [tilespmem:v43+s13+$0x0], $0xffff  }
0x10e: {  	v48 =	vor.u32 s25, v2;
	_ =	sdelay $0x3  }
0x10f: {  	[tilespmem:v47+s19+$0x0] =	vst.idx.msk $0xffff, v26  }
0x110: {  	(v2sf) =	vpush v24, $0x8;
	v49 =	vor.u32 v3, v46;
	v26 =	vld.idx.msk [tilespmem:v48+s13+$0x0], $0xffff  }
0x111: {  	v50 =	vor.u32 s25, v4;
	(v2sf) =	vpush v24, $0x9;
	_ =	sdelay $0x2  }
0x112: {  	(v2sf) =	vpush v24, $0xA  }
0x113: {  	[tilespmem:v49+s19+$0x0] =	vst.idx.msk $0xffff, v26  }
0x114: {  	v51 =	vor.u32 v5, v46;
	v26 =	vld.idx.msk [tilespmem:v50+s13+$0x0], $0xffff  }
0x115: {  	(v2sf) =	vpush v24, $0xB;
	v52 =	vor.u32 s25, v6;
	_ =	sdelay $0x3  }
0x116: {  	[tilespmem:v51+s19+$0x0] =	vst.idx.msk $0xffff, v26  }
0x117: {  	v25 =	vor.u32 v7, v46;
	v26 =	vld.idx.msk [tilespmem:v52+s13+$0x0], $0xffff;
	_ =	sdelay $0x2  }
0x118: {  	s31 =	spop (v2sf)  }
0x119: {  	s25 =	sand.u32 $0xFFFFF80, s31;
	s29 =	spop (v2sf)  }
0x11a: {  	s3 =	sadd.s32 s0, s25;
	s26 =	sand.u32 $0xFFFFF80, s29;
	[tilespmem:v25+s19+$0x0] =	vst.idx.msk $0xffff, v26  }
0x11b: {  	[tilespmem:s10], [sflag:$0x1] =	stream.strided.gather [hbm4b:s3+s7], $0x2000, s9, s7, $0x38;
	[tilespmem:$0x18200] =	vst v63  }
0x11c: {  	s3 =	sadd.s32 s0, s26;
	s26 =	spop (v2sf)  }
0x11d: {  	s25 =	sand.u32 $0xFFFFF80, s26  }
0x11e: {  	[tilespmem:s11], [sflag:$0x1] =	stream.strided.gather [hbm4b:s3+s7], $0x2000, s9, s7, $0x38;
	[tilespmem:$0x18200] =	vst v63  }
0x11f: {  	s3 =	sadd.s32 s0, s25;
	s25 =	spop (v2sf)  }
0x120: {  	[tilespmem:s12], [sflag:$0x1] =	stream.strided.gather [hbm4b:s3+s7], $0x2000, s9, s7, $0x38;
	[tilespmem:$0x18200] =	vst v63  }
0x121: {  	s3 =	sand.u32 $0xFFFFF80, s25  }
0x122: {  	s3 =	sadd.s32 s0, s3  }
0x123: {  	[tilespmem:s13], [sflag:$0x1] =	stream.strided.gather [hbm4b:s3+s7], $0x2000, s9, s7, $0x38;
	[tilespmem:$0x18200] =	vst v63  }
0x124: {  	_ =	swait.ge [sflag:s18], $0x2000  }
0x125: {  	[sflag:s18] =	ssyncset.done $0x0  }
0x126: {  	[sflag:s18] =	ssyncadd.s32 $0xFFFFE000  }
0x127: {  	_ =	swait.ge [sflag:s18], $0x2000  }
0x128: {  	[sflag:s18] =	ssyncset.done $0x0  }
0x129: {  	[sflag:s18] =	ssyncadd.s32 $0xFFFFE000  }
0x12a: {  	s1 =	sand.u32 $0x7F, s1;
	_ =	swait.ge [sflag:s18], $0x2000  }
0x12b: {  	v53 =	vor.u32 s1, v0;
	s3 =	sadd.s32 $0x8, s23;
	[sflag:s18] =	ssyncset.done $0x0  }
0x12c: {  	v54 =	vmov s3;
	[sflag:s18] =	ssyncadd.s32 $0xFFFFE000  }
0x12d: {  	v55 =	vshll.u32 v54, $0x3;
	_ =	swait.ge [sflag:s18], $0x2000  }
0x12e: {  	v26 =	vand.u32 $0x74, v54;
	v27 =	vand.u32 $0xC00, v55;
	[sflag:s18] =	ssyncset.done $0x0  }
0x12f: {  	v26 =	vor.u32 v26, v27;
	[sflag:s18] =	ssyncadd.s32 $0xFFFFE000  }
0x130: {  	v27 =	vor.u32 v1, v26;
	v25 =	vld.idx.msk [tilespmem:v53+s14+$0x0], $0xffff  }
0x131: {  	v56 =	vor.u32 s1, v2;
	_ =	sdelay $0x3  }
0x132: {  	[tilespmem:v27+s19+$0x0] =	vst.idx.msk $0xffff, v25  }
0x133: {  	v57 =	vor.u32 v3, v26;
	v25 =	vld.idx.msk [tilespmem:v56+s14+$0x0], $0xffff  }
0x134: {  	v58 =	vor.u32 s1, v4;
	_ =	sdelay $0x3  }
0x135: {  	[tilespmem:v57+s19+$0x0] =	vst.idx.msk $0xffff, v25  }
0x136: {  	v59 =	vor.u32 v5, v26;
	v25 =	vld.idx.msk [tilespmem:v58+s14+$0x0], $0xffff  }
0x137: {  	v60 =	vor.u32 s1, v6;
	_ =	sdelay $0x3  }
0x138: {  	[tilespmem:v59+s19+$0x0] =	vst.idx.msk $0xffff, v25  }
0x139: {  	s1 =	sand.u32 $0x7F, s2;
	v26 =	vor.u32 v7, v26;
	v25 =	vld.idx.msk [tilespmem:v60+s14+$0x0], $0xffff  }
0x13a: {  	v61 =	vor.u32 s1, v0;
	s3 =	sadd.s32 $0x9, s23  }
0x13b: {  	v62 =	vmov s3  }
0x13c: {  	v63 =	vshll.u32 v62, $0x3  }
0x13d: {  	v28 =	vand.u32 $0x75, v62;
	v29 =	vand.u32 $0xC00, v63  }
0x13e: {  	v32 =	vor.u32 v28, v29;
	[tilespmem:v26+s19+$0x0] =	vst.idx.msk $0xffff, v25  }
0x13f: {  	v33 =	vor.u32 v1, v32;
	v26 =	vld.idx.msk [tilespmem:v61+s15+$0x0], $0xffff  }
0x140: {  	v34 =	vor.u32 s1, v2;
	_ =	sdelay $0x3  }
0x141: {  	[tilespmem:v33+s19+$0x0] =	vst.idx.msk $0xffff, v26  }
0x142: {  	v35 =	vor.u32 v3, v32;
	v26 =	vld.idx.msk [tilespmem:v34+s15+$0x0], $0xffff  }
0x143: {  	v36 =	vor.u32 s1, v4;
	_ =	sdelay $0x3  }
0x144: {  	[tilespmem:v35+s19+$0x0] =	vst.idx.msk $0xffff, v26  }
0x145: {  	v37 =	vor.u32 v5, v32;
	v26 =	vld.idx.msk [tilespmem:v36+s15+$0x0], $0xffff  }
0x146: {  	v38 =	vor.u32 s1, v6;
	_ =	sdelay $0x3  }
0x147: {  	[tilespmem:v37+s19+$0x0] =	vst.idx.msk $0xffff, v26  }
0x148: {  	s30 =	sand.u32 $0x7F, s30;
	v25 =	vor.u32 v7, v32;
	v26 =	vld.idx.msk [tilespmem:v38+s15+$0x0], $0xffff  }
0x149: {  	v39 =	vor.u32 s30, v0;
	s3 =	sadd.s32 $0xA, s23  }
0x14a: {  	v40 =	vmov s3  }
0x14b: {  	v41 =	vshll.u32 v40, $0x3  }
0x14c: {  	v28 =	vand.u32 $0x76, v40;
	v29 =	vand.u32 $0xC00, v41  }
0x14d: {  	v42 =	vor.u32 v28, v29;
	[tilespmem:v25+s19+$0x0] =	vst.idx.msk $0xffff, v26  }
0x14e: {  	v43 =	vor.u32 v1, v42;
	v26 =	vld.idx.msk [tilespmem:v39+s16+$0x0], $0xffff  }
0x14f: {  	v44 =	vor.u32 s30, v2;
	_ =	sdelay $0x3  }
0x150: {  	[tilespmem:v43+s19+$0x0] =	vst.idx.msk $0xffff, v26  }
0x151: {  	v45 =	vor.u32 v3, v42;
	v26 =	vld.idx.msk [tilespmem:v44+s16+$0x0], $0xffff  }
0x152: {  	v46 =	vor.u32 s30, v4;
	_ =	sdelay $0x3  }
0x153: {  	[tilespmem:v45+s19+$0x0] =	vst.idx.msk $0xffff, v26  }
0x154: {  	v47 =	vor.u32 v5, v42;
	v26 =	vld.idx.msk [tilespmem:v46+s16+$0x0], $0xffff  }
0x155: {  	v48 =	vor.u32 s30, v6;
	_ =	sdelay $0x3  }
0x156: {  	[tilespmem:v47+s19+$0x0] =	vst.idx.msk $0xffff, v26  }
0x157: {  	s28 =	sand.u32 $0x7F, s28;
	v25 =	vor.u32 v7, v42;
	v26 =	vld.idx.msk [tilespmem:v48+s16+$0x0], $0xffff  }
0x158: {  	s30 =	sadd.s32 $0xB, s23;
	v49 =	vor.u32 s28, v0  }
0x159: {  	v50 =	vmov s30  }
0x15a: {  	v51 =	vshll.u32 v50, $0x3  }
0x15b: {  	v28 =	vand.u32 $0x77, v50;
	v29 =	vand.u32 $0xC00, v51  }
0x15c: {  	v52 =	vor.u32 v28, v29;
	[tilespmem:v25+s19+$0x0] =	vst.idx.msk $0xffff, v26  }
0x15d: {  	v53 =	vor.u32 v1, v52;
	v26 =	vld.idx.msk [tilespmem:v49+s17+$0x0], $0xffff  }
0x15e: {  	v54 =	vor.u32 s28, v2;
	_ =	sdelay $0x3  }
0x15f: {  	[tilespmem:v53+s19+$0x0] =	vst.idx.msk $0xffff, v26  }
0x160: {  	v55 =	vor.u32 v3, v52;
	(v2sf) =	vpush v24, $0xC;
	v26 =	vld.idx.msk [tilespmem:v54+s17+$0x0], $0xffff  }
0x161: {  	(v2sf) =	vpush v24, $0xD;
	v56 =	vor.u32 s28, v4  }
0x162: {  	(v2sf) =	vpush v24, $0xE;
	_ =	sdelay $0x2  }
0x163: {  	[tilespmem:v55+s19+$0x0] =	vst.idx.msk $0xffff, v26  }
0x164: {  	(v2sf) =	vpush v24, $0xF;
	v57 =	vor.u32 v5, v52;
	v26 =	vld.idx.msk [tilespmem:v56+s17+$0x0], $0xffff  }
0x165: {  	v58 =	vor.u32 s28, v6;
	_ =	sdelay $0x3  }
0x166: {  	[tilespmem:v57+s19+$0x0] =	vst.idx.msk $0xffff, v26  }
0x167: {  	v25 =	vor.u32 v7, v52;
	v59 =	vld.idx.msk [tilespmem:v58+s17+$0x0], $0xffff;
	_ =	sdelay $0x2  }
0x168: {  	s2 =	spop (v2sf)  }
0x169: {  	s1 =	sand.u32 $0xFFFFF80, s2;
	s3 =	spop (v2sf)  }
0x16a: {  	s1 =	sadd.s32 s0, s1;
	s28 =	sand.u32 $0xFFFFF80, s3;
	s30 =	spop (v2sf);
	[tilespmem:v25+s19+$0x0] =	vst.idx.msk $0xffff, v59  }
0x16b: {  	[tilespmem:s14], [sflag:$0x1] =	stream.strided.gather [hbm4b:s1+s7], $0x2000, s9, s7, $0x38;
	[tilespmem:$0x18200] =	vst v63  }
0x16c: {  	s2 =	sand.u32 $0xFFFFF80, s30;
	s1 =	sadd.s32 s0, s28  }
0x16d: {  	[tilespmem:s15], [sflag:$0x1] =	stream.strided.gather [hbm4b:s1+s7], $0x2000, s9, s7, $0x38;
	[tilespmem:$0x18200] =	vst v63  }
0x16e: {  	s3 =	spop (v2sf);
	s1 =	sadd.s32 s0, s2  }
0x16f: {  	[tilespmem:s16], [sflag:$0x1] =	stream.strided.gather [hbm4b:s1+s7], $0x2000, s9, s7, $0x38;
	[tilespmem:$0x18200] =	vst v63  }
0x170: {  	s1 =	sand.u32 $0xFFFFF80, s3  }
0x171: {  	s1 =	sadd.s32 s0, s1  }
0x172: {  	[tilespmem:s17], [sflag:$0x1] =	stream.strided.gather [hbm4b:s1+s7], $0x2000, s9, s7, $0x38;
	[tilespmem:$0x18200] =	vst v63  }
0x173: {  	_ =	swait.ge [sflag:s18], $0x2000  }
0x174: {  	[sflag:s18] =	ssyncset.done $0x0  }
0x175: {  	[sflag:s18] =	ssyncadd.s32 $0xFFFFE000  }
0x176: {  	_ =	swait.ge [sflag:s18], $0x2000  }
0x177: {  	[sflag:s18] =	ssyncset.done $0x0  }
0x178: {  	[sflag:s18] =	ssyncadd.s32 $0xFFFFE000  }
0x179: {  	s28 =	sand.u32 $0x7F, s31;
	_ =	swait.ge [sflag:s18], $0x2000  }
0x17a: {  	s30 =	sadd.s32 $0xC, s23;
	v60 =	vor.u32 s28, v0;
	[sflag:s18] =	ssyncset.done $0x0  }
0x17b: {  	v61 =	vmov s30;
	[sflag:s18] =	ssyncadd.s32 $0xFFFFE000  }
0x17c: {  	v62 =	vshll.u32 v61, $0x3;
	_ =	swait.ge [sflag:s18], $0x2000  }
0x17d: {  	v26 =	vand.u32 $0xC00, v62;
	v25 =	vand.u32 $0x78, v61;
	[sflag:s18] =	ssyncset.done $0x0  }
0x17e: {  	v25 =	vor.u32 v25, v26;
	[sflag:s18] =	ssyncadd.s32 $0xFFFFE000  }
0x17f: {  	v26 =	vor.u32 v1, v25;
	v24 =	vld.idx.msk [tilespmem:v60+s10+$0x0], $0xffff  }
0x180: {  	v63 =	vor.u32 s28, v2;
	_ =	sdelay $0x3  }
0x181: {  	[tilespmem:v26+s19+$0x0] =	vst.idx.msk $0xffff, v24  }
0x182: {  	v30 =	vor.u32 v3, v25;
	v24 =	vld.idx.msk [tilespmem:v63+s10+$0x0], $0xffff  }
0x183: {  	v31 =	vor.u32 s28, v4;
	_ =	sdelay $0x3  }
0x184: {  	[tilespmem:v30+s19+$0x0] =	vst.idx.msk $0xffff, v24  }
0x185: {  	v32 =	vor.u32 v5, v25;
	v24 =	vld.idx.msk [tilespmem:v31+s10+$0x0], $0xffff  }
0x186: {  	v33 =	vor.u32 s28, v6;
	_ =	sdelay $0x3  }
0x187: {  	[tilespmem:v32+s19+$0x0] =	vst.idx.msk $0xffff, v24  }
0x188: {  	s31 =	sand.u32 $0x7F, s29;
	v25 =	vor.u32 v7, v25;
	v24 =	vld.idx.msk [tilespmem:v33+s10+$0x0], $0xffff  }
0x189: {  	v34 =	vor.u32 s31, v0;
	s3 =	sadd.s32 $0xD, s23  }
0x18a: {  	v35 =	vmov s3  }
0x18b: {  	v36 =	vshll.u32 v35, $0x3  }
0x18c: {  	v27 =	vand.u32 $0x79, v35;
	v28 =	vand.u32 $0xC00, v36  }
0x18d: {  	v37 =	vor.u32 v27, v28;
	[tilespmem:v25+s19+$0x0] =	vst.idx.msk $0xffff, v24  }
0x18e: {  	v38 =	vor.u32 v1, v37;
	v25 =	vld.idx.msk [tilespmem:v34+s11+$0x0], $0xffff  }
0x18f: {  	v39 =	vor.u32 s31, v2;
	_ =	sdelay $0x3  }
0x190: {  	[tilespmem:v38+s19+$0x0] =	vst.idx.msk $0xffff, v25  }
0x191: {  	v40 =	vor.u32 v3, v37;
	v25 =	vld.idx.msk [tilespmem:v39+s11+$0x0], $0xffff  }
0x192: {  	v41 =	vor.u32 s31, v4;
	_ =	sdelay $0x3  }
0x193: {  	[tilespmem:v40+s19+$0x0] =	vst.idx.msk $0xffff, v25  }
0x194: {  	v42 =	vor.u32 v5, v37;
	v25 =	vld.idx.msk [tilespmem:v41+s11+$0x0], $0xffff  }
0x195: {  	v43 =	vor.u32 s31, v6;
	_ =	sdelay $0x3  }
0x196: {  	[tilespmem:v42+s19+$0x0] =	vst.idx.msk $0xffff, v25  }
0x197: {  	s28 =	sand.u32 $0x7F, s26;
	v24 =	vor.u32 v7, v37;
	v25 =	vld.idx.msk [tilespmem:v43+s11+$0x0], $0xffff  }
0x198: {  	s29 =	sadd.s32 $0xE, s23;
	v44 =	vor.u32 s28, v0  }
0x199: {  	v45 =	vmov s29  }
0x19a: {  	v46 =	vshll.u32 v45, $0x3  }
0x19b: {  	v27 =	vand.u32 $0x7A, v45;
	v28 =	vand.u32 $0xC00, v46  }
0x19c: {  	v47 =	vor.u32 v27, v28;
	[tilespmem:v24+s19+$0x0] =	vst.idx.msk $0xffff, v25  }
0x19d: {  	v48 =	vor.u32 v1, v47;
	v25 =	vld.idx.msk [tilespmem:v44+s12+$0x0], $0xffff  }
0x19e: {  	v49 =	vor.u32 s28, v2;
	_ =	sdelay $0x3  }
0x19f: {  	[tilespmem:v48+s19+$0x0] =	vst.idx.msk $0xffff, v25  }
0x1a0: {  	v50 =	vor.u32 v3, v47;
	v25 =	vld.idx.msk [tilespmem:v49+s12+$0x0], $0xffff  }
0x1a1: {  	v51 =	vor.u32 s28, v4;
	_ =	sdelay $0x3  }
0x1a2: {  	[tilespmem:v50+s19+$0x0] =	vst.idx.msk $0xffff, v25  }
0x1a3: {  	v52 =	vor.u32 v5, v47;
	v25 =	vld.idx.msk [tilespmem:v51+s12+$0x0], $0xffff  }
0x1a4: {  	v53 =	vor.u32 s28, v6;
	_ =	sdelay $0x3  }
0x1a5: {  	[tilespmem:v52+s19+$0x0] =	vst.idx.msk $0xffff, v25  }
0x1a6: {  	s30 =	sand.u32 $0x7F, s25;
	v24 =	vor.u32 v7, v47;
	v25 =	vld.idx.msk [tilespmem:v53+s12+$0x0], $0xffff  }
0x1a7: {  	v54 =	vor.u32 s30, v0;
	s31 =	sadd.s32 $0xF, s23  }
0x1a8: {  	v55 =	vmov s31  }
0x1a9: {  	v56 =	vshll.u32 v55, $0x3  }
0x1aa: {  	v27 =	vand.u32 $0x7B, v55;
	v28 =	vand.u32 $0xC00, v56  }
0x1ab: {  	v57 =	vor.u32 v27, v28;
	[tilespmem:v24+s19+$0x0] =	vst.idx.msk $0xffff, v25  }
0x1ac: {  	v58 =	vor.u32 v1, v57;
	v25 =	vld.idx.msk [tilespmem:v54+s13+$0x0], $0xffff  }
0x1ad: {  	v59 =	vor.u32 s30, v2;
	_ =	sdelay $0x3  }
0x1ae: {  	[tilespmem:v58+s19+$0x0] =	vst.idx.msk $0xffff, v25  }
0x1af: {  	v60 =	vor.u32 v3, v57;
	v25 =	vld.idx.msk [tilespmem:v59+s13+$0x0], $0xffff  }
0x1b0: {  	v61 =	vor.u32 s30, v4;
	_ =	sdelay $0x3  }
0x1b1: {  	[tilespmem:v60+s19+$0x0] =	vst.idx.msk $0xffff, v25  }
0x1b2: {  	v62 =	vor.u32 v5, v57;
	v25 =	vld.idx.msk [tilespmem:v61+s13+$0x0], $0xffff  }
0x1b3: {  	v63 =	vor.u32 s30, v6;
	_ =	sdelay $0x3  }
0x1b4: {  	s23 =	sadd.s32 $0x10, s23;
	[tilespmem:v62+s19+$0x0] =	vst.idx.msk $0xffff, v25  }
0x1b5: {  	p0 =	sne.s32 s23, $0x1FC;
	v24 =	vor.u32 v7, v57;
	v25 =	vld.idx.msk [tilespmem:v63+s13+$0x0], $0xffff  }
.Ltmp3:
0x1b6: {  	_ = 	snop;
	(pc) =	sbr.rel @!p0 .LBB2_5-.Ltmp3, $2  }
0x1b7: {  	_ =	sdelay $0x2  }
0x1b8: {  	s24 =	sadd.s32 $0x10, s24;
	[tilespmem:v24+s19+$0x0] =	vst.idx.msk $0xffff, v25  }
.LBB2_2:
0x1b9: {  	v24 =	vld [tilespmem:s24+$0x0];
	_ =	sdelay $0x4  }
0x1ba: {  	(v2sf) =	vpush v24, $0x0  }
0x1bb: {  	(v2sf) =	vpush v24, $0x1;
	_ =	sdelay $0x2  }
0x1bc: {  	(v2sf) =	vpush v24, $0x2;
	_ =	sdelay $0x1  }
0x1bd: {  	(v2sf) =	vpush v24, $0x3;
	_ =	sdelay $0x8  }
0x1be: {  	s1 =	spop (v2sf)  }
0x1bf: {  	s2 =	sand.u32 $0xFFFFF80, s1;
	s25 =	spop (v2sf)  }
0x1c0: {  	p0 =	seq.s32 s23, $0xFFFFFFFC;
	s2 =	sadd.s32 s0, s2;
	s3 =	sand.u32 $0xFFFFF80, s25  }
0x1c1: {  	[tilespmem:s10], [sflag:$0x1] =	stream.strided.gather [hbm4b:s2+s7], $0x2000, s9, s7, $0x38;
	[tilespmem:$0x18200] =	vst v63  }
0x1c2: {  	s31 =	sand.u32 $0x7F, s1;
	s26 =	spop (v2sf);
	s2 =	sadd.s32 s0, s3  }
0x1c3: {  	[tilespmem:s11], [sflag:$0x1] =	stream.strided.gather [hbm4b:s2+s7], $0x2000, s9, s7, $0x38;
	[tilespmem:$0x18200] =	vst v63  }
.Ltmp4:
0x1c4: {  	s28 =	sand.u32 $0xFFFFF80, s26;
	s30 =	spop (v2sf);
	(pc) =	sbr.rel @p0 .LBB2_4-.Ltmp4, $4  }
0x1c5: {  	s29 =	sand.u32 $0x7F, s25;
	s2 =	sadd.s32 s0, s28;
	s28 =	sand.u32 $0xFFFFF80, s30  }
0x1c6: {  	[tilespmem:s12], [sflag:$0x1] =	stream.strided.gather [hbm4b:s2+s7], $0x2000, s9, s7, $0x38;
	[tilespmem:$0x18200] =	vst v63  }
0x1c7: {  	s26 =	sand.u32 $0x7F, s26;
	s25 =	sand.u32 $0x7F, s30;
	s28 =	sadd.s32 s0, s28  }
0x1c8: {  	[tilespmem:s13], [sflag:$0x1] =	stream.strided.gather [hbm4b:s28+s7], $0x2000, s9, s7, $0x38;
	[tilespmem:$0x18200] =	vst v63  }
0x1c9: {  	v25 =	vld [tilespmem:s24+$0xFFFFFFF0];
	_ =	sdelay $0x4  }
0x1ca: {  	(v2sf) =	vpush v25, $0xC  }
0x1cb: {  	(v2sf) =	vpush v25, $0xD  }
0x1cc: {  	(v2sf) =	vpush v25, $0xE  }
0x1cd: {  	(v2sf) =	vpush v25, $0xF;
	_ =	sdelay $0xb  }
0x1ce: {  	s2 =	spop (v2sf)  }
0x1cf: {  	s28 =	spop (v2sf)  }
0x1d0: {  	s30 =	spop (v2sf)  }
0x1d1: {  	s1 =	spop (v2sf)  }
0x1d2: {  	_ =	swait.ge [sflag:s18], $0x2000  }
0x1d3: {  	[sflag:s18] =	ssyncset.done $0x0  }
0x1d4: {  	[sflag:s18] =	ssyncadd.s32 $0xFFFFE000  }
0x1d5: {  	_ =	swait.ge [sflag:s18], $0x2000  }
0x1d6: {  	[sflag:s18] =	ssyncset.done $0x0  }
0x1d7: {  	[sflag:s18] =	ssyncadd.s32 $0xFFFFE000  }
0x1d8: {  	s2 =	sand.u32 $0x7F, s2;
	_ =	swait.ge [sflag:s18], $0x2000  }
0x1d9: {  	v25 =	vor.u32 s2, v0;
	[sflag:s18] =	ssyncset.done $0x0  }
0x1da: {  	v26 =	vmov s23;
	[sflag:s18] =	ssyncadd.s32 $0xFFFFE000  }
0x1db: {  	v27 =	vshll.u32 v26, $0x3;
	_ =	swait.ge [sflag:s18], $0x2000  }
0x1dc: {  	v26 =	vand.u32 $0x7C, v26;
	v27 =	vand.u32 $0xFFFFFC00, v27;
	[sflag:s18] =	ssyncset.done $0x0  }
0x1dd: {  	v26 =	vor.u32 v26, v27;
	[sflag:s18] =	ssyncadd.s32 $0xFFFFE000  }
0x1de: {  	v27 =	vadd.s32 v1, v26;
	v25 =	vld.idx.msk [tilespmem:v25+s14+$0x0], $0xffff  }
0x1df: {  	v28 =	vor.u32 s2, v2;
	_ =	sdelay $0x3  }
0x1e0: {  	[tilespmem:v27+s19+$0x0] =	vst.idx.msk $0xffff, v25  }
0x1e1: {  	v27 =	vadd.s32 v3, v26;
	v25 =	vld.idx.msk [tilespmem:v28+s14+$0x0], $0xffff  }
0x1e2: {  	v48 =	vor.u32 s2, v4;
	_ =	sdelay $0x3  }
0x1e3: {  	[tilespmem:v27+s19+$0x0] =	vst.idx.msk $0xffff, v25  }
0x1e4: {  	v27 =	vadd.s32 v5, v26;
	v25 =	vld.idx.msk [tilespmem:v48+s14+$0x0], $0xffff  }
0x1e5: {  	v49 =	vor.u32 s2, v6;
	_ =	sdelay $0x3  }
0x1e6: {  	[tilespmem:v27+s19+$0x0] =	vst.idx.msk $0xffff, v25  }
0x1e7: {  	s2 =	sand.u32 $0x7F, s28;
	v26 =	vadd.s32 v7, v26;
	v25 =	vld.idx.msk [tilespmem:v49+s14+$0x0], $0xffff  }
0x1e8: {  	s3 =	sadd.s32 $0x1, s23;
	v27 =	vor.u32 s2, v0  }
0x1e9: {  	v50 =	vmov s3  }
0x1ea: {  	v29 =	vshll.u32 v50, $0x3  }
0x1eb: {  	v29 =	vand.u32 $0xFFFFFC00, v29;
	v28 =	vand.u32 $0x7D, v50  }
0x1ec: {  	[tilespmem:v26+s19+$0x0] =	vst.idx.msk $0xffff, v25;
	v25 =	vor.u32 v28, v29  }
0x1ed: {  	v26 =	vld.idx.msk [tilespmem:v27+s15+$0x0], $0xffff;
	v27 =	vadd.s32 v1, v25  }
0x1ee: {  	v51 =	vor.u32 s2, v2;
	_ =	sdelay $0x3  }
0x1ef: {  	[tilespmem:v27+s19+$0x0] =	vst.idx.msk $0xffff, v26  }
0x1f0: {  	v27 =	vadd.s32 v3, v25;
	v26 =	vld.idx.msk [tilespmem:v51+s15+$0x0], $0xffff  }
0x1f1: {  	v52 =	vor.u32 s2, v4;
	_ =	sdelay $0x3  }
0x1f2: {  	[tilespmem:v27+s19+$0x0] =	vst.idx.msk $0xffff, v26  }
0x1f3: {  	v27 =	vadd.s32 v5, v25;
	v26 =	vld.idx.msk [tilespmem:v52+s15+$0x0], $0xffff  }
0x1f4: {  	v53 =	vor.u32 s2, v6;
	_ =	sdelay $0x3  }
0x1f5: {  	[tilespmem:v27+s19+$0x0] =	vst.idx.msk $0xffff, v26  }
0x1f6: {  	s30 =	sand.u32 $0x7F, s30;
	v25 =	vadd.s32 v7, v25;
	v26 =	vld.idx.msk [tilespmem:v53+s15+$0x0], $0xffff  }
0x1f7: {  	s3 =	sadd.s32 $0x2, s23;
	v27 =	vor.u32 s30, v0  }
0x1f8: {  	v54 =	vmov s3  }
0x1f9: {  	v55 =	vshll.u32 v54, $0x3  }
0x1fa: {  	v28 =	vand.u32 $0x7E, v54;
	v29 =	vand.u32 $0xFFFFFC00, v55  }
0x1fb: {  	[tilespmem:v25+s19+$0x0] =	vst.idx.msk $0xffff, v26;
	v25 =	vor.u32 v28, v29  }
0x1fc: {  	v26 =	vld.idx.msk [tilespmem:v27+s16+$0x0], $0xffff;
	v27 =	vadd.s32 v1, v25  }
0x1fd: {  	v56 =	vor.u32 s30, v2;
	_ =	sdelay $0x3  }
0x1fe: {  	[tilespmem:v27+s19+$0x0] =	vst.idx.msk $0xffff, v26  }
0x1ff: {  	v27 =	vadd.s32 v3, v25;
	v26 =	vld.idx.msk [tilespmem:v56+s16+$0x0], $0xffff  }
0x200: {  	v57 =	vor.u32 s30, v4;
	_ =	sdelay $0x3  }
0x201: {  	[tilespmem:v27+s19+$0x0] =	vst.idx.msk $0xffff, v26  }
0x202: {  	v27 =	vadd.s32 v5, v25;
	v26 =	vld.idx.msk [tilespmem:v57+s16+$0x0], $0xffff  }
0x203: {  	v58 =	vor.u32 s30, v6;
	_ =	sdelay $0x3  }
0x204: {  	[tilespmem:v27+s19+$0x0] =	vst.idx.msk $0xffff, v26  }
0x205: {  	s1 =	sand.u32 $0x7F, s1;
	v25 =	vadd.s32 v7, v25;
	v26 =	vld.idx.msk [tilespmem:v58+s16+$0x0], $0xffff  }
0x206: {  	s30 =	sadd.s32 $0x3, s23;
	v27 =	vor.u32 s1, v0  }
0x207: {  	v59 =	vmov s30  }
0x208: {  	v60 =	vshll.u32 v59, $0x3  }
0x209: {  	v28 =	vand.u32 $0x7F, v59;
	v29 =	vand.u32 $0xFFFFFC00, v60  }
0x20a: {  	[tilespmem:v25+s19+$0x0] =	vst.idx.msk $0xffff, v26;
	v25 =	vor.u32 v28, v29  }
0x20b: {  	v26 =	vld.idx.msk [tilespmem:v27+s17+$0x0], $0xffff;
	v27 =	vadd.s32 v1, v25  }
0x20c: {  	v61 =	vor.u32 s1, v2;
	_ =	sdelay $0x3  }
0x20d: {  	[tilespmem:v27+s19+$0x0] =	vst.idx.msk $0xffff, v26  }
0x20e: {  	v27 =	vadd.s32 v3, v25;
	v26 =	vld.idx.msk [tilespmem:v61+s17+$0x0], $0xffff  }
0x20f: {  	v62 =	vor.u32 s1, v4;
	_ =	sdelay $0x3  }
0x210: {  	[tilespmem:v27+s19+$0x0] =	vst.idx.msk $0xffff, v26  }
0x211: {  	v27 =	vadd.s32 v5, v25;
	v26 =	vld.idx.msk [tilespmem:v62+s17+$0x0], $0xffff  }
0x212: {  	v63 =	vor.u32 s1, v6;
	_ =	sdelay $0x3  }
0x213: {  	[tilespmem:v27+s19+$0x0] =	vst.idx.msk $0xffff, v26  }
0x214: {  	v25 =	vadd.s32 v7, v25;
	v26 =	vld.idx.msk [tilespmem:v63+s17+$0x0], $0xffff  }
.Ltmp5:
0x215: {  	_ = 	snop;
	(pc) =	sbr.rel .LBB2_4-.Ltmp5, $2  }
0x216: {  	_ =	sdelay $0x2  }
0x217: {  	[tilespmem:v25+s19+$0x0] =	vst.idx.msk $0xffff, v26  }
.LBB2_6:
0x218: {  	_ =	sfence.sel $0x180000  }
0x219: {  	[bflag:$0x0] =	sbarrier.arrive $0xFFFF  }
0x21a: {  	_ =	strace $0x90000047  }
0x21b: {  	s0 =	stileid.u32;
	[bflag:$0x2] =	sbarrier.arrive $0xFFFF  }
0x21c: {  	p0 =	sne.s32 s0, $0x0;
	s0 =	rddreg [dreg:$0x3]  }
0x21d: {  	s0 =	sadd.s32 @!p0 $0x100000, s0  }
0x21e: {  	[sflag:s0] =	ssyncadd.tile.s32 @!p0 $0x1;
	_ =	shalt  }
.Lfunc_end2:
_tile_overlayer_lowered:
.L_overlay_start_2:
0x21f: {  	(tag) =	ssettag $0x2  }
0x220: {  	s0 =	rddreg [dreg:$0x0];
	s2 =	stileid.u32  }
0x221: {  	s1 =	rddreg [dreg:$0x1];
	p0 =	sne.s32 s2, $0x0  }
0x222: {  	s3 =	rddreg [dreg:$0x2];
	[bflag:$0x3] =	sbarrier.arrive $0xFFFF;
	s2 =	simm.s32 @!p0 $0x1C02  }
0x223: {  	[timem:s3], [sflag:s2] =	dma.local @!p0 [hbm:s0], s1  }
0x224: {  	s0 =	simm.s32 @!p0 $0x2  }
0x225: {  	_ =	swait.ge @!p0 [sflag:s0], s1  }
0x226: {  	s1 =	ssub.s32 @!p0 $0x0, s1;
	[sflag:s0] =	ssyncset.done @!p0 $0x0  }
0x227: {  	[sflag:s0] =	ssyncadd.s32 @!p0 s1  }
0x228: {  	[bflag:$0x3] =	sbarrier.arrive $0xFFFF  }
0x229: {  	_ =	shalt  }

</sc_bundles>
